<compile_context>
chip_gen: v7x
topology: tpu7x:2x2x1
jax: 0.10.2.dev20260603
libtpu: 0.0.44.dev20260713+nightly
codegen_flags: <defaults>
</compile_context>

<pallas_src>
import functools

import jax
import jax.numpy as jnp
from jax import lax
from jax.experimental import pallas as pl
from jax.experimental.pallas import tpu as pltpu
from jax.experimental.pallas import tpu_sc as plsc

EPS = 1e-4
ALPHA = 4.0
N = 50000
NP = 800000
PS = 3
D = 128
H = 32

NW = 32
CH = 128
CHUNKS = 196
PPW = CH * CHUNKS
NPP = NW * PPW
N_POOL = 50048
RPT = N_POOL // 16
BN = 5000
NB = N // BN



def _tc1_body(f_ref, w_ref, e_ref, lt_ref):
    w2 = w_ref[...].reshape(PS * D, H)
    colnorm = jnp.maximum(jnp.sqrt(jnp.sum(w2 * w2, axis=0, keepdims=True)), EPS)
    wn = w2 / colnorm
    f = f_ref[...]
    inv = lax.rsqrt(jnp.maximum(jnp.sum(f * f, axis=1, keepdims=True), EPS * EPS))
    fn = f * inv
    wj = wn.reshape(PS, D, H)
    for j in range(PS):
        e_ref[j] = jnp.dot(fn, wj[j], preferred_element_type=jnp.float32) * (1.0 / PS)

    @pl.when(pl.program_id(0) == 0)
    def _():
        gram = jnp.exp(
            ALPHA * (lax.dot_general(wn, wn, (((0,), (0,)), ((), ())),
                                     preferred_element_type=jnp.float32) - 1.0))
        c = jnp.sqrt(jnp.sum(gram * gram))
        eye = jnp.eye(H, dtype=jnp.float32)
        y = gram * (1.0 / c)
        z = eye
        for _ in range(24):
            t = 1.5 * eye - 0.5 * jnp.dot(z, y, preferred_element_type=jnp.float32)
            y = jnp.dot(y, t, preferred_element_type=jnp.float32)
            z = jnp.dot(t, z, preferred_element_type=jnp.float32)
        lt_ref[...] = z * lax.rsqrt(c)


_tc1 = pl.pallas_call(
    _tc1_body,
    grid=(NB,),
    in_specs=[
        pl.BlockSpec((BN, D), lambda i: (i, 0)),
        pl.BlockSpec((PS, D, H), lambda i: (0, 0, 0)),
    ],
    out_specs=[
        pl.BlockSpec((PS, BN, H), lambda i: (0, i, 0)),
        pl.BlockSpec((H, H), lambda i: (0, 0)),
    ],
    out_shape=[
        jax.ShapeDtypeStruct((PS, N, H), jnp.float32),
        jax.ShapeDtypeStruct((H, H), jnp.float32),
    ],
)



def _sc_body(e_hbm, g4_hbm, out_hbm,
             b0, b1, r0, r1, pooled, sem_i, sg0, sg1):
    c = lax.axis_index("c")
    s = lax.axis_index("s")
    wid = s * 2 + c
    cbase = wid * CHUNKS

    def zero_row(p, _):
        for h in (0, 16):
            r0[0, p, pl.ds(h, 16)] = jnp.zeros((16,), jnp.float32)
        return 0

    lax.fori_loop(0, CH, zero_row, 0)

    nfull = RPT // CH
    rem = RPT - nfull * CH

    def zero_pool(i, _):
        pltpu.async_copy(r0.at[0], pooled.at[pl.ds(s * RPT + i * CH, CH)], sg1)
        return 0

    lax.fori_loop(0, nfull, zero_pool, 0)
    pltpu.async_copy(r0.at[0, pl.ds(0, rem)],
                     pooled.at[pl.ds(s * RPT + nfull * CH, rem)], sg0)

    def zero_wait(i, _):
        pltpu.make_async_copy(r0.at[0], pooled.at[pl.ds(s * RPT, CH)], sg1).wait()
        return 0

    lax.fori_loop(0, nfull, zero_wait, 0)
    pltpu.make_async_copy(r0.at[0, pl.ds(0, rem)],
                          pooled.at[pl.ds(s * RPT, rem)], sg0).wait()
    plsc.subcore_barrier()

    def fire_gathers(b, r, sg):
        for j in range(PS):
            pltpu.async_copy(e_hbm.at[b.at[j]], r.at[j], sg)

    def drain_gathers(r, sg):
        for j in range(PS):
            pltpu.make_async_copy(e_hbm.at[pl.ds(0, CH)], r.at[j], sg).wait()

    def compute(r):
        def body(pb, _):
            for u in range(4):
                p = pb * 4 + u
                for h in (0, 16):
                    v = (r[0, p, pl.ds(h, 16)] + r[1, p, pl.ds(h, 16)]
                         + r[2, p, pl.ds(h, 16)])
                    r[0, p, pl.ds(h, 16)] = jnp.exp(ALPHA * v - ALPHA)
            return 0

        lax.fori_loop(0, CH // 4, body, 0)

    pltpu.sync_copy(g4_hbm.at[cbase], b0)
    fire_gathers(b0, r0, sg0)
    pltpu.async_copy(g4_hbm.at[cbase + 1], b1, sem_i)

    def step(i, _):
        for u, bc, rc, sgc, bn, rn, sgn in ((0, b0, r0, sg0, b1, r1, sg1),
                                            (1, b1, r1, sg1, b0, r0, sg0)):
            m = 2 * i + u
            drain_gathers(rc, sgc)

            @pl.when(m + 1 < CHUNKS)
            def _():
                pltpu.make_async_copy(g4_hbm.at[cbase], bn, sem_i).wait()
                fire_gathers(bn, rn, sgn)

            compute(rc)
            pltpu.sync_copy(rc.at[0], pooled.at[bc.at[PS]], add=True)

            @pl.when(m + 2 < CHUNKS)
            def _():
                pltpu.async_copy(g4_hbm.at[cbase + m + 2], bc, sem_i)

        return 0

    lax.fori_loop(0, CHUNKS // 2, step, 0)
    plsc.subcore_barrier()
    pltpu.sync_copy(pooled.at[pl.ds(s * RPT, RPT)],
                    out_hbm.at[c, pl.ds(s * RPT, RPT)])


_sc_pool = functools.partial(
    pl.kernel,
    mesh=plsc.VectorSubcoreMesh(core_axis_name="c", subcore_axis_name="s"),
    compiler_params=pltpu.CompilerParams(use_tc_tiling_on_sc=False),
    out_type=jax.ShapeDtypeStruct((2, N_POOL, H), jnp.float32),
    scratch_types=[
        pltpu.VMEM((PS + 1, CH), jnp.int32),
        pltpu.VMEM((PS + 1, CH), jnp.int32),
        pltpu.VMEM((PS, CH, H), jnp.float32),
        pltpu.VMEM((PS, CH, H), jnp.float32),
        pltpu.VMEM_SHARED((N_POOL, H), jnp.float32),
        pltpu.SemaphoreType.DMA,
        pltpu.SemaphoreType.DMA,
        pltpu.SemaphoreType.DMA,
    ],
)(_sc_body)



def _tc2_body(p_ref, ks_ref, lt_ref, o_ref):
    p = p_ref[0] + p_ref[1]
    cnt = jnp.maximum(ks_ref[...], 1).astype(jnp.float32)
    o_ref[...] = jnp.dot(p / cnt, lt_ref[...], preferred_element_type=jnp.float32)


_tc2 = pl.pallas_call(
    _tc2_body,
    grid=(NB,),
    in_specs=[
        pl.BlockSpec((2, BN, H), lambda i: (0, i, 0)),
        pl.BlockSpec((BN, 1), lambda i: (i, 0)),
        pl.BlockSpec((H, H), lambda i: (0, 0)),
    ],
    out_specs=pl.BlockSpec((BN, H), lambda i: (i, 0)),
    out_shape=jax.ShapeDtypeStruct((N, H), jnp.float32),
)



@jax.jit
def kernel(features, paths_indices, kernel_size, weight):
    e3, lintrans = _tc1(features, weight)
    e_flat = e3.reshape(PS * N, H)

    cum = jnp.cumsum(kernel_size)
    z = jnp.zeros((NP,), jnp.int32).at[cum].add(1, mode='drop')
    seg = jnp.cumsum(z)
    segp = jnp.concatenate([seg, jnp.full((NPP - NP,), N, jnp.int32)])
    pad = jnp.zeros((NPP - NP,), jnp.int32)
    gs = [jnp.concatenate([paths_indices[:, j] + j * N, pad]) for j in range(PS)]
    g4 = jnp.stack(gs + [segp], axis=0).reshape(PS + 1, NPP // CH, CH)
    g4 = g4.transpose(1, 0, 2)

    pooled2 = _sc_pool(e_flat, g4)
    return _tc2(pooled2, kernel_size.reshape(N, 1), lintrans)

# --- scband reference (transcript-rebuilt; emitter-appended) ---
"""Pipeline reference for scband-path-layer-1726576857255 (READ-ONLY COPY).

The authoritative reference and input builder live on the scoring server;
editing this copy changes nothing except your own understanding.
"""

import jax, jax.numpy as jnp
import numpy as np

EPS = 1e-4
ALPHA = 4.0  # kernel_args=[0.5] -> 1/0.5**2 for 'exp' kernel
N_NODES = 50000
N_PATHS = 800000
PATH_SIZE = 3
IN_SIZE = 128
HIDDEN = 32


def kappa(x):
    return jnp.exp(ALPHA * (x - 1.0))


def matrix_inverse_sqrt(m):
    e, v = jnp.linalg.eigh(m)
    e = jnp.maximum(e, EPS)
    return (v * (e ** -0.5)) @ v.T


def setup_inputs(seed: int = 0) -> dict:
    key = jax.random.key(seed)
    k1, k2, k3, k4 = jax.random.split(key, 4)
    features = jax.random.normal(k1, (N_NODES, IN_SIZE), dtype=jnp.float32)
    paths_indices = jax.random.randint(k2, (N_PATHS, PATH_SIZE), 0, N_NODES, dtype=jnp.int32)
    kernel_size = jax.random.randint(k3, (N_NODES,), 0, 32, dtype=jnp.int32)
    stdv = 1.0 / np.sqrt(IN_SIZE * PATH_SIZE)
    weight = jax.random.uniform(k4, (PATH_SIZE, IN_SIZE, HIDDEN), dtype=jnp.float32, minval=-stdv, maxval=stdv)
    return {"features": features, "paths_indices": paths_indices, "kernel_size": kernel_size, "weight": weight}


def _forward(features, weight, paths_indices, kernel_size):
    # normalize filters column-wise (PathLayer.normalize_)
    w2 = weight.reshape(-1, HIDDEN)
    colnorm = jnp.maximum(jnp.linalg.norm(w2, axis=0), EPS)
    w = weight / colnorm
    w2 = w.reshape(-1, HIDDEN)
    # normalize node features
    norms = jnp.maximum(jnp.linalg.norm(features, axis=-1, keepdims=True), EPS)
    feats = features / norms
    # per-node, per-path-position projection onto filters
    embeded = jnp.einsum('nd,pdh->nph', feats, w) / PATH_SIZE  # n x path_size x hidden
    # path conv (gckn path_conv_forward): sum over path positions of gathered embeddings
    conv = embeded[paths_indices[:, 0], 0, :]
    for j in range(1, PATH_SIZE):
        conv = conv + embeded[paths_indices[:, j], j, :]
    kap = kappa(conv)  # n_paths x hidden
    # dpooling mean: kernel_size gives #paths per node; boundaries via cumsum
    cum = jnp.cumsum(kernel_size)
    seg = jnp.searchsorted(cum, jnp.arange(N_PATHS), side='right')
    valid = seg < N_NODES
    seg_safe = jnp.where(valid, seg, 0)
    vals = jnp.where(valid[:, None], kap, 0.0)
    pooled = jax.ops.segment_sum(vals, seg_safe, num_segments=N_NODES)
    counts = jnp.maximum(kernel_size, 1).astype(jnp.float32)
    pooled = pooled / counts[:, None]
    # lintrans = kappa(W^T W)^{-1/2}
    gram = kappa(w2.T @ w2)
    lintrans = matrix_inverse_sqrt(gram)
    return pooled @ lintrans


def reference(features, paths_indices, kernel_size, weight):
    return _forward(features, weight, paths_indices, kernel_size)

if __name__ == "__main__":
    import jax
    _d = setup_inputs()
    print(jax.jit(kernel)(*tuple(_d.values())))

</pallas_src>

<mosaic_0001>
#map = affine_map<(d0, d1) -> (0, 0)>
#map1 = affine_map<(d0, d1) -> (0, 0, 0)>
module attributes {stable_mosaic.version = 14 : i64} {
  func.func @_sc_body(%arg0: i32, %arg1: i32, %arg2: memref<150000x32xf32, #tpu.memory_space<hbm>>, %arg3: memref<6272x4x128xi32, #tpu.memory_space<hbm>>, %arg4: memref<2x50048x32xf32, #tpu.memory_space<hbm>>, %arg5: memref<4x128xi32, #tpu.memory_space<vmem>>, %arg6: memref<4x128xi32, #tpu.memory_space<vmem>>, %arg7: memref<3x128x32xf32, #tpu.memory_space<vmem>>, %arg8: memref<3x128x32xf32, #tpu.memory_space<vmem>>, %arg9: memref<50048x32xf32, #tpu.memory_space<vmem_shared>>, %arg10: memref<!tpu.dma_semaphore, #tpu.memory_space<semaphore_mem>>, %arg11: memref<!tpu.dma_semaphore, #tpu.memory_space<semaphore_mem>>, %arg12: memref<!tpu.dma_semaphore, #tpu.memory_space<semaphore_mem>>) attributes {dimension_semantics = [#tpu.dimension_semantics<core_parallel>, #tpu.dimension_semantics<subcore_parallel>], iteration_bounds = array<i64: 2, 16>, scalar_prefetch = 0 : i64, scratch_operands = 8 : i64, tpu.core_type = #tpu.core_type<sc_vector_subcore>, window_params = [{transform_indices = #map}, {transform_indices = #map1}, {transform_indices = #map1}]} {
    %mul3A = arith.constant 2 : i32
    %mul3A_0 = arith.muli %arg1, %mul3A : i32
    %add3A = arith.addi %mul3A_0, %arg0 : i32
    %mul3A_1 = arith.constant 196 : i32
    %mul3A_2 = arith.muli %add3A, %mul3A_1 : i32
    %scan3A = arith.constant 0 : i32
    %scan3A_3 = arith.constant 0 : i32
    %scan3A_4 = arith.constant 128 : i32
    %scan3A_5 = arith.addi %scan3A_3, %scan3A_4 : i32
    %scan3A_6 = arith.constant 1 : i32
    %scan3A_7 = scf.for %scan3A_111 = %scan3A_3 to %scan3A_5 step %scan3A_6 iter_args(%scan3A_112 = %scan3A) -> (i32)  : i32 {
      %broadcast_in_dim3A = arith.constant 0.000000e+00 : f32
      %broadcast_in_dim3A_113 = vector.broadcast %broadcast_in_dim3A : f32 to vector<16xf32>
      %swap3A = arith.constant 0 : i32
      %swap3A_114 = arith.index_cast %swap3A : i32 to index
      %swap3A_115 = arith.index_cast %scan3A_111 : i32 to index
      %swap3A_116 = arith.constant 0 : index
      %swap3A_117 = tpu.vector_load %arg7[%swap3A_114, %swap3A_115, %swap3A_116] {strides = array<i32>} : memref<3x128x32xf32, #tpu.memory_space<vmem>>, vector<1x1x16xf32>,
      %swap3A_118 = vector.shape_cast %swap3A_117 : vector<1x1x16xf32> to vector<16xf32>
      %swap3A_119 = vector.shape_cast %broadcast_in_dim3A_113 : vector<16xf32> to vector<1x1x16xf32>
      tpu.vector_store %arg7[%swap3A_114, %swap3A_115, %swap3A_116], %swap3A_119 {strides = array<i32>} : memref<3x128x32xf32, #tpu.memory_space<vmem>>, vector<1x1x16xf32>,
      %broadcast_in_dim3A_120 = arith.constant 0.000000e+00 : f32
      %broadcast_in_dim3A_121 = vector.broadcast %broadcast_in_dim3A_120 : f32 to vector<16xf32>
      %swap3A_122 = arith.constant 0 : i32
      %swap3A_123 = arith.index_cast %swap3A_122 : i32 to index
      %swap3A_124 = arith.index_cast %scan3A_111 : i32 to index
      %swap3A_125 = arith.constant 16 : index
      %swap3A_126 = tpu.vector_load %arg7[%swap3A_123, %swap3A_124, %swap3A_125] {strides = array<i32>} : memref<3x128x32xf32, #tpu.memory_space<vmem>>, vector<1x1x16xf32>,
      %swap3A_127 = vector.shape_cast %swap3A_126 : vector<1x1x16xf32> to vector<16xf32>
      %swap3A_128 = vector.shape_cast %broadcast_in_dim3A_121 : vector<16xf32> to vector<1x1x16xf32>
      tpu.vector_store %arg7[%swap3A_123, %swap3A_124, %swap3A_125], %swap3A_128 {strides = array<i32>} : memref<3x128x32xf32, #tpu.memory_space<vmem>>, vector<1x1x16xf32>,
      %scan3A_129 = arith.constant 0 : i32
      scf.yield %scan3A_129 : i32
    }
    %scan3A_8 = arith.constant 128 : i32
    %scan3A_9 = arith.constant 0 : i32
    %scan3A_10 = arith.constant 0 : i32
    %scan3A_11 = arith.constant 24 : i32
    %scan3A_12 = arith.addi %scan3A_10, %scan3A_11 : i32
    %scan3A_13 = arith.constant 1 : i32
    %scan3A_14 = scf.for %scan3A_111 = %scan3A_10 to %scan3A_12 step %scan3A_13 iter_args(%scan3A_112 = %scan3A_9) -> (i32)  : i32 {
      %mul3A_113 = arith.constant 3128 : i32
      %mul3A_114 = arith.muli %arg1, %mul3A_113 : i32
      %mul3A_115 = arith.constant 128 : i32
      %mul3A_116 = arith.muli %scan3A_111, %mul3A_115 : i32
      %add3A_117 = arith.addi %mul3A_114, %mul3A_116 : i32
      %dma_start3A_118 = arith.constant 0 : i32
      %dma_start3A_119 = arith.constant 0 : i32
      %dma_start3A_120 = arith.constant 0 : i32
      %dma_start3A_121 = tpu.memref_slice %arg7[%dma_start3A_118, %dma_start3A_119, %dma_start3A_120] : memref<3x128x32xf32, #tpu.memory_space<vmem>> -> memref<1x128x32xf32, #tpu.memory_space<vmem>>
      %dma_start3A_122 = tpu.memref_squeeze %dma_start3A_121 : memref<1x128x32xf32, #tpu.memory_space<vmem>> -> memref<128x32xf32, #tpu.memory_space<vmem>>
      %dma_start3A_123 = arith.constant 0 : i32
      %dma_start3A_124 = tpu.memref_slice %arg9[%add3A_117, %dma_start3A_123] : memref<50048x32xf32, #tpu.memory_space<vmem_shared>> -> memref<128x32xf32, #tpu.memory_space<vmem_shared>>
      %dma_start3A_125 = arith.constant 0 : i32
      %dma_start3A_126 = tpu.memref_slice %arg9[%add3A_117, %dma_start3A_125] : memref<50048x32xf32, #tpu.memory_space<vmem_shared>> -> memref<128x32xf32, #tpu.memory_space<vmem_shared>>
      %dma_start3A_127 = arith.constant 0 : i32
      %dma_start3A_128 = arith.constant 0 : i32
      %dma_start3A_129 = tpu.memref_slice %arg7[%dma_start3A_118, %dma_start3A_127, %dma_start3A_128] : memref<3x128x32xf32, #tpu.memory_space<vmem>> -> memref<1x128x32xf32, #tpu.memory_space<vmem>>
      %dma_start3A_130 = tpu.memref_squeeze %dma_start3A_129 : memref<1x128x32xf32, #tpu.memory_space<vmem>> -> memref<128x32xf32, #tpu.memory_space<vmem>>
      tpu.enqueue_dma source(%dma_start3A_130 : memref<128x32xf32, #tpu.memory_space<vmem>>) target(%dma_start3A_126 : memref<128x32xf32, #tpu.memory_space<vmem_shared>>) target_semaphore(%arg12 : memref<!tpu.dma_semaphore, #tpu.memory_space<semaphore_mem>>)
      %scan3A_131 = arith.constant 0 : i32
      scf.yield %scan3A_131 : i32
    }
    %scan3A_15 = arith.constant 24 : i32
    %mul3A_16 = arith.constant 3128 : i32
    %mul3A_17 = arith.muli %arg1, %mul3A_16 : i32
    %add3A_18 = arith.constant 3072 : i32
    %add3A_19 = arith.addi %mul3A_17, %add3A_18 : i32
    %dma_start3A = arith.constant 0 : i32
    %dma_start3A_20 = arith.constant 0 : i32
    %dma_start3A_21 = arith.constant 0 : i32
    %dma_start3A_22 = tpu.memref_slice %arg7[%dma_start3A, %dma_start3A_20, %dma_start3A_21] : memref<3x128x32xf32, #tpu.memory_space<vmem>> -> memref<1x56x32xf32, #tpu.memory_space<vmem>>
    %dma_start3A_23 = tpu.memref_squeeze %dma_start3A_22 : memref<1x56x32xf32, #tpu.memory_space<vmem>> -> memref<56x32xf32, #tpu.memory_space<vmem>>
    %dma_start3A_24 = arith.constant 0 : i32
    %dma_start3A_25 = tpu.memref_slice %arg9[%add3A_19, %dma_start3A_24] : memref<50048x32xf32, #tpu.memory_space<vmem_shared>> -> memref<56x32xf32, #tpu.memory_space<vmem_shared>>
    %dma_start3A_26 = arith.constant 0 : i32
    %dma_start3A_27 = tpu.memref_slice %arg9[%add3A_19, %dma_start3A_26] : memref<50048x32xf32, #tpu.memory_space<vmem_shared>> -> memref<56x32xf32, #tpu.memory_space<vmem_shared>>
    %dma_start3A_28 = arith.constant 0 : i32
    %dma_start3A_29 = arith.constant 0 : i32
    %dma_start3A_30 = tpu.memref_slice %arg7[%dma_start3A, %dma_start3A_28, %dma_start3A_29] : memref<3x128x32xf32, #tpu.memory_space<vmem>> -> memref<1x56x32xf32, #tpu.memory_space<vmem>>
    %dma_start3A_31 = tpu.memref_squeeze %dma_start3A_30 : memref<1x56x32xf32, #tpu.memory_space<vmem>> -> memref<56x32xf32, #tpu.memory_space<vmem>>
    tpu.enqueue_dma source(%dma_start3A_31 : memref<56x32xf32, #tpu.memory_space<vmem>>) target(%dma_start3A_27 : memref<56x32xf32, #tpu.memory_space<vmem_shared>>) target_semaphore(%arg11 : memref<!tpu.dma_semaphore, #tpu.memory_space<semaphore_mem>>)
    %scan3A_32 = arith.constant 0 : i32
    %scan3A_33 = arith.constant 0 : i32
    %scan3A_34 = arith.constant 24 : i32
    %scan3A_35 = arith.addi %scan3A_33, %scan3A_34 : i32
    %scan3A_36 = arith.constant 1 : i32
    %scan3A_37 = scf.for %scan3A_111 = %scan3A_33 to %scan3A_35 step %scan3A_36 iter_args(%scan3A_112 = %scan3A_32) -> (i32)  : i32 {
      %mul3A_113 = arith.constant 3128 : i32
      %mul3A_114 = arith.muli %arg1, %mul3A_113 : i32
      %dma_wait3A_115 = arith.constant 0 : i32
      %dma_wait3A_116 = arith.constant 0 : i32
      %dma_wait3A_117 = arith.constant 0 : i32
      %dma_wait3A_118 = tpu.memref_slice %arg7[%dma_wait3A_115, %dma_wait3A_116, %dma_wait3A_117] : memref<3x128x32xf32, #tpu.memory_space<vmem>> -> memref<1x128x32xf32, #tpu.memory_space<vmem>>
      %dma_wait3A_119 = tpu.memref_squeeze %dma_wait3A_118 : memref<1x128x32xf32, #tpu.memory_space<vmem>> -> memref<128x32xf32, #tpu.memory_space<vmem>>
      %dma_wait3A_120 = arith.constant 0 : i32
      %dma_wait3A_121 = tpu.memref_slice %arg9[%mul3A_114, %dma_wait3A_120] : memref<50048x32xf32, #tpu.memory_space<vmem_shared>> -> memref<128x32xf32, #tpu.memory_space<vmem_shared>>
      %dma_wait3A_122 = arith.constant 0 : i32
      %dma_wait3A_123 = tpu.memref_slice %arg9[%mul3A_114, %dma_wait3A_122] : memref<50048x32xf32, #tpu.memory_space<vmem_shared>> -> memref<128x32xf32, #tpu.memory_space<vmem_shared>>
      %dma_wait3A_124 = arith.constant 0 : i32
      %dma_wait3A_125 = arith.constant 0 : i32
      %dma_wait3A_126 = tpu.memref_slice %arg7[%dma_wait3A_115, %dma_wait3A_124, %dma_wait3A_125] : memref<3x128x32xf32, #tpu.memory_space<vmem>> -> memref<1x128x32xf32, #tpu.memory_space<vmem>>
      %dma_wait3A_127 = tpu.memref_squeeze %dma_wait3A_126 : memref<1x128x32xf32, #tpu.memory_space<vmem>> -> memref<128x32xf32, #tpu.memory_space<vmem>>
      tpu.wait_dma2 semaphore(%arg12 : memref<!tpu.dma_semaphore, #tpu.memory_space<semaphore_mem>>) src(%dma_wait3A_127 : memref<128x32xf32, #tpu.memory_space<vmem>>) dst(%dma_wait3A_123 : memref<128x32xf32, #tpu.memory_space<vmem_shared>>)
      %scan3A_128 = arith.constant 0 : i32
      scf.yield %scan3A_128 : i32
    }
    %scan3A_38 = arith.constant 24 : i32
    %mul3A_39 = arith.constant 3128 : i32
    %mul3A_40 = arith.muli %arg1, %mul3A_39 : i32
    %dma_wait3A = arith.constant 0 : i32
    %dma_wait3A_41 = arith.constant 0 : i32
    %dma_wait3A_42 = arith.constant 0 : i32
    %dma_wait3A_43 = tpu.memref_slice %arg7[%dma_wait3A, %dma_wait3A_41, %dma_wait3A_42] : memref<3x128x32xf32, #tpu.memory_space<vmem>> -> memref<1x56x32xf32, #tpu.memory_space<vmem>>
    %dma_wait3A_44 = tpu.memref_squeeze %dma_wait3A_43 : memref<1x56x32xf32, #tpu.memory_space<vmem>> -> memref<56x32xf32, #tpu.memory_space<vmem>>
    %dma_wait3A_45 = arith.constant 0 : i32
    %dma_wait3A_46 = tpu.memref_slice %arg9[%mul3A_40, %dma_wait3A_45] : memref<50048x32xf32, #tpu.memory_space<vmem_shared>> -> memref<56x32xf32, #tpu.memory_space<vmem_shared>>
    %dma_wait3A_47 = arith.constant 0 : i32
    %dma_wait3A_48 = tpu.memref_slice %arg9[%mul3A_40, %dma_wait3A_47] : memref<50048x32xf32, #tpu.memory_space<vmem_shared>> -> memref<56x32xf32, #tpu.memory_space<vmem_shared>>
    %dma_wait3A_49 = arith.constant 0 : i32
    %dma_wait3A_50 = arith.constant 0 : i32
    %dma_wait3A_51 = tpu.memref_slice %arg7[%dma_wait3A, %dma_wait3A_49, %dma_wait3A_50] : memref<3x128x32xf32, #tpu.memory_space<vmem>> -> memref<1x56x32xf32, #tpu.memory_space<vmem>>
    %dma_wait3A_52 = tpu.memref_squeeze %dma_wait3A_51 : memref<1x56x32xf32, #tpu.memory_space<vmem>> -> memref<56x32xf32, #tpu.memory_space<vmem>>
    tpu.wait_dma2 semaphore(%arg11 : memref<!tpu.dma_semaphore, #tpu.memory_space<semaphore_mem>>) src(%dma_wait3A_52 : memref<56x32xf32, #tpu.memory_space<vmem>>) dst(%dma_wait3A_48 : memref<56x32xf32, #tpu.memory_space<vmem_shared>>)
    %barrier3A = arith.constant 0 : index
    tpu.barrier barrier_id(%barrier3A)
    "tpu.region"() ({
      %run_scoped3A = tpu.sem_alloc : memref<!tpu.dma_semaphore, #tpu.memory_space<semaphore_mem>>
      %dma_start3A_111 = arith.constant 0 : i32
      %dma_start3A_112 = arith.constant 0 : i32
      %dma_start3A_113 = tpu.memref_slice %arg3[%mul3A_2, %dma_start3A_111, %dma_start3A_112] : memref<6272x4x128xi32, #tpu.memory_space<hbm>> -> memref<1x4x128xi32, #tpu.memory_space<hbm>>
      %dma_start3A_114 = tpu.memref_squeeze %dma_start3A_113 : memref<1x4x128xi32, #tpu.memory_space<hbm>> -> memref<4x128xi32, #tpu.memory_space<hbm>>
      %dma_start3A_115 = arith.constant 0 : i32
      %dma_start3A_116 = arith.constant 0 : i32
      %dma_start3A_117 = tpu.memref_slice %arg3[%mul3A_2, %dma_start3A_115, %dma_start3A_116] : memref<6272x4x128xi32, #tpu.memory_space<hbm>> -> memref<1x4x128xi32, #tpu.memory_space<hbm>>
      %dma_start3A_118 = tpu.memref_squeeze %dma_start3A_117 : memref<1x4x128xi32, #tpu.memory_space<hbm>> -> memref<4x128xi32, #tpu.memory_space<hbm>>
      tpu.enqueue_dma source(%dma_start3A_118 : memref<4x128xi32, #tpu.memory_space<hbm>>) target(%arg5 : memref<4x128xi32, #tpu.memory_space<vmem>>) target_semaphore(%run_scoped3A : memref<!tpu.dma_semaphore, #tpu.memory_space<semaphore_mem>>)
      %dma_wait3A_119 = arith.constant 0 : i32
      %dma_wait3A_120 = arith.constant 0 : i32
      %dma_wait3A_121 = tpu.memref_slice %arg3[%mul3A_2, %dma_wait3A_119, %dma_wait3A_120] : memref<6272x4x128xi32, #tpu.memory_space<hbm>> -> memref<1x4x128xi32, #tpu.memory_space<hbm>>
      %dma_wait3A_122 = tpu.memref_squeeze %dma_wait3A_121 : memref<1x4x128xi32, #tpu.memory_space<hbm>> -> memref<4x128xi32, #tpu.memory_space<hbm>>
      %dma_wait3A_123 = arith.constant 0 : i32
      %dma_wait3A_124 = arith.constant 0 : i32
      %dma_wait3A_125 = tpu.memref_slice %arg3[%mul3A_2, %dma_wait3A_123, %dma_wait3A_124] : memref<6272x4x128xi32, #tpu.memory_space<hbm>> -> memref<1x4x128xi32, #tpu.memory_space<hbm>>
      %dma_wait3A_126 = tpu.memref_squeeze %dma_wait3A_125 : memref<1x4x128xi32, #tpu.memory_space<hbm>> -> memref<4x128xi32, #tpu.memory_space<hbm>>
      tpu.wait_dma2 semaphore(%run_scoped3A : memref<!tpu.dma_semaphore, #tpu.memory_space<semaphore_mem>>) src(%dma_wait3A_126 : memref<4x128xi32, #tpu.memory_space<hbm>>) dst(%arg5 : memref<4x128xi32, #tpu.memory_space<vmem>>)
      tpu.yield
    }) : () -> ()
    %dma_start3A_53 = arith.constant 0 : i32
    %dma_start3A_54 = arith.constant 0 : i32
    %dma_start3A_55 = arith.constant 0 : i32
    %dma_start3A_56 = arith.constant 0 : i32
    %dma_start3A_57 = tpu.memref_slice %arg7[%dma_start3A_54, %dma_start3A_55, %dma_start3A_56] : memref<3x128x32xf32, #tpu.memory_space<vmem>> -> memref<1x128x32xf32, #tpu.memory_space<vmem>>
    %dma_start3A_58 = tpu.memref_squeeze %dma_start3A_57 : memref<1x128x32xf32, #tpu.memory_space<vmem>> -> memref<128x32xf32, #tpu.memory_space<vmem>>
    %dma_start3A_59 = arith.constant 0 : i32
    %dma_start3A_60 = tpu.memref_slice %arg5[%dma_start3A_53, %dma_start3A_59] : memref<4x128xi32, #tpu.memory_space<vmem>> -> memref<1x128xi32, #tpu.memory_space<vmem>>
    %dma_start3A_61 = tpu.memref_squeeze %dma_start3A_60 : memref<1x128xi32, #tpu.memory_space<vmem>> -> memref<128xi32, #tpu.memory_space<vmem>>
    %dma_start3A_62 = arith.constant 0 : i32
    %dma_start3A_63 = arith.constant 0 : i32
    %dma_start3A_64 = tpu.memref_slice %arg2[%dma_start3A_62, %dma_start3A_63] : memref<150000x32xf32, #tpu.memory_space<hbm>> -> memref<150000x32xf32, #tpu.memory_space<hbm>>
    tpu.enqueue_indirect_dma source(%dma_start3A_64 : memref<150000x32xf32, #tpu.memory_space<hbm>>) target(%dma_start3A_58 : memref<128x32xf32, #tpu.memory_space<vmem>>) offsets(%dma_start3A_61 : memref<128xi32, #tpu.memory_space<vmem>>) semaphore(%arg11 : memref<!tpu.dma_semaphore, #tpu.memory_space<semaphore_mem>>)
    %dma_start3A_65 = arith.constant 1 : i32
    %dma_start3A_66 = arith.constant 1 : i32
    %dma_start3A_67 = arith.constant 0 : i32
    %dma_start3A_68 = arith.constant 0 : i32
    %dma_start3A_69 = tpu.memref_slice %arg7[%dma_start3A_66, %dma_start3A_67, %dma_start3A_68] : memref<3x128x32xf32, #tpu.memory_space<vmem>> -> memref<1x128x32xf32, #tpu.memory_space<vmem>>
    %dma_start3A_70 = tpu.memref_squeeze %dma_start3A_69 : memref<1x128x32xf32, #tpu.memory_space<vmem>> -> memref<128x32xf32, #tpu.memory_space<vmem>>
    %dma_start3A_71 = arith.constant 0 : i32
    %dma_start3A_72 = tpu.memref_slice %arg5[%dma_start3A_65, %dma_start3A_71] : memref<4x128xi32, #tpu.memory_space<vmem>> -> memref<1x128xi32, #tpu.memory_space<vmem>>
    %dma_start3A_73 = tpu.memref_squeeze %dma_start3A_72 : memref<1x128xi32, #tpu.memory_space<vmem>> -> memref<128xi32, #tpu.memory_space<vmem>>
    %dma_start3A_74 = arith.constant 0 : i32
    %dma_start3A_75 = arith.constant 0 : i32
    %dma_start3A_76 = tpu.memref_slice %arg2[%dma_start3A_74, %dma_start3A_75] : memref<150000x32xf32, #tpu.memory_space<hbm>> -> memref<150000x32xf32, #tpu.memory_space<hbm>>
    tpu.enqueue_indirect_dma source(%dma_start3A_76 : memref<150000x32xf32, #tpu.memory_space<hbm>>) target(%dma_start3A_70 : memref<128x32xf32, #tpu.memory_space<vmem>>) offsets(%dma_start3A_73 : memref<128xi32, #tpu.memory_space<vmem>>) semaphore(%arg11 : memref<!tpu.dma_semaphore, #tpu.memory_space<semaphore_mem>>)
    %dma_start3A_77 = arith.constant 2 : i32
    %dma_start3A_78 = arith.constant 2 : i32
    %dma_start3A_79 = arith.constant 0 : i32
    %dma_start3A_80 = arith.constant 0 : i32
    %dma_start3A_81 = tpu.memref_slice %arg7[%dma_start3A_78, %dma_start3A_79, %dma_start3A_80] : memref<3x128x32xf32, #tpu.memory_space<vmem>> -> memref<1x128x32xf32, #tpu.memory_space<vmem>>
    %dma_start3A_82 = tpu.memref_squeeze %dma_start3A_81 : memref<1x128x32xf32, #tpu.memory_space<vmem>> -> memref<128x32xf32, #tpu.memory_space<vmem>>
    %dma_start3A_83 = arith.constant 0 : i32
    %dma_start3A_84 = tpu.memref_slice %arg5[%dma_start3A_77, %dma_start3A_83] : memref<4x128xi32, #tpu.memory_space<vmem>> -> memref<1x128xi32, #tpu.memory_space<vmem>>
    %dma_start3A_85 = tpu.memref_squeeze %dma_start3A_84 : memref<1x128xi32, #tpu.memory_space<vmem>> -> memref<128xi32, #tpu.memory_space<vmem>>
    %dma_start3A_86 = arith.constant 0 : i32
    %dma_start3A_87 = arith.constant 0 : i32
    %dma_start3A_88 = tpu.memref_slice %arg2[%dma_start3A_86, %dma_start3A_87] : memref<150000x32xf32, #tpu.memory_space<hbm>> -> memref<150000x32xf32, #tpu.memory_space<hbm>>
    tpu.enqueue_indirect_dma source(%dma_start3A_88 : memref<150000x32xf32, #tpu.memory_space<hbm>>) target(%dma_start3A_82 : memref<128x32xf32, #tpu.memory_space<vmem>>) offsets(%dma_start3A_85 : memref<128xi32, #tpu.memory_space<vmem>>) semaphore(%arg11 : memref<!tpu.dma_semaphore, #tpu.memory_space<semaphore_mem>>)
    %add3A_89 = arith.constant 1 : i32
    %add3A_90 = arith.addi %mul3A_2, %add3A_89 : i32
    %dma_start3A_91 = arith.constant 0 : i32
    %dma_start3A_92 = arith.constant 0 : i32
    %dma_start3A_93 = tpu.memref_slice %arg3[%add3A_90, %dma_start3A_91, %dma_start3A_92] : memref<6272x4x128xi32, #tpu.memory_space<hbm>> -> memref<1x4x128xi32, #tpu.memory_space<hbm>>
    %dma_start3A_94 = tpu.memref_squeeze %dma_start3A_93 : memref<1x4x128xi32, #tpu.memory_space<hbm>> -> memref<4x128xi32, #tpu.memory_space<hbm>>
    %dma_start3A_95 = arith.constant 0 : i32
    %dma_start3A_96 = arith.constant 0 : i32
    %dma_start3A_97 = tpu.memref_slice %arg3[%add3A_90, %dma_start3A_95, %dma_start3A_96] : memref<6272x4x128xi32, #tpu.memory_space<hbm>> -> memref<1x4x128xi32, #tpu.memory_space<hbm>>
    %dma_start3A_98 = tpu.memref_squeeze %dma_start3A_97 : memref<1x4x128xi32, #tpu.memory_space<hbm>> -> memref<4x128xi32, #tpu.memory_space<hbm>>
    tpu.enqueue_dma source(%dma_start3A_98 : memref<4x128xi32, #tpu.memory_space<hbm>>) target(%arg6 : memref<4x128xi32, #tpu.memory_space<vmem>>) target_semaphore(%arg10 : memref<!tpu.dma_semaphore, #tpu.memory_space<semaphore_mem>>)
    %scan3A_99 = arith.constant 0 : i32
    %scan3A_100 = arith.constant 0 : i32
    %scan3A_101 = arith.constant 98 : i32
    %scan3A_102 = arith.addi %scan3A_100, %scan3A_101 : i32
    %scan3A_103 = arith.constant 1 : i32
    %scan3A_104 = scf.for %scan3A_111 = %scan3A_100 to %scan3A_102 step %scan3A_103 iter_args(%scan3A_112 = %scan3A_99) -> (i32)  : i32 {
      %mul3A_113 = arith.constant 2 : i32
      %mul3A_114 = arith.muli %mul3A_113, %scan3A_111 : i32
      %add3A_115 = arith.constant 0 : i32
      %add3A_116 = arith.addi %mul3A_114, %add3A_115 : i32
      %dma_wait3A_117 = arith.constant 0 : i32
      %dma_wait3A_118 = arith.constant 0 : i32
      %dma_wait3A_119 = arith.constant 0 : i32
      %dma_wait3A_120 = tpu.memref_slice %arg7[%dma_wait3A_117, %dma_wait3A_118, %dma_wait3A_119] : memref<3x128x32xf32, #tpu.memory_space<vmem>> -> memref<1x128x32xf32, #tpu.memory_space<vmem>>
      %dma_wait3A_121 = tpu.memref_squeeze %dma_wait3A_120 : memref<1x128x32xf32, #tpu.memory_space<vmem>> -> memref<128x32xf32, #tpu.memory_space<vmem>>
      %dma_wait3A_122 = arith.constant 0 : i32
      %dma_wait3A_123 = arith.constant 0 : i32
      %dma_wait3A_124 = tpu.memref_slice %arg2[%dma_wait3A_122, %dma_wait3A_123] : memref<150000x32xf32, #tpu.memory_space<hbm>> -> memref<128x32xf32, #tpu.memory_space<hbm>>
      %dma_wait3A_125 = arith.constant 0 : i32
      %dma_wait3A_126 = arith.constant 0 : i32
      %dma_wait3A_127 = tpu.memref_slice %arg7[%dma_wait3A_117, %dma_wait3A_125, %dma_wait3A_126] : memref<3x128x32xf32, #tpu.memory_space<vmem>> -> memref<1x128x32xf32, #tpu.memory_space<vmem>>
      %dma_wait3A_128 = tpu.memref_squeeze %dma_wait3A_127 : memref<1x128x32xf32, #tpu.memory_space<vmem>> -> memref<128x32xf32, #tpu.memory_space<vmem>>
      %dma_wait3A_129 = arith.constant 0 : i32
      %dma_wait3A_130 = arith.constant 0 : i32
      %dma_wait3A_131 = tpu.memref_slice %arg2[%dma_wait3A_129, %dma_wait3A_130] : memref<150000x32xf32, #tpu.memory_space<hbm>> -> memref<128x32xf32, #tpu.memory_space<hbm>>
      tpu.wait_dma2 semaphore(%arg11 : memref<!tpu.dma_semaphore, #tpu.memory_space<semaphore_mem>>) src(%dma_wait3A_131 : memref<128x32xf32, #tpu.memory_space<hbm>>) dst(%dma_wait3A_128 : memref<128x32xf32, #tpu.memory_space<vmem>>)
      %dma_wait3A_132 = arith.constant 1 : i32
      %dma_wait3A_133 = arith.constant 0 : i32
      %dma_wait3A_134 = arith.constant 0 : i32
      %dma_wait3A_135 = tpu.memref_slice %arg7[%dma_wait3A_132, %dma_wait3A_133, %dma_wait3A_134] : memref<3x128x32xf32, #tpu.memory_space<vmem>> -> memref<1x128x32xf32, #tpu.memory_space<vmem>>
      %dma_wait3A_136 = tpu.memref_squeeze %dma_wait3A_135 : memref<1x128x32xf32, #tpu.memory_space<vmem>> -> memref<128x32xf32, #tpu.memory_space<vmem>>
      %dma_wait3A_137 = arith.constant 0 : i32
      %dma_wait3A_138 = arith.constant 0 : i32
      %dma_wait3A_139 = tpu.memref_slice %arg2[%dma_wait3A_137, %dma_wait3A_138] : memref<150000x32xf32, #tpu.memory_space<hbm>> -> memref<128x32xf32, #tpu.memory_space<hbm>>
      %dma_wait3A_140 = arith.constant 0 : i32
      %dma_wait3A_141 = arith.constant 0 : i32
      %dma_wait3A_142 = tpu.memref_slice %arg7[%dma_wait3A_132, %dma_wait3A_140, %dma_wait3A_141] : memref<3x128x32xf32, #tpu.memory_space<vmem>> -> memref<1x128x32xf32, #tpu.memory_space<vmem>>
      %dma_wait3A_143 = tpu.memref_squeeze %dma_wait3A_142 : memref<1x128x32xf32, #tpu.memory_space<vmem>> -> memref<128x32xf32, #tpu.memory_space<vmem>>
      %dma_wait3A_144 = arith.constant 0 : i32
      %dma_wait3A_145 = arith.constant 0 : i32
      %dma_wait3A_146 = tpu.memref_slice %arg2[%dma_wait3A_144, %dma_wait3A_145] : memref<150000x32xf32, #tpu.memory_space<hbm>> -> memref<128x32xf32, #tpu.memory_space<hbm>>
      tpu.wait_dma2 semaphore(%arg11 : memref<!tpu.dma_semaphore, #tpu.memory_space<semaphore_mem>>) src(%dma_wait3A_146 : memref<128x32xf32, #tpu.memory_space<hbm>>) dst(%dma_wait3A_143 : memref<128x32xf32, #tpu.memory_space<vmem>>)
      %dma_wait3A_147 = arith.constant 2 : i32
      %dma_wait3A_148 = arith.constant 0 : i32
      %dma_wait3A_149 = arith.constant 0 : i32
      %dma_wait3A_150 = tpu.memref_slice %arg7[%dma_wait3A_147, %dma_wait3A_148, %dma_wait3A_149] : memref<3x128x32xf32, #tpu.memory_space<vmem>> -> memref<1x128x32xf32, #tpu.memory_space<vmem>>
      %dma_wait3A_151 = tpu.memref_squeeze %dma_wait3A_150 : memref<1x128x32xf32, #tpu.memory_space<vmem>> -> memref<128x32xf32, #tpu.memory_space<vmem>>
      %dma_wait3A_152 = arith.constant 0 : i32
      %dma_wait3A_153 = arith.constant 0 : i32
      %dma_wait3A_154 = tpu.memref_slice %arg2[%dma_wait3A_152, %dma_wait3A_153] : memref<150000x32xf32, #tpu.memory_space<hbm>> -> memref<128x32xf32, #tpu.memory_space<hbm>>
      %dma_wait3A_155 = arith.constant 0 : i32
      %dma_wait3A_156 = arith.constant 0 : i32
      %dma_wait3A_157 = tpu.memref_slice %arg7[%dma_wait3A_147, %dma_wait3A_155, %dma_wait3A_156] : memref<3x128x32xf32, #tpu.memory_space<vmem>> -> memref<1x128x32xf32, #tpu.memory_space<vmem>>
      %dma_wait3A_158 = tpu.memref_squeeze %dma_wait3A_157 : memref<1x128x32xf32, #tpu.memory_space<vmem>> -> memref<128x32xf32, #tpu.memory_space<vmem>>
      %dma_wait3A_159 = arith.constant 0 : i32
      %dma_wait3A_160 = arith.constant 0 : i32
      %dma_wait3A_161 = tpu.memref_slice %arg2[%dma_wait3A_159, %dma_wait3A_160] : memref<150000x32xf32, #tpu.memory_space<hbm>> -> memref<128x32xf32, #tpu.memory_space<hbm>>
      tpu.wait_dma2 semaphore(%arg11 : memref<!tpu.dma_semaphore, #tpu.memory_space<semaphore_mem>>) src(%dma_wait3A_161 : memref<128x32xf32, #tpu.memory_space<hbm>>) dst(%dma_wait3A_158 : memref<128x32xf32, #tpu.memory_space<vmem>>)
      %add3A_162 = arith.constant 1 : i32
      %add3A_163 = arith.addi %add3A_116, %add3A_162 : i32
      %lt3A = arith.constant 196 : i32
      %lt3A_164 = arith.cmpi slt, %add3A_163, %lt3A : i32
      %convert_element_type3A = arith.extui %lt3A_164 : i1 to i32
      %cond3A = arith.constant 0 : i32
      %cond3A_165 = arith.cmpi ne, %convert_element_type3A, %cond3A : i32
      scf.if %cond3A_165 {
        %dma_wait3A_254 = arith.constant 0 : i32
        %dma_wait3A_255 = arith.constant 0 : i32
        %dma_wait3A_256 = tpu.memref_slice %arg3[%mul3A_2, %dma_wait3A_254, %dma_wait3A_255] : memref<6272x4x128xi32, #tpu.memory_space<hbm>> -> memref<1x4x128xi32, #tpu.memory_space<hbm>>
        %dma_wait3A_257 = tpu.memref_squeeze %dma_wait3A_256 : memref<1x4x128xi32, #tpu.memory_space<hbm>> -> memref<4x128xi32, #tpu.memory_space<hbm>>
        %dma_wait3A_258 = arith.constant 0 : i32
        %dma_wait3A_259 = arith.constant 0 : i32
        %dma_wait3A_260 = tpu.memref_slice %arg3[%mul3A_2, %dma_wait3A_258, %dma_wait3A_259] : memref<6272x4x128xi32, #tpu.memory_space<hbm>> -> memref<1x4x128xi32, #tpu.memory_space<hbm>>
        %dma_wait3A_261 = tpu.memref_squeeze %dma_wait3A_260 : memref<1x4x128xi32, #tpu.memory_space<hbm>> -> memref<4x128xi32, #tpu.memory_space<hbm>>
        tpu.wait_dma2 semaphore(%arg10 : memref<!tpu.dma_semaphore, #tpu.memory_space<semaphore_mem>>) src(%dma_wait3A_261 : memref<4x128xi32, #tpu.memory_space<hbm>>) dst(%arg6 : memref<4x128xi32, #tpu.memory_space<vmem>>)
        %dma_start3A_262 = arith.constant 0 : i32
        %dma_start3A_263 = arith.constant 0 : i32
        %dma_start3A_264 = arith.constant 0 : i32
        %dma_start3A_265 = arith.constant 0 : i32
        %dma_start3A_266 = tpu.memref_slice %arg8[%dma_start3A_263, %dma_start3A_264, %dma_start3A_265] : memref<3x128x32xf32, #tpu.memory_space<vmem>> -> memref<1x128x32xf32, #tpu.memory_space<vmem>>
        %dma_start3A_267 = tpu.memref_squeeze %dma_start3A_266 : memref<1x128x32xf32, #tpu.memory_space<vmem>> -> memref<128x32xf32, #tpu.memory_space<vmem>>
        %dma_start3A_268 = arith.constant 0 : i32
        %dma_start3A_269 = tpu.memref_slice %arg6[%dma_start3A_262, %dma_start3A_268] : memref<4x128xi32, #tpu.memory_space<vmem>> -> memref<1x128xi32, #tpu.memory_space<vmem>>
        %dma_start3A_270 = tpu.memref_squeeze %dma_start3A_269 : memref<1x128xi32, #tpu.memory_space<vmem>> -> memref<128xi32, #tpu.memory_space<vmem>>
        %dma_start3A_271 = arith.constant 0 : i32
        %dma_start3A_272 = arith.constant 0 : i32
        %dma_start3A_273 = tpu.memref_slice %arg2[%dma_start3A_271, %dma_start3A_272] : memref<150000x32xf32, #tpu.memory_space<hbm>> -> memref<150000x32xf32, #tpu.memory_space<hbm>>
        tpu.enqueue_indirect_dma source(%dma_start3A_273 : memref<150000x32xf32, #tpu.memory_space<hbm>>) target(%dma_start3A_267 : memref<128x32xf32, #tpu.memory_space<vmem>>) offsets(%dma_start3A_270 : memref<128xi32, #tpu.memory_space<vmem>>) semaphore(%arg12 : memref<!tpu.dma_semaphore, #tpu.memory_space<semaphore_mem>>)
        %dma_start3A_274 = arith.constant 1 : i32
        %dma_start3A_275 = arith.constant 1 : i32
        %dma_start3A_276 = arith.constant 0 : i32
        %dma_start3A_277 = arith.constant 0 : i32
        %dma_start3A_278 = tpu.memref_slice %arg8[%dma_start3A_275, %dma_start3A_276, %dma_start3A_277] : memref<3x128x32xf32, #tpu.memory_space<vmem>> -> memref<1x128x32xf32, #tpu.memory_space<vmem>>
        %dma_start3A_279 = tpu.memref_squeeze %dma_start3A_278 : memref<1x128x32xf32, #tpu.memory_space<vmem>> -> memref<128x32xf32, #tpu.memory_space<vmem>>
        %dma_start3A_280 = arith.constant 0 : i32
        %dma_start3A_281 = tpu.memref_slice %arg6[%dma_start3A_274, %dma_start3A_280] : memref<4x128xi32, #tpu.memory_space<vmem>> -> memref<1x128xi32, #tpu.memory_space<vmem>>
        %dma_start3A_282 = tpu.memref_squeeze %dma_start3A_281 : memref<1x128xi32, #tpu.memory_space<vmem>> -> memref<128xi32, #tpu.memory_space<vmem>>
        %dma_start3A_283 = arith.constant 0 : i32
        %dma_start3A_284 = arith.constant 0 : i32
        %dma_start3A_285 = tpu.memref_slice %arg2[%dma_start3A_283, %dma_start3A_284] : memref<150000x32xf32, #tpu.memory_space<hbm>> -> memref<150000x32xf32, #tpu.memory_space<hbm>>
        tpu.enqueue_indirect_dma source(%dma_start3A_285 : memref<150000x32xf32, #tpu.memory_space<hbm>>) target(%dma_start3A_279 : memref<128x32xf32, #tpu.memory_space<vmem>>) offsets(%dma_start3A_282 : memref<128xi32, #tpu.memory_space<vmem>>) semaphore(%arg12 : memref<!tpu.dma_semaphore, #tpu.memory_space<semaphore_mem>>)
        %dma_start3A_286 = arith.constant 2 : i32
        %dma_start3A_287 = arith.constant 2 : i32
        %dma_start3A_288 = arith.constant 0 : i32
        %dma_start3A_289 = arith.constant 0 : i32
        %dma_start3A_290 = tpu.memref_slice %arg8[%dma_start3A_287, %dma_start3A_288, %dma_start3A_289] : memref<3x128x32xf32, #tpu.memory_space<vmem>> -> memref<1x128x32xf32, #tpu.memory_space<vmem>>
        %dma_start3A_291 = tpu.memref_squeeze %dma_start3A_290 : memref<1x128x32xf32, #tpu.memory_space<vmem>> -> memref<128x32xf32, #tpu.memory_space<vmem>>
        %dma_start3A_292 = arith.constant 0 : i32
        %dma_start3A_293 = tpu.memref_slice %arg6[%dma_start3A_286, %dma_start3A_292] : memref<4x128xi32, #tpu.memory_space<vmem>> -> memref<1x128xi32, #tpu.memory_space<vmem>>
        %dma_start3A_294 = tpu.memref_squeeze %dma_start3A_293 : memref<1x128xi32, #tpu.memory_space<vmem>> -> memref<128xi32, #tpu.memory_space<vmem>>
        %dma_start3A_295 = arith.constant 0 : i32
        %dma_start3A_296 = arith.constant 0 : i32
        %dma_start3A_297 = tpu.memref_slice %arg2[%dma_start3A_295, %dma_start3A_296] : memref<150000x32xf32, #tpu.memory_space<hbm>> -> memref<150000x32xf32, #tpu.memory_space<hbm>>
        tpu.enqueue_indirect_dma source(%dma_start3A_297 : memref<150000x32xf32, #tpu.memory_space<hbm>>) target(%dma_start3A_291 : memref<128x32xf32, #tpu.memory_space<vmem>>) offsets(%dma_start3A_294 : memref<128xi32, #tpu.memory_space<vmem>>) semaphore(%arg12 : memref<!tpu.dma_semaphore, #tpu.memory_space<semaphore_mem>>)
      } else {
      }
      %scan3A_166 = arith.constant 0 : i32
      %scan3A_167 = arith.constant 0 : i32
      %scan3A_168 = arith.constant 32 : i32
      %scan3A_169 = arith.addi %scan3A_167, %scan3A_168 : i32
      %scan3A_170 = arith.constant 1 : i32
      %scan3A_171 = scf.for %scan3A_254 = %scan3A_167 to %scan3A_169 step %scan3A_170 iter_args(%scan3A_255 = %scan3A_166) -> (i32)  : i32 {
        %mul3A_256 = arith.constant 4 : i32
        %mul3A_257 = arith.muli %scan3A_254, %mul3A_256 : i32
        %add3A_258 = arith.constant 0 : i32
        %add3A_259 = arith.addi %mul3A_257, %add3A_258 : i32
        %get3A = arith.constant 0 : i32
        %get3A_260 = arith.index_cast %get3A : i32 to index
        %get3A_261 = arith.index_cast %add3A_259 : i32 to index
        %get3A_262 = arith.constant 0 : index
        %get3A_263 = tpu.vector_load %arg7[%get3A_260, %get3A_261, %get3A_262] {strides = array<i32>} : memref<3x128x32xf32, #tpu.memory_space<vmem>>, vector<1x1x16xf32>,
        %get3A_264 = vector.shape_cast %get3A_263 : vector<1x1x16xf32> to vector<16xf32>
        %get3A_265 = arith.constant 1 : i32
        %get3A_266 = arith.index_cast %get3A_265 : i32 to index
        %get3A_267 = arith.index_cast %add3A_259 : i32 to index
        %get3A_268 = arith.constant 0 : index
        %get3A_269 = tpu.vector_load %arg7[%get3A_266, %get3A_267, %get3A_268] {strides = array<i32>} : memref<3x128x32xf32, #tpu.memory_space<vmem>>, vector<1x1x16xf32>,
        %get3A_270 = vector.shape_cast %get3A_269 : vector<1x1x16xf32> to vector<16xf32>
        %add3A_271 = arith.addf %get3A_264, %get3A_270 : vector<16xf32>
        %get3A_272 = arith.constant 2 : i32
        %get3A_273 = arith.index_cast %get3A_272 : i32 to index
        %get3A_274 = arith.index_cast %add3A_259 : i32 to index
        %get3A_275 = arith.constant 0 : index
        %get3A_276 = tpu.vector_load %arg7[%get3A_273, %get3A_274, %get3A_275] {strides = array<i32>} : memref<3x128x32xf32, #tpu.memory_space<vmem>>, vector<1x1x16xf32>,
        %get3A_277 = vector.shape_cast %get3A_276 : vector<1x1x16xf32> to vector<16xf32>
        %add3A_278 = arith.addf %add3A_271, %get3A_277 : vector<16xf32>
        %mul3A_279 = arith.constant 4.000000e+00 : f32
        %mul3A_280 = vector.broadcast %mul3A_279 : f32 to vector<16xf32>
        %mul3A_281 = arith.mulf %mul3A_280, %add3A_278 : vector<16xf32>
        %sub3A = arith.constant 4.000000e+00 : f32
        %sub3A_282 = vector.broadcast %sub3A : f32 to vector<16xf32>
        %sub3A_283 = arith.subf %mul3A_281, %sub3A_282 : vector<16xf32>
        %exp3A = math.exp %sub3A_283 : vector<16xf32>
        %swap3A = arith.constant 0 : i32
        %swap3A_284 = arith.index_cast %swap3A : i32 to index
        %swap3A_285 = arith.index_cast %add3A_259 : i32 to index
        %swap3A_286 = arith.constant 0 : index
        %swap3A_287 = tpu.vector_load %arg7[%swap3A_284, %swap3A_285, %swap3A_286] {strides = array<i32>} : memref<3x128x32xf32, #tpu.memory_space<vmem>>, vector<1x1x16xf32>,
        %swap3A_288 = vector.shape_cast %swap3A_287 : vector<1x1x16xf32> to vector<16xf32>
        %swap3A_289 = vector.shape_cast %exp3A : vector<16xf32> to vector<1x1x16xf32>
        tpu.vector_store %arg7[%swap3A_284, %swap3A_285, %swap3A_286], %swap3A_289 {strides = array<i32>} : memref<3x128x32xf32, #tpu.memory_space<vmem>>, vector<1x1x16xf32>,
        %get3A_290 = arith.constant 0 : i32
        %get3A_291 = arith.index_cast %get3A_290 : i32 to index
        %get3A_292 = arith.index_cast %add3A_259 : i32 to index
        %get3A_293 = arith.constant 16 : index
        %get3A_294 = tpu.vector_load %arg7[%get3A_291, %get3A_292, %get3A_293] {strides = array<i32>} : memref<3x128x32xf32, #tpu.memory_space<vmem>>, vector<1x1x16xf32>,
        %get3A_295 = vector.shape_cast %get3A_294 : vector<1x1x16xf32> to vector<16xf32>
        %get3A_296 = arith.constant 1 : i32
        %get3A_297 = arith.index_cast %get3A_296 : i32 to index
        %get3A_298 = arith.index_cast %add3A_259 : i32 to index
        %get3A_299 = arith.constant 16 : index
        %get3A_300 = tpu.vector_load %arg7[%get3A_297, %get3A_298, %get3A_299] {strides = array<i32>} : memref<3x128x32xf32, #tpu.memory_space<vmem>>, vector<1x1x16xf32>,
        %get3A_301 = vector.shape_cast %get3A_300 : vector<1x1x16xf32> to vector<16xf32>
        %add3A_302 = arith.addf %get3A_295, %get3A_301 : vector<16xf32>
        %get3A_303 = arith.constant 2 : i32
        %get3A_304 = arith.index_cast %get3A_303 : i32 to index
        %get3A_305 = arith.index_cast %add3A_259 : i32 to index
        %get3A_306 = arith.constant 16 : index
        %get3A_307 = tpu.vector_load %arg7[%get3A_304, %get3A_305, %get3A_306] {strides = array<i32>} : memref<3x128x32xf32, #tpu.memory_space<vmem>>, vector<1x1x16xf32>,
        %get3A_308 = vector.shape_cast %get3A_307 : vector<1x1x16xf32> to vector<16xf32>
        %add3A_309 = arith.addf %add3A_302, %get3A_308 : vector<16xf32>
        %mul3A_310 = arith.constant 4.000000e+00 : f32
        %mul3A_311 = vector.broadcast %mul3A_310 : f32 to vector<16xf32>
        %mul3A_312 = arith.mulf %mul3A_311, %add3A_309 : vector<16xf32>
        %sub3A_313 = arith.constant 4.000000e+00 : f32
        %sub3A_314 = vector.broadcast %sub3A_313 : f32 to vector<16xf32>
        %sub3A_315 = arith.subf %mul3A_312, %sub3A_314 : vector<16xf32>
        %exp3A_316 = math.exp %sub3A_315 : vector<16xf32>
        %swap3A_317 = arith.constant 0 : i32
        %swap3A_318 = arith.index_cast %swap3A_317 : i32 to index
        %swap3A_319 = arith.index_cast %add3A_259 : i32 to index
        %swap3A_320 = arith.constant 16 : index
        %swap3A_321 = tpu.vector_load %arg7[%swap3A_318, %swap3A_319, %swap3A_320] {strides = array<i32>} : memref<3x128x32xf32, #tpu.memory_space<vmem>>, vector<1x1x16xf32>,
        %swap3A_322 = vector.shape_cast %swap3A_321 : vector<1x1x16xf32> to vector<16xf32>
        %swap3A_323 = vector.shape_cast %exp3A_316 : vector<16xf32> to vector<1x1x16xf32>
        tpu.vector_store %arg7[%swap3A_318, %swap3A_319, %swap3A_320], %swap3A_323 {strides = array<i32>} : memref<3x128x32xf32, #tpu.memory_space<vmem>>, vector<1x1x16xf32>,
        %mul3A_324 = arith.constant 4 : i32
        %mul3A_325 = arith.muli %scan3A_254, %mul3A_324 : i32
        %add3A_326 = arith.constant 1 : i32
        %add3A_327 = arith.addi %mul3A_325, %add3A_326 : i32
        %get3A_328 = arith.constant 0 : i32
        %get3A_329 = arith.index_cast %get3A_328 : i32 to index
        %get3A_330 = arith.index_cast %add3A_327 : i32 to index
        %get3A_331 = arith.constant 0 : index
        %get3A_332 = tpu.vector_load %arg7[%get3A_329, %get3A_330, %get3A_331] {strides = array<i32>} : memref<3x128x32xf32, #tpu.memory_space<vmem>>, vector<1x1x16xf32>,
        %get3A_333 = vector.shape_cast %get3A_332 : vector<1x1x16xf32> to vector<16xf32>
        %get3A_334 = arith.constant 1 : i32
        %get3A_335 = arith.index_cast %get3A_334 : i32 to index
        %get3A_336 = arith.index_cast %add3A_327 : i32 to index
        %get3A_337 = arith.constant 0 : index
        %get3A_338 = tpu.vector_load %arg7[%get3A_335, %get3A_336, %get3A_337] {strides = array<i32>} : memref<3x128x32xf32, #tpu.memory_space<vmem>>, vector<1x1x16xf32>,
        %get3A_339 = vector.shape_cast %get3A_338 : vector<1x1x16xf32> to vector<16xf32>
        %add3A_340 = arith.addf %get3A_333, %get3A_339 : vector<16xf32>
        %get3A_341 = arith.constant 2 : i32
        %get3A_342 = arith.index_cast %get3A_341 : i32 to index
        %get3A_343 = arith.index_cast %add3A_327 : i32 to index
        %get3A_344 = arith.constant 0 : index
        %get3A_345 = tpu.vector_load %arg7[%get3A_342, %get3A_343, %get3A_344] {strides = array<i32>} : memref<3x128x32xf32, #tpu.memory_space<vmem>>, vector<1x1x16xf32>,
        %get3A_346 = vector.shape_cast %get3A_345 : vector<1x1x16xf32> to vector<16xf32>
        %add3A_347 = arith.addf %add3A_340, %get3A_346 : vector<16xf32>
        %mul3A_348 = arith.constant 4.000000e+00 : f32
        %mul3A_349 = vector.broadcast %mul3A_348 : f32 to vector<16xf32>
        %mul3A_350 = arith.mulf %mul3A_349, %add3A_347 : vector<16xf32>
        %sub3A_351 = arith.constant 4.000000e+00 : f32
        %sub3A_352 = vector.broadcast %sub3A_351 : f32 to vector<16xf32>
        %sub3A_353 = arith.subf %mul3A_350, %sub3A_352 : vector<16xf32>
        %exp3A_354 = math.exp %sub3A_353 : vector<16xf32>
        %swap3A_355 = arith.constant 0 : i32
        %swap3A_356 = arith.index_cast %swap3A_355 : i32 to index
        %swap3A_357 = arith.index_cast %add3A_327 : i32 to index
        %swap3A_358 = arith.constant 0 : index
        %swap3A_359 = tpu.vector_load %arg7[%swap3A_356, %swap3A_357, %swap3A_358] {strides = array<i32>} : memref<3x128x32xf32, #tpu.memory_space<vmem>>, vector<1x1x16xf32>,
        %swap3A_360 = vector.shape_cast %swap3A_359 : vector<1x1x16xf32> to vector<16xf32>
        %swap3A_361 = vector.shape_cast %exp3A_354 : vector<16xf32> to vector<1x1x16xf32>
        tpu.vector_store %arg7[%swap3A_356, %swap3A_357, %swap3A_358], %swap3A_361 {strides = array<i32>} : memref<3x128x32xf32, #tpu.memory_space<vmem>>, vector<1x1x16xf32>,
        %get3A_362 = arith.constant 0 : i32
        %get3A_363 = arith.index_cast %get3A_362 : i32 to index
        %get3A_364 = arith.index_cast %add3A_327 : i32 to index
        %get3A_365 = arith.constant 16 : index
        %get3A_366 = tpu.vector_load %arg7[%get3A_363, %get3A_364, %get3A_365] {strides = array<i32>} : memref<3x128x32xf32, #tpu.memory_space<vmem>>, vector<1x1x16xf32>,
        %get3A_367 = vector.shape_cast %get3A_366 : vector<1x1x16xf32> to vector<16xf32>
        %get3A_368 = arith.constant 1 : i32
        %get3A_369 = arith.index_cast %get3A_368 : i32 to index
        %get3A_370 = arith.index_cast %add3A_327 : i32 to index
        %get3A_371 = arith.constant 16 : index
        %get3A_372 = tpu.vector_load %arg7[%get3A_369, %get3A_370, %get3A_371] {strides = array<i32>} : memref<3x128x32xf32, #tpu.memory_space<vmem>>, vector<1x1x16xf32>,
        %get3A_373 = vector.shape_cast %get3A_372 : vector<1x1x16xf32> to vector<16xf32>
        %add3A_374 = arith.addf %get3A_367, %get3A_373 : vector<16xf32>
        %get3A_375 = arith.constant 2 : i32
        %get3A_376 = arith.index_cast %get3A_375 : i32 to index
        %get3A_377 = arith.index_cast %add3A_327 : i32 to index
        %get3A_378 = arith.constant 16 : index
        %get3A_379 = tpu.vector_load %arg7[%get3A_376, %get3A_377, %get3A_378] {strides = array<i32>} : memref<3x128x32xf32, #tpu.memory_space<vmem>>, vector<1x1x16xf32>,
        %get3A_380 = vector.shape_cast %get3A_379 : vector<1x1x16xf32> to vector<16xf32>
        %add3A_381 = arith.addf %add3A_374, %get3A_380 : vector<16xf32>
        %mul3A_382 = arith.constant 4.000000e+00 : f32
        %mul3A_383 = vector.broadcast %mul3A_382 : f32 to vector<16xf32>
        %mul3A_384 = arith.mulf %mul3A_383, %add3A_381 : vector<16xf32>
        %sub3A_385 = arith.constant 4.000000e+00 : f32
        %sub3A_386 = vector.broadcast %sub3A_385 : f32 to vector<16xf32>
        %sub3A_387 = arith.subf %mul3A_384, %sub3A_386 : vector<16xf32>
        %exp3A_388 = math.exp %sub3A_387 : vector<16xf32>
        %swap3A_389 = arith.constant 0 : i32
        %swap3A_390 = arith.index_cast %swap3A_389 : i32 to index
        %swap3A_391 = arith.index_cast %add3A_327 : i32 to index
        %swap3A_392 = arith.constant 16 : index
        %swap3A_393 = tpu.vector_load %arg7[%swap3A_390, %swap3A_391, %swap3A_392] {strides = array<i32>} : memref<3x128x32xf32, #tpu.memory_space<vmem>>, vector<1x1x16xf32>,
        %swap3A_394 = vector.shape_cast %swap3A_393 : vector<1x1x16xf32> to vector<16xf32>
        %swap3A_395 = vector.shape_cast %exp3A_388 : vector<16xf32> to vector<1x1x16xf32>
        tpu.vector_store %arg7[%swap3A_390, %swap3A_391, %swap3A_392], %swap3A_395 {strides = array<i32>} : memref<3x128x32xf32, #tpu.memory_space<vmem>>, vector<1x1x16xf32>,
        %mul3A_396 = arith.constant 4 : i32
        %mul3A_397 = arith.muli %scan3A_254, %mul3A_396 : i32
        %add3A_398 = arith.constant 2 : i32
        %add3A_399 = arith.addi %mul3A_397, %add3A_398 : i32
        %get3A_400 = arith.constant 0 : i32
        %get3A_401 = arith.index_cast %get3A_400 : i32 to index
        %get3A_402 = arith.index_cast %add3A_399 : i32 to index
        %get3A_403 = arith.constant 0 : index
        %get3A_404 = tpu.vector_load %arg7[%get3A_401, %get3A_402, %get3A_403] {strides = array<i32>} : memref<3x128x32xf32, #tpu.memory_space<vmem>>, vector<1x1x16xf32>,
        %get3A_405 = vector.shape_cast %get3A_404 : vector<1x1x16xf32> to vector<16xf32>
        %get3A_406 = arith.constant 1 : i32
        %get3A_407 = arith.index_cast %get3A_406 : i32 to index
        %get3A_408 = arith.index_cast %add3A_399 : i32 to index
        %get3A_409 = arith.constant 0 : index
        %get3A_410 = tpu.vector_load %arg7[%get3A_407, %get3A_408, %get3A_409] {strides = array<i32>} : memref<3x128x32xf32, #tpu.memory_space<vmem>>, vector<1x1x16xf32>,
        %get3A_411 = vector.shape_cast %get3A_410 : vector<1x1x16xf32> to vector<16xf32>
        %add3A_412 = arith.addf %get3A_405, %get3A_411 : vector<16xf32>
        %get3A_413 = arith.constant 2 : i32
        %get3A_414 = arith.index_cast %get3A_413 : i32 to index
        %get3A_415 = arith.index_cast %add3A_399 : i32 to index
        %get3A_416 = arith.constant 0 : index
        %get3A_417 = tpu.vector_load %arg7[%get3A_414, %get3A_415, %get3A_416] {strides = array<i32>} : memref<3x128x32xf32, #tpu.memory_space<vmem>>, vector<1x1x16xf32>,
        %get3A_418 = vector.shape_cast %get3A_417 : vector<1x1x16xf32> to vector<16xf32>
        %add3A_419 = arith.addf %add3A_412, %get3A_418 : vector<16xf32>
        %mul3A_420 = arith.constant 4.000000e+00 : f32
        %mul3A_421 = vector.broadcast %mul3A_420 : f32 to vector<16xf32>
        %mul3A_422 = arith.mulf %mul3A_421, %add3A_419 : vector<16xf32>
        %sub3A_423 = arith.constant 4.000000e+00 : f32
        %sub3A_424 = vector.broadcast %sub3A_423 : f32 to vector<16xf32>
        %sub3A_425 = arith.subf %mul3A_422, %sub3A_424 : vector<16xf32>
        %exp3A_426 = math.exp %sub3A_425 : vector<16xf32>
        %swap3A_427 = arith.constant 0 : i32
        %swap3A_428 = arith.index_cast %swap3A_427 : i32 to index
        %swap3A_429 = arith.index_cast %add3A_399 : i32 to index
        %swap3A_430 = arith.constant 0 : index
        %swap3A_431 = tpu.vector_load %arg7[%swap3A_428, %swap3A_429, %swap3A_430] {strides = array<i32>} : memref<3x128x32xf32, #tpu.memory_space<vmem>>, vector<1x1x16xf32>,
        %swap3A_432 = vector.shape_cast %swap3A_431 : vector<1x1x16xf32> to vector<16xf32>
        %swap3A_433 = vector.shape_cast %exp3A_426 : vector<16xf32> to vector<1x1x16xf32>
        tpu.vector_store %arg7[%swap3A_428, %swap3A_429, %swap3A_430], %swap3A_433 {strides = array<i32>} : memref<3x128x32xf32, #tpu.memory_space<vmem>>, vector<1x1x16xf32>,
        %get3A_434 = arith.constant 0 : i32
        %get3A_435 = arith.index_cast %get3A_434 : i32 to index
        %get3A_436 = arith.index_cast %add3A_399 : i32 to index
        %get3A_437 = arith.constant 16 : index
        %get3A_438 = tpu.vector_load %arg7[%get3A_435, %get3A_436, %get3A_437] {strides = array<i32>} : memref<3x128x32xf32, #tpu.memory_space<vmem>>, vector<1x1x16xf32>,
        %get3A_439 = vector.shape_cast %get3A_438 : vector<1x1x16xf32> to vector<16xf32>
        %get3A_440 = arith.constant 1 : i32
        %get3A_441 = arith.index_cast %get3A_440 : i32 to index
        %get3A_442 = arith.index_cast %add3A_399 : i32 to index
        %get3A_443 = arith.constant 16 : index
        %get3A_444 = tpu.vector_load %arg7[%get3A_441, %get3A_442, %get3A_443] {strides = array<i32>} : memref<3x128x32xf32, #tpu.memory_space<vmem>>, vector<1x1x16xf32>,
        %get3A_445 = vector.shape_cast %get3A_444 : vector<1x1x16xf32> to vector<16xf32>
        %add3A_446 = arith.addf %get3A_439, %get3A_445 : vector<16xf32>
        %get3A_447 = arith.constant 2 : i32
        %get3A_448 = arith.index_cast %get3A_447 : i32 to index
        %get3A_449 = arith.index_cast %add3A_399 : i32 to index
        %get3A_450 = arith.constant 16 : index
        %get3A_451 = tpu.vector_load %arg7[%get3A_448, %get3A_449, %get3A_450] {strides = array<i32>} : memref<3x128x32xf32, #tpu.memory_space<vmem>>, vector<1x1x16xf32>,
        %get3A_452 = vector.shape_cast %get3A_451 : vector<1x1x16xf32> to vector<16xf32>
        %add3A_453 = arith.addf %add3A_446, %get3A_452 : vector<16xf32>
        %mul3A_454 = arith.constant 4.000000e+00 : f32
        %mul3A_455 = vector.broadcast %mul3A_454 : f32 to vector<16xf32>
        %mul3A_456 = arith.mulf %mul3A_455, %add3A_453 : vector<16xf32>
        %sub3A_457 = arith.constant 4.000000e+00 : f32
        %sub3A_458 = vector.broadcast %sub3A_457 : f32 to vector<16xf32>
        %sub3A_459 = arith.subf %mul3A_456, %sub3A_458 : vector<16xf32>
        %exp3A_460 = math.exp %sub3A_459 : vector<16xf32>
        %swap3A_461 = arith.constant 0 : i32
        %swap3A_462 = arith.index_cast %swap3A_461 : i32 to index
        %swap3A_463 = arith.index_cast %add3A_399 : i32 to index
        %swap3A_464 = arith.constant 16 : index
        %swap3A_465 = tpu.vector_load %arg7[%swap3A_462, %swap3A_463, %swap3A_464] {strides = array<i32>} : memref<3x128x32xf32, #tpu.memory_space<vmem>>, vector<1x1x16xf32>,
        %swap3A_466 = vector.shape_cast %swap3A_465 : vector<1x1x16xf32> to vector<16xf32>
        %swap3A_467 = vector.shape_cast %exp3A_460 : vector<16xf32> to vector<1x1x16xf32>
        tpu.vector_store %arg7[%swap3A_462, %swap3A_463, %swap3A_464], %swap3A_467 {strides = array<i32>} : memref<3x128x32xf32, #tpu.memory_space<vmem>>, vector<1x1x16xf32>,
        %mul3A_468 = arith.constant 4 : i32
        %mul3A_469 = arith.muli %scan3A_254, %mul3A_468 : i32
        %add3A_470 = arith.constant 3 : i32
        %add3A_471 = arith.addi %mul3A_469, %add3A_470 : i32
        %get3A_472 = arith.constant 0 : i32
        %get3A_473 = arith.index_cast %get3A_472 : i32 to index
        %get3A_474 = arith.index_cast %add3A_471 : i32 to index
        %get3A_475 = arith.constant 0 : index
        %get3A_476 = tpu.vector_load %arg7[%get3A_473, %get3A_474, %get3A_475] {strides = array<i32>} : memref<3x128x32xf32, #tpu.memory_space<vmem>>, vector<1x1x16xf32>,
        %get3A_477 = vector.shape_cast %get3A_476 : vector<1x1x16xf32> to vector<16xf32>
        %get3A_478 = arith.constant 1 : i32
        %get3A_479 = arith.index_cast %get3A_478 : i32 to index
        %get3A_480 = arith.index_cast %add3A_471 : i32 to index
        %get3A_481 = arith.constant 0 : index
        %get3A_482 = tpu.vector_load %arg7[%get3A_479, %get3A_480, %get3A_481] {strides = array<i32>} : memref<3x128x32xf32, #tpu.memory_space<vmem>>, vector<1x1x16xf32>,
        %get3A_483 = vector.shape_cast %get3A_482 : vector<1x1x16xf32> to vector<16xf32>
        %add3A_484 = arith.addf %get3A_477, %get3A_483 : vector<16xf32>
        %get3A_485 = arith.constant 2 : i32
        %get3A_486 = arith.index_cast %get3A_485 : i32 to index
        %get3A_487 = arith.index_cast %add3A_471 : i32 to index
        %get3A_488 = arith.constant 0 : index
        %get3A_489 = tpu.vector_load %arg7[%get3A_486, %get3A_487, %get3A_488] {strides = array<i32>} : memref<3x128x32xf32, #tpu.memory_space<vmem>>, vector<1x1x16xf32>,
        %get3A_490 = vector.shape_cast %get3A_489 : vector<1x1x16xf32> to vector<16xf32>
        %add3A_491 = arith.addf %add3A_484, %get3A_490 : vector<16xf32>
        %mul3A_492 = arith.constant 4.000000e+00 : f32
        %mul3A_493 = vector.broadcast %mul3A_492 : f32 to vector<16xf32>
        %mul3A_494 = arith.mulf %mul3A_493, %add3A_491 : vector<16xf32>
        %sub3A_495 = arith.constant 4.000000e+00 : f32
        %sub3A_496 = vector.broadcast %sub3A_495 : f32 to vector<16xf32>
        %sub3A_497 = arith.subf %mul3A_494, %sub3A_496 : vector<16xf32>
        %exp3A_498 = math.exp %sub3A_497 : vector<16xf32>
        %swap3A_499 = arith.constant 0 : i32
        %swap3A_500 = arith.index_cast %swap3A_499 : i32 to index
        %swap3A_501 = arith.index_cast %add3A_471 : i32 to index
        %swap3A_502 = arith.constant 0 : index
        %swap3A_503 = tpu.vector_load %arg7[%swap3A_500, %swap3A_501, %swap3A_502] {strides = array<i32>} : memref<3x128x32xf32, #tpu.memory_space<vmem>>, vector<1x1x16xf32>,
        %swap3A_504 = vector.shape_cast %swap3A_503 : vector<1x1x16xf32> to vector<16xf32>
        %swap3A_505 = vector.shape_cast %exp3A_498 : vector<16xf32> to vector<1x1x16xf32>
        tpu.vector_store %arg7[%swap3A_500, %swap3A_501, %swap3A_502], %swap3A_505 {strides = array<i32>} : memref<3x128x32xf32, #tpu.memory_space<vmem>>, vector<1x1x16xf32>,
        %get3A_506 = arith.constant 0 : i32
        %get3A_507 = arith.index_cast %get3A_506 : i32 to index
        %get3A_508 = arith.index_cast %add3A_471 : i32 to index
        %get3A_509 = arith.constant 16 : index
        %get3A_510 = tpu.vector_load %arg7[%get3A_507, %get3A_508, %get3A_509] {strides = array<i32>} : memref<3x128x32xf32, #tpu.memory_space<vmem>>, vector<1x1x16xf32>,
        %get3A_511 = vector.shape_cast %get3A_510 : vector<1x1x16xf32> to vector<16xf32>
        %get3A_512 = arith.constant 1 : i32
        %get3A_513 = arith.index_cast %get3A_512 : i32 to index
        %get3A_514 = arith.index_cast %add3A_471 : i32 to index
        %get3A_515 = arith.constant 16 : index
        %get3A_516 = tpu.vector_load %arg7[%get3A_513, %get3A_514, %get3A_515] {strides = array<i32>} : memref<3x128x32xf32, #tpu.memory_space<vmem>>, vector<1x1x16xf32>,
        %get3A_517 = vector.shape_cast %get3A_516 : vector<1x1x16xf32> to vector<16xf32>
        %add3A_518 = arith.addf %get3A_511, %get3A_517 : vector<16xf32>
        %get3A_519 = arith.constant 2 : i32
        %get3A_520 = arith.index_cast %get3A_519 : i32 to index
        %get3A_521 = arith.index_cast %add3A_471 : i32 to index
        %get3A_522 = arith.constant 16 : index
        %get3A_523 = tpu.vector_load %arg7[%get3A_520, %get3A_521, %get3A_522] {strides = array<i32>} : memref<3x128x32xf32, #tpu.memory_space<vmem>>, vector<1x1x16xf32>,
        %get3A_524 = vector.shape_cast %get3A_523 : vector<1x1x16xf32> to vector<16xf32>
        %add3A_525 = arith.addf %add3A_518, %get3A_524 : vector<16xf32>
        %mul3A_526 = arith.constant 4.000000e+00 : f32
        %mul3A_527 = vector.broadcast %mul3A_526 : f32 to vector<16xf32>
        %mul3A_528 = arith.mulf %mul3A_527, %add3A_525 : vector<16xf32>
        %sub3A_529 = arith.constant 4.000000e+00 : f32
        %sub3A_530 = vector.broadcast %sub3A_529 : f32 to vector<16xf32>
        %sub3A_531 = arith.subf %mul3A_528, %sub3A_530 : vector<16xf32>
        %exp3A_532 = math.exp %sub3A_531 : vector<16xf32>
        %swap3A_533 = arith.constant 0 : i32
        %swap3A_534 = arith.index_cast %swap3A_533 : i32 to index
        %swap3A_535 = arith.index_cast %add3A_471 : i32 to index
        %swap3A_536 = arith.constant 16 : index
        %swap3A_537 = tpu.vector_load %arg7[%swap3A_534, %swap3A_535, %swap3A_536] {strides = array<i32>} : memref<3x128x32xf32, #tpu.memory_space<vmem>>, vector<1x1x16xf32>,
        %swap3A_538 = vector.shape_cast %swap3A_537 : vector<1x1x16xf32> to vector<16xf32>
        %swap3A_539 = vector.shape_cast %exp3A_532 : vector<16xf32> to vector<1x1x16xf32>
        tpu.vector_store %arg7[%swap3A_534, %swap3A_535, %swap3A_536], %swap3A_539 {strides = array<i32>} : memref<3x128x32xf32, #tpu.memory_space<vmem>>, vector<1x1x16xf32>,
        %scan3A_540 = arith.constant 0 : i32
        scf.yield %scan3A_540 : i32
      }
      %scan3A_172 = arith.constant 32 : i32
      %run_scoped3A = arith.constant 0 : i32
      %run_scoped3A_173 = arith.constant 3 : i32
      "tpu.region"() ({
        %run_scoped3A_254 = tpu.sem_alloc : memref<!tpu.dma_semaphore, #tpu.memory_space<semaphore_mem>>
        %dma_start3A_255 = arith.constant 0 : i32
        %dma_start3A_256 = arith.constant 0 : i32
        %dma_start3A_257 = tpu.memref_slice %arg7[%run_scoped3A, %dma_start3A_255, %dma_start3A_256] : memref<3x128x32xf32, #tpu.memory_space<vmem>> -> memref<1x128x32xf32, #tpu.memory_space<vmem>>
        %dma_start3A_258 = tpu.memref_squeeze %dma_start3A_257 : memref<1x128x32xf32, #tpu.memory_space<vmem>> -> memref<128x32xf32, #tpu.memory_space<vmem>>
        %dma_start3A_259 = arith.constant 0 : i32
        %dma_start3A_260 = tpu.memref_slice %arg5[%run_scoped3A_173, %dma_start3A_259] : memref<4x128xi32, #tpu.memory_space<vmem>> -> memref<1x128xi32, #tpu.memory_space<vmem>>
        %dma_start3A_261 = tpu.memref_squeeze %dma_start3A_260 : memref<1x128xi32, #tpu.memory_space<vmem>> -> memref<128xi32, #tpu.memory_space<vmem>>
        %dma_start3A_262 = arith.constant 0 : i32
        %dma_start3A_263 = arith.constant 0 : i32
        %dma_start3A_264 = tpu.memref_slice %arg9[%dma_start3A_262, %dma_start3A_263] : memref<50048x32xf32, #tpu.memory_space<vmem_shared>> -> memref<50048x32xf32, #tpu.memory_space<vmem_shared>>
        tpu.enqueue_indirect_dma source(%dma_start3A_258 : memref<128x32xf32, #tpu.memory_space<vmem>>) target(%dma_start3A_264 : memref<50048x32xf32, #tpu.memory_space<vmem_shared>>) offsets(%dma_start3A_261 : memref<128xi32, #tpu.memory_space<vmem>>) semaphore(%run_scoped3A_254 : memref<!tpu.dma_semaphore, #tpu.memory_space<semaphore_mem>>) {add = true}
        %dma_wait3A_265 = arith.constant 0 : i32
        %dma_wait3A_266 = arith.constant 0 : i32
        %dma_wait3A_267 = tpu.memref_slice %arg7[%run_scoped3A, %dma_wait3A_265, %dma_wait3A_266] : memref<3x128x32xf32, #tpu.memory_space<vmem>> -> memref<1x128x32xf32, #tpu.memory_space<vmem>>
        %dma_wait3A_268 = tpu.memref_squeeze %dma_wait3A_267 : memref<1x128x32xf32, #tpu.memory_space<vmem>> -> memref<128x32xf32, #tpu.memory_space<vmem>>
        %dma_wait3A_269 = arith.constant 0 : i32
        %dma_wait3A_270 = tpu.memref_slice %arg5[%run_scoped3A_173, %dma_wait3A_269] : memref<4x128xi32, #tpu.memory_space<vmem>> -> memref<1x128xi32, #tpu.memory_space<vmem>>
        %dma_wait3A_271 = tpu.memref_squeeze %dma_wait3A_270 : memref<1x128xi32, #tpu.memory_space<vmem>> -> memref<128xi32, #tpu.memory_space<vmem>>
        %dma_wait3A_272 = arith.constant 0 : i32
        %dma_wait3A_273 = arith.constant 0 : i32
        %dma_wait3A_274 = tpu.memref_slice %arg9[%dma_wait3A_272, %dma_wait3A_273] : memref<50048x32xf32, #tpu.memory_space<vmem_shared>> -> memref<50048x32xf32, #tpu.memory_space<vmem_shared>>
        tpu.wait_indirect_dma semaphore(%run_scoped3A_254 : memref<!tpu.dma_semaphore, #tpu.memory_space<semaphore_mem>>) src(%dma_wait3A_268 : memref<128x32xf32, #tpu.memory_space<vmem>>) dst(%dma_wait3A_274 : memref<50048x32xf32, #tpu.memory_space<vmem_shared>>)
        tpu.yield
      }) : () -> ()
      %add3A_174 = arith.constant 2 : i32
      %add3A_175 = arith.addi %add3A_116, %add3A_174 : i32
      %lt3A_176 = arith.constant 196 : i32
      %lt3A_177 = arith.cmpi slt, %add3A_175, %lt3A_176 : i32
      %convert_element_type3A_178 = arith.extui %lt3A_177 : i1 to i32
      %cond3A_179 = arith.constant 0 : i32
      %cond3A_180 = arith.cmpi ne, %convert_element_type3A_178, %cond3A_179 : i32
      scf.if %cond3A_180 {
        %add3A_254 = arith.addi %mul3A_2, %add3A_116 : i32
        %add3A_255 = arith.constant 2 : i32
        %add3A_256 = arith.addi %add3A_254, %add3A_255 : i32
        %dma_start3A_257 = arith.constant 0 : i32
        %dma_start3A_258 = arith.constant 0 : i32
        %dma_start3A_259 = tpu.memref_slice %arg3[%add3A_256, %dma_start3A_257, %dma_start3A_258] : memref<6272x4x128xi32, #tpu.memory_space<hbm>> -> memref<1x4x128xi32, #tpu.memory_space<hbm>>
        %dma_start3A_260 = tpu.memref_squeeze %dma_start3A_259 : memref<1x4x128xi32, #tpu.memory_space<hbm>> -> memref<4x128xi32, #tpu.memory_space<hbm>>
        %dma_start3A_261 = arith.constant 0 : i32
        %dma_start3A_262 = arith.constant 0 : i32
        %dma_start3A_263 = tpu.memref_slice %arg3[%add3A_256, %dma_start3A_261, %dma_start3A_262] : memref<6272x4x128xi32, #tpu.memory_space<hbm>> -> memref<1x4x128xi32, #tpu.memory_space<hbm>>
        %dma_start3A_264 = tpu.memref_squeeze %dma_start3A_263 : memref<1x4x128xi32, #tpu.memory_space<hbm>> -> memref<4x128xi32, #tpu.memory_space<hbm>>
        tpu.enqueue_dma source(%dma_start3A_264 : memref<4x128xi32, #tpu.memory_space<hbm>>) target(%arg5 : memref<4x128xi32, #tpu.memory_space<vmem>>) target_semaphore(%arg10 : memref<!tpu.dma_semaphore, #tpu.memory_space<semaphore_mem>>)
      } else {
      }
      %mul3A_181 = arith.constant 2 : i32
      %mul3A_182 = arith.muli %mul3A_181, %scan3A_111 : i32
      %add3A_183 = arith.constant 1 : i32
      %add3A_184 = arith.addi %mul3A_182, %add3A_183 : i32
      %dma_wait3A_185 = arith.constant 0 : i32
      %dma_wait3A_186 = arith.constant 0 : i32
      %dma_wait3A_187 = arith.constant 0 : i32
      %dma_wait3A_188 = tpu.memref_slice %arg8[%dma_wait3A_185, %dma_wait3A_186, %dma_wait3A_187] : memref<3x128x32xf32, #tpu.memory_space<vmem>> -> memref<1x128x32xf32, #tpu.memory_space<vmem>>
      %dma_wait3A_189 = tpu.memref_squeeze %dma_wait3A_188 : memref<1x128x32xf32, #tpu.memory_space<vmem>> -> memref<128x32xf32, #tpu.memory_space<vmem>>
      %dma_wait3A_190 = arith.constant 0 : i32
      %dma_wait3A_191 = arith.constant 0 : i32
      %dma_wait3A_192 = tpu.memref_slice %arg2[%dma_wait3A_190, %dma_wait3A_191] : memref<150000x32xf32, #tpu.memory_space<hbm>> -> memref<128x32xf32, #tpu.memory_space<hbm>>
      %dma_wait3A_193 = arith.constant 0 : i32
      %dma_wait3A_194 = arith.constant 0 : i32
      %dma_wait3A_195 = tpu.memref_slice %arg8[%dma_wait3A_185, %dma_wait3A_193, %dma_wait3A_194] : memref<3x128x32xf32, #tpu.memory_space<vmem>> -> memref<1x128x32xf32, #tpu.memory_space<vmem>>
      %dma_wait3A_196 = tpu.memref_squeeze %dma_wait3A_195 : memref<1x128x32xf32, #tpu.memory_space<vmem>> -> memref<128x32xf32, #tpu.memory_space<vmem>>
      %dma_wait3A_197 = arith.constant 0 : i32
      %dma_wait3A_198 = arith.constant 0 : i32
      %dma_wait3A_199 = tpu.memref_slice %arg2[%dma_wait3A_197, %dma_wait3A_198] : memref<150000x32xf32, #tpu.memory_space<hbm>> -> memref<128x32xf32, #tpu.memory_space<hbm>>
      tpu.wait_dma2 semaphore(%arg12 : memref<!tpu.dma_semaphore, #tpu.memory_space<semaphore_mem>>) src(%dma_wait3A_199 : memref<128x32xf32, #tpu.memory_space<hbm>>) dst(%dma_wait3A_196 : memref<128x32xf32, #tpu.memory_space<vmem>>)
      %dma_wait3A_200 = arith.constant 1 : i32
      %dma_wait3A_201 = arith.constant 0 : i32
      %dma_wait3A_202 = arith.constant 0 : i32
      %dma_wait3A_203 = tpu.memref_slice %arg8[%dma_wait3A_200, %dma_wait3A_201, %dma_wait3A_202] : memref<3x128x32xf32, #tpu.memory_space<vmem>> -> memref<1x128x32xf32, #tpu.memory_space<vmem>>
      %dma_wait3A_204 = tpu.memref_squeeze %dma_wait3A_203 : memref<1x128x32xf32, #tpu.memory_space<vmem>> -> memref<128x32xf32, #tpu.memory_space<vmem>>
      %dma_wait3A_205 = arith.constant 0 : i32
      %dma_wait3A_206 = arith.constant 0 : i32
      %dma_wait3A_207 = tpu.memref_slice %arg2[%dma_wait3A_205, %dma_wait3A_206] : memref<150000x32xf32, #tpu.memory_space<hbm>> -> memref<128x32xf32, #tpu.memory_space<hbm>>
      %dma_wait3A_208 = arith.constant 0 : i32
      %dma_wait3A_209 = arith.constant 0 : i32
      %dma_wait3A_210 = tpu.memref_slice %arg8[%dma_wait3A_200, %dma_wait3A_208, %dma_wait3A_209] : memref<3x128x32xf32, #tpu.memory_space<vmem>> -> memref<1x128x32xf32, #tpu.memory_space<vmem>>
      %dma_wait3A_211 = tpu.memref_squeeze %dma_wait3A_210 : memref<1x128x32xf32, #tpu.memory_space<vmem>> -> memref<128x32xf32, #tpu.memory_space<vmem>>
      %dma_wait3A_212 = arith.constant 0 : i32
      %dma_wait3A_213 = arith.constant 0 : i32
      %dma_wait3A_214 = tpu.memref_slice %arg2[%dma_wait3A_212, %dma_wait3A_213] : memref<150000x32xf32, #tpu.memory_space<hbm>> -> memref<128x32xf32, #tpu.memory_space<hbm>>
      tpu.wait_dma2 semaphore(%arg12 : memref<!tpu.dma_semaphore, #tpu.memory_space<semaphore_mem>>) src(%dma_wait3A_214 : memref<128x32xf32, #tpu.memory_space<hbm>>) dst(%dma_wait3A_211 : memref<128x32xf32, #tpu.memory_space<vmem>>)
      %dma_wait3A_215 = arith.constant 2 : i32
      %dma_wait3A_216 = arith.constant 0 : i32
      %dma_wait3A_217 = arith.constant 0 : i32
      %dma_wait3A_218 = tpu.memref_slice %arg8[%dma_wait3A_215, %dma_wait3A_216, %dma_wait3A_217] : memref<3x128x32xf32, #tpu.memory_space<vmem>> -> memref<1x128x32xf32, #tpu.memory_space<vmem>>
      %dma_wait3A_219 = tpu.memref_squeeze %dma_wait3A_218 : memref<1x128x32xf32, #tpu.memory_space<vmem>> -> memref<128x32xf32, #tpu.memory_space<vmem>>
      %dma_wait3A_220 = arith.constant 0 : i32
      %dma_wait3A_221 = arith.constant 0 : i32
      %dma_wait3A_222 = tpu.memref_slice %arg2[%dma_wait3A_220, %dma_wait3A_221] : memref<150000x32xf32, #tpu.memory_space<hbm>> -> memref<128x32xf32, #tpu.memory_space<hbm>>
      %dma_wait3A_223 = arith.constant 0 : i32
      %dma_wait3A_224 = arith.constant 0 : i32
      %dma_wait3A_225 = tpu.memref_slice %arg8[%dma_wait3A_215, %dma_wait3A_223, %dma_wait3A_224] : memref<3x128x32xf32, #tpu.memory_space<vmem>> -> memref<1x128x32xf32, #tpu.memory_space<vmem>>
      %dma_wait3A_226 = tpu.memref_squeeze %dma_wait3A_225 : memref<1x128x32xf32, #tpu.memory_space<vmem>> -> memref<128x32xf32, #tpu.memory_space<vmem>>
      %dma_wait3A_227 = arith.constant 0 : i32
      %dma_wait3A_228 = arith.constant 0 : i32
      %dma_wait3A_229 = tpu.memref_slice %arg2[%dma_wait3A_227, %dma_wait3A_228] : memref<150000x32xf32, #tpu.memory_space<hbm>> -> memref<128x32xf32, #tpu.memory_space<hbm>>
      tpu.wait_dma2 semaphore(%arg12 : memref<!tpu.dma_semaphore, #tpu.memory_space<semaphore_mem>>) src(%dma_wait3A_229 : memref<128x32xf32, #tpu.memory_space<hbm>>) dst(%dma_wait3A_226 : memref<128x32xf32, #tpu.memory_space<vmem>>)
      %add3A_230 = arith.constant 1 : i32
      %add3A_231 = arith.addi %add3A_184, %add3A_230 : i32
      %lt3A_232 = arith.constant 196 : i32
      %lt3A_233 = arith.cmpi slt, %add3A_231, %lt3A_232 : i32
      %convert_element_type3A_234 = arith.extui %lt3A_233 : i1 to i32
      %cond3A_235 = arith.constant 0 : i32
      %cond3A_236 = arith.cmpi ne, %convert_element_type3A_234, %cond3A_235 : i32
      scf.if %cond3A_236 {
        %dma_wait3A_254 = arith.constant 0 : i32
        %dma_wait3A_255 = arith.constant 0 : i32
        %dma_wait3A_256 = tpu.memref_slice %arg3[%mul3A_2, %dma_wait3A_254, %dma_wait3A_255] : memref<6272x4x128xi32, #tpu.memory_space<hbm>> -> memref<1x4x128xi32, #tpu.memory_space<hbm>>
        %dma_wait3A_257 = tpu.memref_squeeze %dma_wait3A_256 : memref<1x4x128xi32, #tpu.memory_space<hbm>> -> memref<4x128xi32, #tpu.memory_space<hbm>>
        %dma_wait3A_258 = arith.constant 0 : i32
        %dma_wait3A_259 = arith.constant 0 : i32
        %dma_wait3A_260 = tpu.memref_slice %arg3[%mul3A_2, %dma_wait3A_258, %dma_wait3A_259] : memref<6272x4x128xi32, #tpu.memory_space<hbm>> -> memref<1x4x128xi32, #tpu.memory_space<hbm>>
        %dma_wait3A_261 = tpu.memref_squeeze %dma_wait3A_260 : memref<1x4x128xi32, #tpu.memory_space<hbm>> -> memref<4x128xi32, #tpu.memory_space<hbm>>
        tpu.wait_dma2 semaphore(%arg10 : memref<!tpu.dma_semaphore, #tpu.memory_space<semaphore_mem>>) src(%dma_wait3A_261 : memref<4x128xi32, #tpu.memory_space<hbm>>) dst(%arg5 : memref<4x128xi32, #tpu.memory_space<vmem>>)
        %dma_start3A_262 = arith.constant 0 : i32
        %dma_start3A_263 = arith.constant 0 : i32
        %dma_start3A_264 = arith.constant 0 : i32
        %dma_start3A_265 = arith.constant 0 : i32
        %dma_start3A_266 = tpu.memref_slice %arg7[%dma_start3A_263, %dma_start3A_264, %dma_start3A_265] : memref<3x128x32xf32, #tpu.memory_space<vmem>> -> memref<1x128x32xf32, #tpu.memory_space<vmem>>
        %dma_start3A_267 = tpu.memref_squeeze %dma_start3A_266 : memref<1x128x32xf32, #tpu.memory_space<vmem>> -> memref<128x32xf32, #tpu.memory_space<vmem>>
        %dma_start3A_268 = arith.constant 0 : i32
        %dma_start3A_269 = tpu.memref_slice %arg5[%dma_start3A_262, %dma_start3A_268] : memref<4x128xi32, #tpu.memory_space<vmem>> -> memref<1x128xi32, #tpu.memory_space<vmem>>
        %dma_start3A_270 = tpu.memref_squeeze %dma_start3A_269 : memref<1x128xi32, #tpu.memory_space<vmem>> -> memref<128xi32, #tpu.memory_space<vmem>>
        %dma_start3A_271 = arith.constant 0 : i32
        %dma_start3A_272 = arith.constant 0 : i32
        %dma_start3A_273 = tpu.memref_slice %arg2[%dma_start3A_271, %dma_start3A_272] : memref<150000x32xf32, #tpu.memory_space<hbm>> -> memref<150000x32xf32, #tpu.memory_space<hbm>>
        tpu.enqueue_indirect_dma source(%dma_start3A_273 : memref<150000x32xf32, #tpu.memory_space<hbm>>) target(%dma_start3A_267 : memref<128x32xf32, #tpu.memory_space<vmem>>) offsets(%dma_start3A_270 : memref<128xi32, #tpu.memory_space<vmem>>) semaphore(%arg11 : memref<!tpu.dma_semaphore, #tpu.memory_space<semaphore_mem>>)
        %dma_start3A_274 = arith.constant 1 : i32
        %dma_start3A_275 = arith.constant 1 : i32
        %dma_start3A_276 = arith.constant 0 : i32
        %dma_start3A_277 = arith.constant 0 : i32
        %dma_start3A_278 = tpu.memref_slice %arg7[%dma_start3A_275, %dma_start3A_276, %dma_start3A_277] : memref<3x128x32xf32, #tpu.memory_space<vmem>> -> memref<1x128x32xf32, #tpu.memory_space<vmem>>
        %dma_start3A_279 = tpu.memref_squeeze %dma_start3A_278 : memref<1x128x32xf32, #tpu.memory_space<vmem>> -> memref<128x32xf32, #tpu.memory_space<vmem>>
        %dma_start3A_280 = arith.constant 0 : i32
        %dma_start3A_281 = tpu.memref_slice %arg5[%dma_start3A_274, %dma_start3A_280] : memref<4x128xi32, #tpu.memory_space<vmem>> -> memref<1x128xi32, #tpu.memory_space<vmem>>
        %dma_start3A_282 = tpu.memref_squeeze %dma_start3A_281 : memref<1x128xi32, #tpu.memory_space<vmem>> -> memref<128xi32, #tpu.memory_space<vmem>>
        %dma_start3A_283 = arith.constant 0 : i32
        %dma_start3A_284 = arith.constant 0 : i32
        %dma_start3A_285 = tpu.memref_slice %arg2[%dma_start3A_283, %dma_start3A_284] : memref<150000x32xf32, #tpu.memory_space<hbm>> -> memref<150000x32xf32, #tpu.memory_space<hbm>>
        tpu.enqueue_indirect_dma source(%dma_start3A_285 : memref<150000x32xf32, #tpu.memory_space<hbm>>) target(%dma_start3A_279 : memref<128x32xf32, #tpu.memory_space<vmem>>) offsets(%dma_start3A_282 : memref<128xi32, #tpu.memory_space<vmem>>) semaphore(%arg11 : memref<!tpu.dma_semaphore, #tpu.memory_space<semaphore_mem>>)
        %dma_start3A_286 = arith.constant 2 : i32
        %dma_start3A_287 = arith.constant 2 : i32
        %dma_start3A_288 = arith.constant 0 : i32
        %dma_start3A_289 = arith.constant 0 : i32
        %dma_start3A_290 = tpu.memref_slice %arg7[%dma_start3A_287, %dma_start3A_288, %dma_start3A_289] : memref<3x128x32xf32, #tpu.memory_space<vmem>> -> memref<1x128x32xf32, #tpu.memory_space<vmem>>
        %dma_start3A_291 = tpu.memref_squeeze %dma_start3A_290 : memref<1x128x32xf32, #tpu.memory_space<vmem>> -> memref<128x32xf32, #tpu.memory_space<vmem>>
        %dma_start3A_292 = arith.constant 0 : i32
        %dma_start3A_293 = tpu.memref_slice %arg5[%dma_start3A_286, %dma_start3A_292] : memref<4x128xi32, #tpu.memory_space<vmem>> -> memref<1x128xi32, #tpu.memory_space<vmem>>
        %dma_start3A_294 = tpu.memref_squeeze %dma_start3A_293 : memref<1x128xi32, #tpu.memory_space<vmem>> -> memref<128xi32, #tpu.memory_space<vmem>>
        %dma_start3A_295 = arith.constant 0 : i32
        %dma_start3A_296 = arith.constant 0 : i32
        %dma_start3A_297 = tpu.memref_slice %arg2[%dma_start3A_295, %dma_start3A_296] : memref<150000x32xf32, #tpu.memory_space<hbm>> -> memref<150000x32xf32, #tpu.memory_space<hbm>>
        tpu.enqueue_indirect_dma source(%dma_start3A_297 : memref<150000x32xf32, #tpu.memory_space<hbm>>) target(%dma_start3A_291 : memref<128x32xf32, #tpu.memory_space<vmem>>) offsets(%dma_start3A_294 : memref<128xi32, #tpu.memory_space<vmem>>) semaphore(%arg11 : memref<!tpu.dma_semaphore, #tpu.memory_space<semaphore_mem>>)
      } else {
      }
      %scan3A_237 = arith.constant 0 : i32
      %scan3A_238 = arith.constant 0 : i32
      %scan3A_239 = arith.constant 32 : i32
      %scan3A_240 = arith.addi %scan3A_238, %scan3A_239 : i32
      %scan3A_241 = arith.constant 1 : i32
      %scan3A_242 = scf.for %scan3A_254 = %scan3A_238 to %scan3A_240 step %scan3A_241 iter_args(%scan3A_255 = %scan3A_237) -> (i32)  : i32 {
        %mul3A_256 = arith.constant 4 : i32
        %mul3A_257 = arith.muli %scan3A_254, %mul3A_256 : i32
        %add3A_258 = arith.constant 0 : i32
        %add3A_259 = arith.addi %mul3A_257, %add3A_258 : i32
        %get3A = arith.constant 0 : i32
        %get3A_260 = arith.index_cast %get3A : i32 to index
        %get3A_261 = arith.index_cast %add3A_259 : i32 to index
        %get3A_262 = arith.constant 0 : index
        %get3A_263 = tpu.vector_load %arg8[%get3A_260, %get3A_261, %get3A_262] {strides = array<i32>} : memref<3x128x32xf32, #tpu.memory_space<vmem>>, vector<1x1x16xf32>,
        %get3A_264 = vector.shape_cast %get3A_263 : vector<1x1x16xf32> to vector<16xf32>
        %get3A_265 = arith.constant 1 : i32
        %get3A_266 = arith.index_cast %get3A_265 : i32 to index
        %get3A_267 = arith.index_cast %add3A_259 : i32 to index
        %get3A_268 = arith.constant 0 : index
        %get3A_269 = tpu.vector_load %arg8[%get3A_266, %get3A_267, %get3A_268] {strides = array<i32>} : memref<3x128x32xf32, #tpu.memory_space<vmem>>, vector<1x1x16xf32>,
        %get3A_270 = vector.shape_cast %get3A_269 : vector<1x1x16xf32> to vector<16xf32>
        %add3A_271 = arith.addf %get3A_264, %get3A_270 : vector<16xf32>
        %get3A_272 = arith.constant 2 : i32
        %get3A_273 = arith.index_cast %get3A_272 : i32 to index
        %get3A_274 = arith.index_cast %add3A_259 : i32 to index
        %get3A_275 = arith.constant 0 : index
        %get3A_276 = tpu.vector_load %arg8[%get3A_273, %get3A_274, %get3A_275] {strides = array<i32>} : memref<3x128x32xf32, #tpu.memory_space<vmem>>, vector<1x1x16xf32>,
        %get3A_277 = vector.shape_cast %get3A_276 : vector<1x1x16xf32> to vector<16xf32>
        %add3A_278 = arith.addf %add3A_271, %get3A_277 : vector<16xf32>
        %mul3A_279 = arith.constant 4.000000e+00 : f32
        %mul3A_280 = vector.broadcast %mul3A_279 : f32 to vector<16xf32>
        %mul3A_281 = arith.mulf %mul3A_280, %add3A_278 : vector<16xf32>
        %sub3A = arith.constant 4.000000e+00 : f32
        %sub3A_282 = vector.broadcast %sub3A : f32 to vector<16xf32>
        %sub3A_283 = arith.subf %mul3A_281, %sub3A_282 : vector<16xf32>
        %exp3A = math.exp %sub3A_283 : vector<16xf32>
        %swap3A = arith.constant 0 : i32
        %swap3A_284 = arith.index_cast %swap3A : i32 to index
        %swap3A_285 = arith.index_cast %add3A_259 : i32 to index
        %swap3A_286 = arith.constant 0 : index
        %swap3A_287 = tpu.vector_load %arg8[%swap3A_284, %swap3A_285, %swap3A_286] {strides = array<i32>} : memref<3x128x32xf32, #tpu.memory_space<vmem>>, vector<1x1x16xf32>,
        %swap3A_288 = vector.shape_cast %swap3A_287 : vector<1x1x16xf32> to vector<16xf32>
        %swap3A_289 = vector.shape_cast %exp3A : vector<16xf32> to vector<1x1x16xf32>
        tpu.vector_store %arg8[%swap3A_284, %swap3A_285, %swap3A_286], %swap3A_289 {strides = array<i32>} : memref<3x128x32xf32, #tpu.memory_space<vmem>>, vector<1x1x16xf32>,
        %get3A_290 = arith.constant 0 : i32
        %get3A_291 = arith.index_cast %get3A_290 : i32 to index
        %get3A_292 = arith.index_cast %add3A_259 : i32 to index
        %get3A_293 = arith.constant 16 : index
        %get3A_294 = tpu.vector_load %arg8[%get3A_291, %get3A_292, %get3A_293] {strides = array<i32>} : memref<3x128x32xf32, #tpu.memory_space<vmem>>, vector<1x1x16xf32>,
        %get3A_295 = vector.shape_cast %get3A_294 : vector<1x1x16xf32> to vector<16xf32>
        %get3A_296 = arith.constant 1 : i32
        %get3A_297 = arith.index_cast %get3A_296 : i32 to index
        %get3A_298 = arith.index_cast %add3A_259 : i32 to index
        %get3A_299 = arith.constant 16 : index
        %get3A_300 = tpu.vector_load %arg8[%get3A_297, %get3A_298, %get3A_299] {strides = array<i32>} : memref<3x128x32xf32, #tpu.memory_space<vmem>>, vector<1x1x16xf32>,
        %get3A_301 = vector.shape_cast %get3A_300 : vector<1x1x16xf32> to vector<16xf32>
        %add3A_302 = arith.addf %get3A_295, %get3A_301 : vector<16xf32>
        %get3A_303 = arith.constant 2 : i32
        %get3A_304 = arith.index_cast %get3A_303 : i32 to index
        %get3A_305 = arith.index_cast %add3A_259 : i32 to index
        %get3A_306 = arith.constant 16 : index
        %get3A_307 = tpu.vector_load %arg8[%get3A_304, %get3A_305, %get3A_306] {strides = array<i32>} : memref<3x128x32xf32, #tpu.memory_space<vmem>>, vector<1x1x16xf32>,
        %get3A_308 = vector.shape_cast %get3A_307 : vector<1x1x16xf32> to vector<16xf32>
        %add3A_309 = arith.addf %add3A_302, %get3A_308 : vector<16xf32>
        %mul3A_310 = arith.constant 4.000000e+00 : f32
        %mul3A_311 = vector.broadcast %mul3A_310 : f32 to vector<16xf32>
        %mul3A_312 = arith.mulf %mul3A_311, %add3A_309 : vector<16xf32>
        %sub3A_313 = arith.constant 4.000000e+00 : f32
        %sub3A_314 = vector.broadcast %sub3A_313 : f32 to vector<16xf32>
        %sub3A_315 = arith.subf %mul3A_312, %sub3A_314 : vector<16xf32>
        %exp3A_316 = math.exp %sub3A_315 : vector<16xf32>
        %swap3A_317 = arith.constant 0 : i32
        %swap3A_318 = arith.index_cast %swap3A_317 : i32 to index
        %swap3A_319 = arith.index_cast %add3A_259 : i32 to index
        %swap3A_320 = arith.constant 16 : index
        %swap3A_321 = tpu.vector_load %arg8[%swap3A_318, %swap3A_319, %swap3A_320] {strides = array<i32>} : memref<3x128x32xf32, #tpu.memory_space<vmem>>, vector<1x1x16xf32>,
        %swap3A_322 = vector.shape_cast %swap3A_321 : vector<1x1x16xf32> to vector<16xf32>
        %swap3A_323 = vector.shape_cast %exp3A_316 : vector<16xf32> to vector<1x1x16xf32>
        tpu.vector_store %arg8[%swap3A_318, %swap3A_319, %swap3A_320], %swap3A_323 {strides = array<i32>} : memref<3x128x32xf32, #tpu.memory_space<vmem>>, vector<1x1x16xf32>,
        %mul3A_324 = arith.constant 4 : i32
        %mul3A_325 = arith.muli %scan3A_254, %mul3A_324 : i32
        %add3A_326 = arith.constant 1 : i32
        %add3A_327 = arith.addi %mul3A_325, %add3A_326 : i32
        %get3A_328 = arith.constant 0 : i32
        %get3A_329 = arith.index_cast %get3A_328 : i32 to index
        %get3A_330 = arith.index_cast %add3A_327 : i32 to index
        %get3A_331 = arith.constant 0 : index
        %get3A_332 = tpu.vector_load %arg8[%get3A_329, %get3A_330, %get3A_331] {strides = array<i32>} : memref<3x128x32xf32, #tpu.memory_space<vmem>>, vector<1x1x16xf32>,
        %get3A_333 = vector.shape_cast %get3A_332 : vector<1x1x16xf32> to vector<16xf32>
        %get3A_334 = arith.constant 1 : i32
        %get3A_335 = arith.index_cast %get3A_334 : i32 to index
        %get3A_336 = arith.index_cast %add3A_327 : i32 to index
        %get3A_337 = arith.constant 0 : index
        %get3A_338 = tpu.vector_load %arg8[%get3A_335, %get3A_336, %get3A_337] {strides = array<i32>} : memref<3x128x32xf32, #tpu.memory_space<vmem>>, vector<1x1x16xf32>,
        %get3A_339 = vector.shape_cast %get3A_338 : vector<1x1x16xf32> to vector<16xf32>
        %add3A_340 = arith.addf %get3A_333, %get3A_339 : vector<16xf32>
        %get3A_341 = arith.constant 2 : i32
        %get3A_342 = arith.index_cast %get3A_341 : i32 to index
        %get3A_343 = arith.index_cast %add3A_327 : i32 to index
        %get3A_344 = arith.constant 0 : index
        %get3A_345 = tpu.vector_load %arg8[%get3A_342, %get3A_343, %get3A_344] {strides = array<i32>} : memref<3x128x32xf32, #tpu.memory_space<vmem>>, vector<1x1x16xf32>,
        %get3A_346 = vector.shape_cast %get3A_345 : vector<1x1x16xf32> to vector<16xf32>
        %add3A_347 = arith.addf %add3A_340, %get3A_346 : vector<16xf32>
        %mul3A_348 = arith.constant 4.000000e+00 : f32
        %mul3A_349 = vector.broadcast %mul3A_348 : f32 to vector<16xf32>
        %mul3A_350 = arith.mulf %mul3A_349, %add3A_347 : vector<16xf32>
        %sub3A_351 = arith.constant 4.000000e+00 : f32
        %sub3A_352 = vector.broadcast %sub3A_351 : f32 to vector<16xf32>
        %sub3A_353 = arith.subf %mul3A_350, %sub3A_352 : vector<16xf32>
        %exp3A_354 = math.exp %sub3A_353 : vector<16xf32>
        %swap3A_355 = arith.constant 0 : i32
        %swap3A_356 = arith.index_cast %swap3A_355 : i32 to index
        %swap3A_357 = arith.index_cast %add3A_327 : i32 to index
        %swap3A_358 = arith.constant 0 : index
        %swap3A_359 = tpu.vector_load %arg8[%swap3A_356, %swap3A_357, %swap3A_358] {strides = array<i32>} : memref<3x128x32xf32, #tpu.memory_space<vmem>>, vector<1x1x16xf32>,
        %swap3A_360 = vector.shape_cast %swap3A_359 : vector<1x1x16xf32> to vector<16xf32>
        %swap3A_361 = vector.shape_cast %exp3A_354 : vector<16xf32> to vector<1x1x16xf32>
        tpu.vector_store %arg8[%swap3A_356, %swap3A_357, %swap3A_358], %swap3A_361 {strides = array<i32>} : memref<3x128x32xf32, #tpu.memory_space<vmem>>, vector<1x1x16xf32>,
        %get3A_362 = arith.constant 0 : i32
        %get3A_363 = arith.index_cast %get3A_362 : i32 to index
        %get3A_364 = arith.index_cast %add3A_327 : i32 to index
        %get3A_365 = arith.constant 16 : index
        %get3A_366 = tpu.vector_load %arg8[%get3A_363, %get3A_364, %get3A_365] {strides = array<i32>} : memref<3x128x32xf32, #tpu.memory_space<vmem>>, vector<1x1x16xf32>,
        %get3A_367 = vector.shape_cast %get3A_366 : vector<1x1x16xf32> to vector<16xf32>
        %get3A_368 = arith.constant 1 : i32
        %get3A_369 = arith.index_cast %get3A_368 : i32 to index
        %get3A_370 = arith.index_cast %add3A_327 : i32 to index
        %get3A_371 = arith.constant 16 : index
        %get3A_372 = tpu.vector_load %arg8[%get3A_369, %get3A_370, %get3A_371] {strides = array<i32>} : memref<3x128x32xf32, #tpu.memory_space<vmem>>, vector<1x1x16xf32>,
        %get3A_373 = vector.shape_cast %get3A_372 : vector<1x1x16xf32> to vector<16xf32>
        %add3A_374 = arith.addf %get3A_367, %get3A_373 : vector<16xf32>
        %get3A_375 = arith.constant 2 : i32
        %get3A_376 = arith.index_cast %get3A_375 : i32 to index
        %get3A_377 = arith.index_cast %add3A_327 : i32 to index
        %get3A_378 = arith.constant 16 : index
        %get3A_379 = tpu.vector_load %arg8[%get3A_376, %get3A_377, %get3A_378] {strides = array<i32>} : memref<3x128x32xf32, #tpu.memory_space<vmem>>, vector<1x1x16xf32>,
        %get3A_380 = vector.shape_cast %get3A_379 : vector<1x1x16xf32> to vector<16xf32>
        %add3A_381 = arith.addf %add3A_374, %get3A_380 : vector<16xf32>
        %mul3A_382 = arith.constant 4.000000e+00 : f32
        %mul3A_383 = vector.broadcast %mul3A_382 : f32 to vector<16xf32>
        %mul3A_384 = arith.mulf %mul3A_383, %add3A_381 : vector<16xf32>
        %sub3A_385 = arith.constant 4.000000e+00 : f32
        %sub3A_386 = vector.broadcast %sub3A_385 : f32 to vector<16xf32>
        %sub3A_387 = arith.subf %mul3A_384, %sub3A_386 : vector<16xf32>
        %exp3A_388 = math.exp %sub3A_387 : vector<16xf32>
        %swap3A_389 = arith.constant 0 : i32
        %swap3A_390 = arith.index_cast %swap3A_389 : i32 to index
        %swap3A_391 = arith.index_cast %add3A_327 : i32 to index
        %swap3A_392 = arith.constant 16 : index
        %swap3A_393 = tpu.vector_load %arg8[%swap3A_390, %swap3A_391, %swap3A_392] {strides = array<i32>} : memref<3x128x32xf32, #tpu.memory_space<vmem>>, vector<1x1x16xf32>,
        %swap3A_394 = vector.shape_cast %swap3A_393 : vector<1x1x16xf32> to vector<16xf32>
        %swap3A_395 = vector.shape_cast %exp3A_388 : vector<16xf32> to vector<1x1x16xf32>
        tpu.vector_store %arg8[%swap3A_390, %swap3A_391, %swap3A_392], %swap3A_395 {strides = array<i32>} : memref<3x128x32xf32, #tpu.memory_space<vmem>>, vector<1x1x16xf32>,
        %mul3A_396 = arith.constant 4 : i32
        %mul3A_397 = arith.muli %scan3A_254, %mul3A_396 : i32
        %add3A_398 = arith.constant 2 : i32
        %add3A_399 = arith.addi %mul3A_397, %add3A_398 : i32
        %get3A_400 = arith.constant 0 : i32
        %get3A_401 = arith.index_cast %get3A_400 : i32 to index
        %get3A_402 = arith.index_cast %add3A_399 : i32 to index
        %get3A_403 = arith.constant 0 : index
        %get3A_404 = tpu.vector_load %arg8[%get3A_401, %get3A_402, %get3A_403] {strides = array<i32>} : memref<3x128x32xf32, #tpu.memory_space<vmem>>, vector<1x1x16xf32>,
        %get3A_405 = vector.shape_cast %get3A_404 : vector<1x1x16xf32> to vector<16xf32>
        %get3A_406 = arith.constant 1 : i32
        %get3A_407 = arith.index_cast %get3A_406 : i32 to index
        %get3A_408 = arith.index_cast %add3A_399 : i32 to index
        %get3A_409 = arith.constant 0 : index
        %get3A_410 = tpu.vector_load %arg8[%get3A_407, %get3A_408, %get3A_409] {strides = array<i32>} : memref<3x128x32xf32, #tpu.memory_space<vmem>>, vector<1x1x16xf32>,
        %get3A_411 = vector.shape_cast %get3A_410 : vector<1x1x16xf32> to vector<16xf32>
        %add3A_412 = arith.addf %get3A_405, %get3A_411 : vector<16xf32>
        %get3A_413 = arith.constant 2 : i32
        %get3A_414 = arith.index_cast %get3A_413 : i32 to index
        %get3A_415 = arith.index_cast %add3A_399 : i32 to index
        %get3A_416 = arith.constant 0 : index
        %get3A_417 = tpu.vector_load %arg8[%get3A_414, %get3A_415, %get3A_416] {strides = array<i32>} : memref<3x128x32xf32, #tpu.memory_space<vmem>>, vector<1x1x16xf32>,
        %get3A_418 = vector.shape_cast %get3A_417 : vector<1x1x16xf32> to vector<16xf32>
        %add3A_419 = arith.addf %add3A_412, %get3A_418 : vector<16xf32>
        %mul3A_420 = arith.constant 4.000000e+00 : f32
        %mul3A_421 = vector.broadcast %mul3A_420 : f32 to vector<16xf32>
        %mul3A_422 = arith.mulf %mul3A_421, %add3A_419 : vector<16xf32>
        %sub3A_423 = arith.constant 4.000000e+00 : f32
        %sub3A_424 = vector.broadcast %sub3A_423 : f32 to vector<16xf32>
        %sub3A_425 = arith.subf %mul3A_422, %sub3A_424 : vector<16xf32>
        %exp3A_426 = math.exp %sub3A_425 : vector<16xf32>
        %swap3A_427 = arith.constant 0 : i32
        %swap3A_428 = arith.index_cast %swap3A_427 : i32 to index
        %swap3A_429 = arith.index_cast %add3A_399 : i32 to index
        %swap3A_430 = arith.constant 0 : index
        %swap3A_431 = tpu.vector_load %arg8[%swap3A_428, %swap3A_429, %swap3A_430] {strides = array<i32>} : memref<3x128x32xf32, #tpu.memory_space<vmem>>, vector<1x1x16xf32>,
        %swap3A_432 = vector.shape_cast %swap3A_431 : vector<1x1x16xf32> to vector<16xf32>
        %swap3A_433 = vector.shape_cast %exp3A_426 : vector<16xf32> to vector<1x1x16xf32>
        tpu.vector_store %arg8[%swap3A_428, %swap3A_429, %swap3A_430], %swap3A_433 {strides = array<i32>} : memref<3x128x32xf32, #tpu.memory_space<vmem>>, vector<1x1x16xf32>,
        %get3A_434 = arith.constant 0 : i32
        %get3A_435 = arith.index_cast %get3A_434 : i32 to index
        %get3A_436 = arith.index_cast %add3A_399 : i32 to index
        %get3A_437 = arith.constant 16 : index
        %get3A_438 = tpu.vector_load %arg8[%get3A_435, %get3A_436, %get3A_437] {strides = array<i32>} : memref<3x128x32xf32, #tpu.memory_space<vmem>>, vector<1x1x16xf32>,
        %get3A_439 = vector.shape_cast %get3A_438 : vector<1x1x16xf32> to vector<16xf32>
        %get3A_440 = arith.constant 1 : i32
        %get3A_441 = arith.index_cast %get3A_440 : i32 to index
        %get3A_442 = arith.index_cast %add3A_399 : i32 to index
        %get3A_443 = arith.constant 16 : index
        %get3A_444 = tpu.vector_load %arg8[%get3A_441, %get3A_442, %get3A_443] {strides = array<i32>} : memref<3x128x32xf32, #tpu.memory_space<vmem>>, vector<1x1x16xf32>,
        %get3A_445 = vector.shape_cast %get3A_444 : vector<1x1x16xf32> to vector<16xf32>
        %add3A_446 = arith.addf %get3A_439, %get3A_445 : vector<16xf32>
        %get3A_447 = arith.constant 2 : i32
        %get3A_448 = arith.index_cast %get3A_447 : i32 to index
        %get3A_449 = arith.index_cast %add3A_399 : i32 to index
        %get3A_450 = arith.constant 16 : index
        %get3A_451 = tpu.vector_load %arg8[%get3A_448, %get3A_449, %get3A_450] {strides = array<i32>} : memref<3x128x32xf32, #tpu.memory_space<vmem>>, vector<1x1x16xf32>,
        %get3A_452 = vector.shape_cast %get3A_451 : vector<1x1x16xf32> to vector<16xf32>
        %add3A_453 = arith.addf %add3A_446, %get3A_452 : vector<16xf32>
        %mul3A_454 = arith.constant 4.000000e+00 : f32
        %mul3A_455 = vector.broadcast %mul3A_454 : f32 to vector<16xf32>
        %mul3A_456 = arith.mulf %mul3A_455, %add3A_453 : vector<16xf32>
        %sub3A_457 = arith.constant 4.000000e+00 : f32
        %sub3A_458 = vector.broadcast %sub3A_457 : f32 to vector<16xf32>
        %sub3A_459 = arith.subf %mul3A_456, %sub3A_458 : vector<16xf32>
        %exp3A_460 = math.exp %sub3A_459 : vector<16xf32>
        %swap3A_461 = arith.constant 0 : i32
        %swap3A_462 = arith.index_cast %swap3A_461 : i32 to index
        %swap3A_463 = arith.index_cast %add3A_399 : i32 to index
        %swap3A_464 = arith.constant 16 : index
        %swap3A_465 = tpu.vector_load %arg8[%swap3A_462, %swap3A_463, %swap3A_464] {strides = array<i32>} : memref<3x128x32xf32, #tpu.memory_space<vmem>>, vector<1x1x16xf32>,
        %swap3A_466 = vector.shape_cast %swap3A_465 : vector<1x1x16xf32> to vector<16xf32>
        %swap3A_467 = vector.shape_cast %exp3A_460 : vector<16xf32> to vector<1x1x16xf32>
        tpu.vector_store %arg8[%swap3A_462, %swap3A_463, %swap3A_464], %swap3A_467 {strides = array<i32>} : memref<3x128x32xf32, #tpu.memory_space<vmem>>, vector<1x1x16xf32>,
        %mul3A_468 = arith.constant 4 : i32
        %mul3A_469 = arith.muli %scan3A_254, %mul3A_468 : i32
        %add3A_470 = arith.constant 3 : i32
        %add3A_471 = arith.addi %mul3A_469, %add3A_470 : i32
        %get3A_472 = arith.constant 0 : i32
        %get3A_473 = arith.index_cast %get3A_472 : i32 to index
        %get3A_474 = arith.index_cast %add3A_471 : i32 to index
        %get3A_475 = arith.constant 0 : index
        %get3A_476 = tpu.vector_load %arg8[%get3A_473, %get3A_474, %get3A_475] {strides = array<i32>} : memref<3x128x32xf32, #tpu.memory_space<vmem>>, vector<1x1x16xf32>,
        %get3A_477 = vector.shape_cast %get3A_476 : vector<1x1x16xf32> to vector<16xf32>
        %get3A_478 = arith.constant 1 : i32
        %get3A_479 = arith.index_cast %get3A_478 : i32 to index
        %get3A_480 = arith.index_cast %add3A_471 : i32 to index
        %get3A_481 = arith.constant 0 : index
        %get3A_482 = tpu.vector_load %arg8[%get3A_479, %get3A_480, %get3A_481] {strides = array<i32>} : memref<3x128x32xf32, #tpu.memory_space<vmem>>, vector<1x1x16xf32>,
        %get3A_483 = vector.shape_cast %get3A_482 : vector<1x1x16xf32> to vector<16xf32>
        %add3A_484 = arith.addf %get3A_477, %get3A_483 : vector<16xf32>
        %get3A_485 = arith.constant 2 : i32
        %get3A_486 = arith.index_cast %get3A_485 : i32 to index
        %get3A_487 = arith.index_cast %add3A_471 : i32 to index
        %get3A_488 = arith.constant 0 : index
        %get3A_489 = tpu.vector_load %arg8[%get3A_486, %get3A_487, %get3A_488] {strides = array<i32>} : memref<3x128x32xf32, #tpu.memory_space<vmem>>, vector<1x1x16xf32>,
        %get3A_490 = vector.shape_cast %get3A_489 : vector<1x1x16xf32> to vector<16xf32>
        %add3A_491 = arith.addf %add3A_484, %get3A_490 : vector<16xf32>
        %mul3A_492 = arith.constant 4.000000e+00 : f32
        %mul3A_493 = vector.broadcast %mul3A_492 : f32 to vector<16xf32>
        %mul3A_494 = arith.mulf %mul3A_493, %add3A_491 : vector<16xf32>
        %sub3A_495 = arith.constant 4.000000e+00 : f32
        %sub3A_496 = vector.broadcast %sub3A_495 : f32 to vector<16xf32>
        %sub3A_497 = arith.subf %mul3A_494, %sub3A_496 : vector<16xf32>
        %exp3A_498 = math.exp %sub3A_497 : vector<16xf32>
        %swap3A_499 = arith.constant 0 : i32
        %swap3A_500 = arith.index_cast %swap3A_499 : i32 to index
        %swap3A_501 = arith.index_cast %add3A_471 : i32 to index
        %swap3A_502 = arith.constant 0 : index
        %swap3A_503 = tpu.vector_load %arg8[%swap3A_500, %swap3A_501, %swap3A_502] {strides = array<i32>} : memref<3x128x32xf32, #tpu.memory_space<vmem>>, vector<1x1x16xf32>,
        %swap3A_504 = vector.shape_cast %swap3A_503 : vector<1x1x16xf32> to vector<16xf32>
        %swap3A_505 = vector.shape_cast %exp3A_498 : vector<16xf32> to vector<1x1x16xf32>
        tpu.vector_store %arg8[%swap3A_500, %swap3A_501, %swap3A_502], %swap3A_505 {strides = array<i32>} : memref<3x128x32xf32, #tpu.memory_space<vmem>>, vector<1x1x16xf32>,
        %get3A_506 = arith.constant 0 : i32
        %get3A_507 = arith.index_cast %get3A_506 : i32 to index
        %get3A_508 = arith.index_cast %add3A_471 : i32 to index
        %get3A_509 = arith.constant 16 : index
        %get3A_510 = tpu.vector_load %arg8[%get3A_507, %get3A_508, %get3A_509] {strides = array<i32>} : memref<3x128x32xf32, #tpu.memory_space<vmem>>, vector<1x1x16xf32>,
        %get3A_511 = vector.shape_cast %get3A_510 : vector<1x1x16xf32> to vector<16xf32>
        %get3A_512 = arith.constant 1 : i32
        %get3A_513 = arith.index_cast %get3A_512 : i32 to index
        %get3A_514 = arith.index_cast %add3A_471 : i32 to index
        %get3A_515 = arith.constant 16 : index
        %get3A_516 = tpu.vector_load %arg8[%get3A_513, %get3A_514, %get3A_515] {strides = array<i32>} : memref<3x128x32xf32, #tpu.memory_space<vmem>>, vector<1x1x16xf32>,
        %get3A_517 = vector.shape_cast %get3A_516 : vector<1x1x16xf32> to vector<16xf32>
        %add3A_518 = arith.addf %get3A_511, %get3A_517 : vector<16xf32>
        %get3A_519 = arith.constant 2 : i32
        %get3A_520 = arith.index_cast %get3A_519 : i32 to index
        %get3A_521 = arith.index_cast %add3A_471 : i32 to index
        %get3A_522 = arith.constant 16 : index
        %get3A_523 = tpu.vector_load %arg8[%get3A_520, %get3A_521, %get3A_522] {strides = array<i32>} : memref<3x128x32xf32, #tpu.memory_space<vmem>>, vector<1x1x16xf32>,
        %get3A_524 = vector.shape_cast %get3A_523 : vector<1x1x16xf32> to vector<16xf32>
        %add3A_525 = arith.addf %add3A_518, %get3A_524 : vector<16xf32>
        %mul3A_526 = arith.constant 4.000000e+00 : f32
        %mul3A_527 = vector.broadcast %mul3A_526 : f32 to vector<16xf32>
        %mul3A_528 = arith.mulf %mul3A_527, %add3A_525 : vector<16xf32>
        %sub3A_529 = arith.constant 4.000000e+00 : f32
        %sub3A_530 = vector.broadcast %sub3A_529 : f32 to vector<16xf32>
        %sub3A_531 = arith.subf %mul3A_528, %sub3A_530 : vector<16xf32>
        %exp3A_532 = math.exp %sub3A_531 : vector<16xf32>
        %swap3A_533 = arith.constant 0 : i32
        %swap3A_534 = arith.index_cast %swap3A_533 : i32 to index
        %swap3A_535 = arith.index_cast %add3A_471 : i32 to index
        %swap3A_536 = arith.constant 16 : index
        %swap3A_537 = tpu.vector_load %arg8[%swap3A_534, %swap3A_535, %swap3A_536] {strides = array<i32>} : memref<3x128x32xf32, #tpu.memory_space<vmem>>, vector<1x1x16xf32>,
        %swap3A_538 = vector.shape_cast %swap3A_537 : vector<1x1x16xf32> to vector<16xf32>
        %swap3A_539 = vector.shape_cast %exp3A_532 : vector<16xf32> to vector<1x1x16xf32>
        tpu.vector_store %arg8[%swap3A_534, %swap3A_535, %swap3A_536], %swap3A_539 {strides = array<i32>} : memref<3x128x32xf32, #tpu.memory_space<vmem>>, vector<1x1x16xf32>,
        %scan3A_540 = arith.constant 0 : i32
        scf.yield %scan3A_540 : i32
      }
      %scan3A_243 = arith.constant 32 : i32
      %run_scoped3A_244 = arith.constant 0 : i32
      %run_scoped3A_245 = arith.constant 3 : i32
      "tpu.region"() ({
        %run_scoped3A_254 = tpu.sem_alloc : memref<!tpu.dma_semaphore, #tpu.memory_space<semaphore_mem>>
        %dma_start3A_255 = arith.constant 0 : i32
        %dma_start3A_256 = arith.constant 0 : i32
        %dma_start3A_257 = tpu.memref_slice %arg8[%run_scoped3A_244, %dma_start3A_255, %dma_start3A_256] : memref<3x128x32xf32, #tpu.memory_space<vmem>> -> memref<1x128x32xf32, #tpu.memory_space<vmem>>
        %dma_start3A_258 = tpu.memref_squeeze %dma_start3A_257 : memref<1x128x32xf32, #tpu.memory_space<vmem>> -> memref<128x32xf32, #tpu.memory_space<vmem>>
        %dma_start3A_259 = arith.constant 0 : i32
        %dma_start3A_260 = tpu.memref_slice %arg6[%run_scoped3A_245, %dma_start3A_259] : memref<4x128xi32, #tpu.memory_space<vmem>> -> memref<1x128xi32, #tpu.memory_space<vmem>>
        %dma_start3A_261 = tpu.memref_squeeze %dma_start3A_260 : memref<1x128xi32, #tpu.memory_space<vmem>> -> memref<128xi32, #tpu.memory_space<vmem>>
        %dma_start3A_262 = arith.constant 0 : i32
        %dma_start3A_263 = arith.constant 0 : i32
        %dma_start3A_264 = tpu.memref_slice %arg9[%dma_start3A_262, %dma_start3A_263] : memref<50048x32xf32, #tpu.memory_space<vmem_shared>> -> memref<50048x32xf32, #tpu.memory_space<vmem_shared>>
        tpu.enqueue_indirect_dma source(%dma_start3A_258 : memref<128x32xf32, #tpu.memory_space<vmem>>) target(%dma_start3A_264 : memref<50048x32xf32, #tpu.memory_space<vmem_shared>>) offsets(%dma_start3A_261 : memref<128xi32, #tpu.memory_space<vmem>>) semaphore(%run_scoped3A_254 : memref<!tpu.dma_semaphore, #tpu.memory_space<semaphore_mem>>) {add = true}
        %dma_wait3A_265 = arith.constant 0 : i32
        %dma_wait3A_266 = arith.constant 0 : i32
        %dma_wait3A_267 = tpu.memref_slice %arg8[%run_scoped3A_244, %dma_wait3A_265, %dma_wait3A_266] : memref<3x128x32xf32, #tpu.memory_space<vmem>> -> memref<1x128x32xf32, #tpu.memory_space<vmem>>
        %dma_wait3A_268 = tpu.memref_squeeze %dma_wait3A_267 : memref<1x128x32xf32, #tpu.memory_space<vmem>> -> memref<128x32xf32, #tpu.memory_space<vmem>>
        %dma_wait3A_269 = arith.constant 0 : i32
        %dma_wait3A_270 = tpu.memref_slice %arg6[%run_scoped3A_245, %dma_wait3A_269] : memref<4x128xi32, #tpu.memory_space<vmem>> -> memref<1x128xi32, #tpu.memory_space<vmem>>
        %dma_wait3A_271 = tpu.memref_squeeze %dma_wait3A_270 : memref<1x128xi32, #tpu.memory_space<vmem>> -> memref<128xi32, #tpu.memory_space<vmem>>
        %dma_wait3A_272 = arith.constant 0 : i32
        %dma_wait3A_273 = arith.constant 0 : i32
        %dma_wait3A_274 = tpu.memref_slice %arg9[%dma_wait3A_272, %dma_wait3A_273] : memref<50048x32xf32, #tpu.memory_space<vmem_shared>> -> memref<50048x32xf32, #tpu.memory_space<vmem_shared>>
        tpu.wait_indirect_dma semaphore(%run_scoped3A_254 : memref<!tpu.dma_semaphore, #tpu.memory_space<semaphore_mem>>) src(%dma_wait3A_268 : memref<128x32xf32, #tpu.memory_space<vmem>>) dst(%dma_wait3A_274 : memref<50048x32xf32, #tpu.memory_space<vmem_shared>>)
        tpu.yield
      }) : () -> ()
      %add3A_246 = arith.constant 2 : i32
      %add3A_247 = arith.addi %add3A_184, %add3A_246 : i32
      %lt3A_248 = arith.constant 196 : i32
      %lt3A_249 = arith.cmpi slt, %add3A_247, %lt3A_248 : i32
      %convert_element_type3A_250 = arith.extui %lt3A_249 : i1 to i32
      %cond3A_251 = arith.constant 0 : i32
      %cond3A_252 = arith.cmpi ne, %convert_element_type3A_250, %cond3A_251 : i32
      scf.if %cond3A_252 {
        %add3A_254 = arith.addi %mul3A_2, %add3A_184 : i32
        %add3A_255 = arith.constant 2 : i32
        %add3A_256 = arith.addi %add3A_254, %add3A_255 : i32
        %dma_start3A_257 = arith.constant 0 : i32
        %dma_start3A_258 = arith.constant 0 : i32
        %dma_start3A_259 = tpu.memref_slice %arg3[%add3A_256, %dma_start3A_257, %dma_start3A_258] : memref<6272x4x128xi32, #tpu.memory_space<hbm>> -> memref<1x4x128xi32, #tpu.memory_space<hbm>>
        %dma_start3A_260 = tpu.memref_squeeze %dma_start3A_259 : memref<1x4x128xi32, #tpu.memory_space<hbm>> -> memref<4x128xi32, #tpu.memory_space<hbm>>
        %dma_start3A_261 = arith.constant 0 : i32
        %dma_start3A_262 = arith.constant 0 : i32
        %dma_start3A_263 = tpu.memref_slice %arg3[%add3A_256, %dma_start3A_261, %dma_start3A_262] : memref<6272x4x128xi32, #tpu.memory_space<hbm>> -> memref<1x4x128xi32, #tpu.memory_space<hbm>>
        %dma_start3A_264 = tpu.memref_squeeze %dma_start3A_263 : memref<1x4x128xi32, #tpu.memory_space<hbm>> -> memref<4x128xi32, #tpu.memory_space<hbm>>
        tpu.enqueue_dma source(%dma_start3A_264 : memref<4x128xi32, #tpu.memory_space<hbm>>) target(%arg6 : memref<4x128xi32, #tpu.memory_space<vmem>>) target_semaphore(%arg10 : memref<!tpu.dma_semaphore, #tpu.memory_space<semaphore_mem>>)
      } else {
      }
      %scan3A_253 = arith.constant 0 : i32
      scf.yield %scan3A_253 : i32
    }
    %scan3A_105 = arith.constant 98 : i32
    %barrier3A_106 = arith.constant 0 : index
    tpu.barrier barrier_id(%barrier3A_106)
    %mul3A_107 = arith.constant 3128 : i32
    %mul3A_108 = arith.muli %arg1, %mul3A_107 : i32
    %mul3A_109 = arith.constant 3128 : i32
    %mul3A_110 = arith.muli %arg1, %mul3A_109 : i32
    "tpu.region"() ({
      %run_scoped3A = tpu.sem_alloc : memref<!tpu.dma_semaphore, #tpu.memory_space<semaphore_mem>>
      %dma_start3A_111 = arith.constant 0 : i32
      %dma_start3A_112 = tpu.memref_slice %arg4[%arg0, %mul3A_110, %dma_start3A_111] : memref<2x50048x32xf32, #tpu.memory_space<hbm>> -> memref<1x3128x32xf32, #tpu.memory_space<hbm>>
      %dma_start3A_113 = tpu.memref_squeeze %dma_start3A_112 : memref<1x3128x32xf32, #tpu.memory_space<hbm>> -> memref<3128x32xf32, #tpu.memory_space<hbm>>
      %dma_start3A_114 = arith.constant 0 : i32
      %dma_start3A_115 = tpu.memref_slice %arg9[%mul3A_108, %dma_start3A_114] : memref<50048x32xf32, #tpu.memory_space<vmem_shared>> -> memref<3128x32xf32, #tpu.memory_space<vmem_shared>>
      tpu.enqueue_dma source(%dma_start3A_115 : memref<3128x32xf32, #tpu.memory_space<vmem_shared>>) target(%dma_start3A_113 : memref<3128x32xf32, #tpu.memory_space<hbm>>) target_semaphore(%run_scoped3A : memref<!tpu.dma_semaphore, #tpu.memory_space<semaphore_mem>>)
      %dma_wait3A_116 = arith.constant 0 : i32
      %dma_wait3A_117 = tpu.memref_slice %arg4[%arg0, %mul3A_110, %dma_wait3A_116] : memref<2x50048x32xf32, #tpu.memory_space<hbm>> -> memref<1x3128x32xf32, #tpu.memory_space<hbm>>
      %dma_wait3A_118 = tpu.memref_squeeze %dma_wait3A_117 : memref<1x3128x32xf32, #tpu.memory_space<hbm>> -> memref<3128x32xf32, #tpu.memory_space<hbm>>
      %dma_wait3A_119 = arith.constant 0 : i32
      %dma_wait3A_120 = tpu.memref_slice %arg9[%mul3A_108, %dma_wait3A_119] : memref<50048x32xf32, #tpu.memory_space<vmem_shared>> -> memref<3128x32xf32, #tpu.memory_space<vmem_shared>>
      tpu.wait_dma2 semaphore(%run_scoped3A : memref<!tpu.dma_semaphore, #tpu.memory_space<semaphore_mem>>) src(%dma_wait3A_120 : memref<3128x32xf32, #tpu.memory_space<vmem_shared>>) dst(%dma_wait3A_118 : memref<3128x32xf32, #tpu.memory_space<hbm>>)
      tpu.yield
    }) : () -> ()
    return
  }
}

module attributes {stable_mosaic.version = 14 : i64} {
  func.func @_tc1_body(%arg0: i32, %arg1: memref<5000x128xf32, #tpu.memory_space<vmem>>, %arg2: memref<3x128x32xf32, #tpu.memory_space<vmem>>, %arg3: memref<3x5000x32xf32, #tpu.memory_space<vmem>>, %arg4: memref<32x32xf32, #tpu.memory_space<vmem>>) attributes {dimension_semantics = [#tpu.dimension_semantics<arbitrary>], iteration_bounds = array<i64: 10>, scalar_prefetch = 0 : i64, scratch_operands = 0 : i64, tpu.core_type = #tpu.core_type<tc>, window_params = [{transform_indices = @transform_0, window_bounds = array<i64: 5000, 128>}, {pipeline_mode = #tpu.pipeline_mode<synchronous>, transform_indices = @transform_1, window_bounds = array<i64: 3, 128, 32>}, {transform_indices = @transform_2, window_bounds = array<i64: 3, 5000, 32>}, {pipeline_mode = #tpu.pipeline_mode<synchronous>, transform_indices = @transform_3, window_bounds = array<i64: 32, 32>}]} {
    %get3A = arith.constant 0 : index
    %get3A_0 = arith.constant 0 : index
    %get3A_1 = arith.constant 0 : index
    %get3A_2 = vector.load %arg2[%get3A, %get3A_0, %get3A_1] : memref<3x128x32xf32, #tpu.memory_space<vmem>>, vector<3x128x32xf32>
    %reshape3A = vector.shape_cast %get3A_2 : vector<3x128x32xf32> to vector<384x32xf32>
    %mul3A = arith.mulf %reshape3A, %reshape3A : vector<384x32xf32>
    %reduce_sum3A = arith.constant dense<0.000000e+00> : vector<32xf32>
    %reduce_sum3A_3 = vector.multi_reduction <add>, %mul3A, %reduce_sum3A [0] : vector<384x32xf32> to vector<32xf32>
    %broadcast_in_dim3A = vector.shape_cast %reduce_sum3A_3 : vector<32xf32> to vector<1x32xf32>
    %sqrt3A = math.sqrt %broadcast_in_dim3A : vector<1x32xf32>
    %max3A = arith.constant 9.99999974E-5 : f32
    %max3A_4 = vector.broadcast %max3A : f32 to vector<1x32xf32>
    %max3A_5 = arith.maximumf %sqrt3A, %max3A_4 : vector<1x32xf32>
    %div3A = vector.broadcast %max3A_5 : vector<1x32xf32> to vector<384x32xf32>
    %div3A_6 = arith.divf %reshape3A, %div3A : vector<384x32xf32>
    %get3A_7 = arith.constant 0 : index
    %get3A_8 = arith.constant 0 : index
    %get3A_9 = vector.load %arg1[%get3A_7, %get3A_8] : memref<5000x128xf32, #tpu.memory_space<vmem>>, vector<5000x128xf32>
    %mul3A_10 = arith.mulf %get3A_9, %get3A_9 : vector<5000x128xf32>
    %reduce_sum3A_11 = arith.constant dense<0.000000e+00> : vector<5000xf32>
    %reduce_sum3A_12 = vector.multi_reduction <add>, %mul3A_10, %reduce_sum3A_11 [1] : vector<5000x128xf32> to vector<5000xf32>
    %broadcast_in_dim3A_13 = vector.shape_cast %reduce_sum3A_12 : vector<5000xf32> to vector<5000x1xf32>
    %max3A_14 = arith.constant 9.99999993E-9 : f32
    %max3A_15 = vector.broadcast %max3A_14 : f32 to vector<5000x1xf32>
    %max3A_16 = arith.maximumf %broadcast_in_dim3A_13, %max3A_15 : vector<5000x1xf32>
    %rsqrt3A = math.rsqrt %max3A_16 : vector<5000x1xf32>
    %mul3A_17 = vector.broadcast %rsqrt3A : vector<5000x1xf32> to vector<5000x128xf32>
    %mul3A_18 = arith.mulf %get3A_9, %mul3A_17 : vector<5000x128xf32>
    %reshape3A_19 = vector.shape_cast %div3A_6 : vector<384x32xf32> to vector<3x128x32xf32>
    %slice3A = vector.extract_strided_slice %reshape3A_19 {offsets = [0, 0, 0], sizes = [1, 128, 32], strides = [1, 1, 1]} : vector<3x128x32xf32> to vector<1x128x32xf32>
    %squeeze3A = vector.shape_cast %slice3A : vector<1x128x32xf32> to vector<128x32xf32>
    %dot_general3A = arith.constant dense<0.000000e+00> : vector<5000x32xf32>
    %dot_general3A_20 = tpu.matmul %mul3A_18, %squeeze3A, %dot_general3A {dimension_numbers = #tpu.dot_dimension_numbers<[1], [0], [0], [1], [0, 0, 1, 1], [], []>, transpose_lhs_hint = false} : vector<5000x128xf32>, vector<128x32xf32>, vector<5000x32xf32> -> vector<5000x32xf32>
    %mul3A_21 = arith.constant 0.333333343 : f32
    %mul3A_22 = vector.broadcast %mul3A_21 : f32 to vector<5000x32xf32>
    %mul3A_23 = arith.mulf %dot_general3A_20, %mul3A_22 : vector<5000x32xf32>
    %swap3A = arith.constant 0 : index
    %swap3A_24 = arith.constant 0 : index
    %swap3A_25 = arith.constant 0 : index
    %swap3A_26 = vector.load %arg3[%swap3A, %swap3A_24, %swap3A_25] : memref<3x5000x32xf32, #tpu.memory_space<vmem>>, vector<1x5000x32xf32>
    %swap3A_27 = vector.shape_cast %swap3A_26 : vector<1x5000x32xf32> to vector<5000x32xf32>
    %swap3A_28 = vector.shape_cast %mul3A_23 : vector<5000x32xf32> to vector<1x5000x32xf32>
    tpu.vector_store %arg3[%swap3A, %swap3A_24, %swap3A_25], %swap3A_28 {strides = array<i32>} : memref<3x5000x32xf32, #tpu.memory_space<vmem>>, vector<1x5000x32xf32>,
    %slice3A_29 = vector.extract_strided_slice %reshape3A_19 {offsets = [1, 0, 0], sizes = [1, 128, 32], strides = [1, 1, 1]} : vector<3x128x32xf32> to vector<1x128x32xf32>
    %squeeze3A_30 = vector.shape_cast %slice3A_29 : vector<1x128x32xf32> to vector<128x32xf32>
    %dot_general3A_31 = arith.constant dense<0.000000e+00> : vector<5000x32xf32>
    %dot_general3A_32 = tpu.matmul %mul3A_18, %squeeze3A_30, %dot_general3A_31 {dimension_numbers = #tpu.dot_dimension_numbers<[1], [0], [0], [1], [0, 0, 1, 1], [], []>, transpose_lhs_hint = false} : vector<5000x128xf32>, vector<128x32xf32>, vector<5000x32xf32> -> vector<5000x32xf32>
    %mul3A_33 = arith.constant 0.333333343 : f32
    %mul3A_34 = vector.broadcast %mul3A_33 : f32 to vector<5000x32xf32>
    %mul3A_35 = arith.mulf %dot_general3A_32, %mul3A_34 : vector<5000x32xf32>
    %swap3A_36 = arith.constant 1 : index
    %swap3A_37 = arith.constant 0 : index
    %swap3A_38 = arith.constant 0 : index
    %swap3A_39 = vector.load %arg3[%swap3A_36, %swap3A_37, %swap3A_38] : memref<3x5000x32xf32, #tpu.memory_space<vmem>>, vector<1x5000x32xf32>
    %swap3A_40 = vector.shape_cast %swap3A_39 : vector<1x5000x32xf32> to vector<5000x32xf32>
    %swap3A_41 = vector.shape_cast %mul3A_35 : vector<5000x32xf32> to vector<1x5000x32xf32>
    tpu.vector_store %arg3[%swap3A_36, %swap3A_37, %swap3A_38], %swap3A_41 {strides = array<i32>} : memref<3x5000x32xf32, #tpu.memory_space<vmem>>, vector<1x5000x32xf32>,
    %slice3A_42 = vector.extract_strided_slice %reshape3A_19 {offsets = [2, 0, 0], sizes = [1, 128, 32], strides = [1, 1, 1]} : vector<3x128x32xf32> to vector<1x128x32xf32>
    %squeeze3A_43 = vector.shape_cast %slice3A_42 : vector<1x128x32xf32> to vector<128x32xf32>
    %dot_general3A_44 = arith.constant dense<0.000000e+00> : vector<5000x32xf32>
    %dot_general3A_45 = tpu.matmul %mul3A_18, %squeeze3A_43, %dot_general3A_44 {dimension_numbers = #tpu.dot_dimension_numbers<[1], [0], [0], [1], [0, 0, 1, 1], [], []>, transpose_lhs_hint = false} : vector<5000x128xf32>, vector<128x32xf32>, vector<5000x32xf32> -> vector<5000x32xf32>
    %mul3A_46 = arith.constant 0.333333343 : f32
    %mul3A_47 = vector.broadcast %mul3A_46 : f32 to vector<5000x32xf32>
    %mul3A_48 = arith.mulf %dot_general3A_45, %mul3A_47 : vector<5000x32xf32>
    %swap3A_49 = arith.constant 2 : index
    %swap3A_50 = arith.constant 0 : index
    %swap3A_51 = arith.constant 0 : index
    %swap3A_52 = vector.load %arg3[%swap3A_49, %swap3A_50, %swap3A_51] : memref<3x5000x32xf32, #tpu.memory_space<vmem>>, vector<1x5000x32xf32>
    %swap3A_53 = vector.shape_cast %swap3A_52 : vector<1x5000x32xf32> to vector<5000x32xf32>
    %swap3A_54 = vector.shape_cast %mul3A_48 : vector<5000x32xf32> to vector<1x5000x32xf32>
    tpu.vector_store %arg3[%swap3A_49, %swap3A_50, %swap3A_51], %swap3A_54 {strides = array<i32>} : memref<3x5000x32xf32, #tpu.memory_space<vmem>>, vector<1x5000x32xf32>,
    %eq3A = arith.constant 0 : i32
    %eq3A_55 = arith.cmpi eq, %arg0, %eq3A : i32
    %convert_element_type3A = arith.extui %eq3A_55 : i1 to i32
    %cond3A = arith.constant 0 : i32
    %cond3A_56 = arith.cmpi ne, %convert_element_type3A, %cond3A : i32
    scf.if %cond3A_56 {
      %dot_general3A_57 = arith.constant dense<0.000000e+00> : vector<32x32xf32>
      %dot_general3A_58 = tpu.matmul %div3A_6, %div3A_6, %dot_general3A_57 {dimension_numbers = #tpu.dot_dimension_numbers<[0], [0], [1], [1], [0, 1, 1, 1], [], []>, transpose_lhs_hint = false} : vector<384x32xf32>, vector<384x32xf32>, vector<32x32xf32> -> vector<32x32xf32>
      %sub3A = arith.constant 1.000000e+00 : f32
      %sub3A_59 = vector.broadcast %sub3A : f32 to vector<32x32xf32>
      %sub3A_60 = arith.subf %dot_general3A_58, %sub3A_59 : vector<32x32xf32>
      %mul3A_61 = arith.constant 4.000000e+00 : f32
      %mul3A_62 = vector.broadcast %mul3A_61 : f32 to vector<32x32xf32>
      %mul3A_63 = arith.mulf %mul3A_62, %sub3A_60 : vector<32x32xf32>
      %exp3A = math.exp %mul3A_63 : vector<32x32xf32>
      %mul3A_64 = arith.mulf %exp3A, %exp3A : vector<32x32xf32>
      %reduce_sum3A_65 = vector.shape_cast %mul3A_64 : vector<32x32xf32> to vector<1x32x32xf32>
      %reduce_sum3A_66 = arith.constant dense<0.000000e+00> : vector<1xf32>
      %reduce_sum3A_67 = vector.multi_reduction <add>, %reduce_sum3A_65, %reduce_sum3A_66 [1, 2] : vector<1x32x32xf32> to vector<1xf32>
      %reduce_sum3A_68 = vector.shape_cast %reduce_sum3A_67 : vector<1xf32> to vector<1x1x1xf32>
      %reduce_sum3A_69 = vector.extract %reduce_sum3A_68[0, 0, 0] : f32 from vector<1x1x1xf32>
      %sqrt3A_70 = math.sqrt %reduce_sum3A_69 : f32
      %iota3A = tpu.iota {dimensions = array<i32: 0>} : vector<32x32xi32>
      %iota3A_71 = tpu.iota {dimensions = array<i32: 1>} : vector<32x32xi32>
      %add3A = arith.constant 0 : i32
      %add3A_72 = vector.broadcast %add3A : i32 to vector<32x32xi32>
      %add3A_73 = arith.addi %iota3A, %add3A_72 : vector<32x32xi32>
      %eq3A_74 = arith.cmpi eq, %add3A_73, %iota3A_71 : vector<32x32xi32>
      %convert_element_type3A_75 = arith.extui %eq3A_74 : vector<32x32xi1> to vector<32x32xi32>
      %convert_element_type3A_76 = arith.sitofp %convert_element_type3A_75 : vector<32x32xi32> to vector<32x32xf32>
      %div3A_77 = arith.constant 1.000000e+00 : f32
      %div3A_78 = arith.divf %div3A_77, %sqrt3A_70 : f32
      %mul3A_79 = vector.broadcast %div3A_78 : f32 to vector<32x32xf32>
      %mul3A_80 = arith.mulf %exp3A, %mul3A_79 : vector<32x32xf32>
      %mul3A_81 = arith.constant 1.500000e+00 : f32
      %mul3A_82 = vector.broadcast %mul3A_81 : f32 to vector<32x32xf32>
      %mul3A_83 = arith.mulf %mul3A_82, %convert_element_type3A_76 : vector<32x32xf32>
      %dot_general3A_84 = arith.constant dense<0.000000e+00> : vector<32x32xf32>
      %dot_general3A_85 = tpu.matmul %convert_element_type3A_76, %mul3A_80, %dot_general3A_84 {dimension_numbers = #tpu.dot_dimension_numbers<[1], [0], [0], [1], [0, 0, 1, 1], [], []>, transpose_lhs_hint = false} : vector<32x32xf32>, vector<32x32xf32>, vector<32x32xf32> -> vector<32x32xf32>
      %mul3A_86 = arith.constant 5.000000e-01 : f32
      %mul3A_87 = vector.broadcast %mul3A_86 : f32 to vector<32x32xf32>
      %mul3A_88 = arith.mulf %mul3A_87, %dot_general3A_85 : vector<32x32xf32>
      %sub3A_89 = arith.subf %mul3A_83, %mul3A_88 : vector<32x32xf32>
      %dot_general3A_90 = arith.constant dense<0.000000e+00> : vector<32x32xf32>
      %dot_general3A_91 = tpu.matmul %mul3A_80, %sub3A_89, %dot_general3A_90 {dimension_numbers = #tpu.dot_dimension_numbers<[1], [0], [0], [1], [0, 0, 1, 1], [], []>, transpose_lhs_hint = false} : vector<32x32xf32>, vector<32x32xf32>, vector<32x32xf32> -> vector<32x32xf32>
      %dot_general3A_92 = arith.constant dense<0.000000e+00> : vector<32x32xf32>
      %dot_general3A_93 = tpu.matmul %sub3A_89, %convert_element_type3A_76, %dot_general3A_92 {dimension_numbers = #tpu.dot_dimension_numbers<[1], [0], [0], [1], [0, 0, 1, 1], [], []>, transpose_lhs_hint = false} : vector<32x32xf32>, vector<32x32xf32>, vector<32x32xf32> -> vector<32x32xf32>
      %mul3A_94 = arith.constant 1.500000e+00 : f32
      %mul3A_95 = vector.broadcast %mul3A_94 : f32 to vector<32x32xf32>
      %mul3A_96 = arith.mulf %mul3A_95, %convert_element_type3A_76 : vector<32x32xf32>
      %dot_general3A_97 = arith.constant dense<0.000000e+00> : vector<32x32xf32>
      %dot_general3A_98 = tpu.matmul %dot_general3A_93, %dot_general3A_91, %dot_general3A_97 {dimension_numbers = #tpu.dot_dimension_numbers<[1], [0], [0], [1], [0, 0, 1, 1], [], []>, transpose_lhs_hint = false} : vector<32x32xf32>, vector<32x32xf32>, vector<32x32xf32> -> vector<32x32xf32>
      %mul3A_99 = arith.constant 5.000000e-01 : f32
      %mul3A_100 = vector.broadcast %mul3A_99 : f32 to vector<32x32xf32>
      %mul3A_101 = arith.mulf %mul3A_100, %dot_general3A_98 : vector<32x32xf32>
      %sub3A_102 = arith.subf %mul3A_96, %mul3A_101 : vector<32x32xf32>
      %dot_general3A_103 = arith.constant dense<0.000000e+00> : vector<32x32xf32>
      %dot_general3A_104 = tpu.matmul %dot_general3A_91, %sub3A_102, %dot_general3A_103 {dimension_numbers = #tpu.dot_dimension_numbers<[1], [0], [0], [1], [0, 0, 1, 1], [], []>, transpose_lhs_hint = false} : vector<32x32xf32>, vector<32x32xf32>, vector<32x32xf32> -> vector<32x32xf32>
      %dot_general3A_105 = arith.constant dense<0.000000e+00> : vector<32x32xf32>
      %dot_general3A_106 = tpu.matmul %sub3A_102, %dot_general3A_93, %dot_general3A_105 {dimension_numbers = #tpu.dot_dimension_numbers<[1], [0], [0], [1], [0, 0, 1, 1], [], []>, transpose_lhs_hint = false} : vector<32x32xf32>, vector<32x32xf32>, vector<32x32xf32> -> vector<32x32xf32>
      %mul3A_107 = arith.constant 1.500000e+00 : f32
      %mul3A_108 = vector.broadcast %mul3A_107 : f32 to vector<32x32xf32>
      %mul3A_109 = arith.mulf %mul3A_108, %convert_element_type3A_76 : vector<32x32xf32>
      %dot_general3A_110 = arith.constant dense<0.000000e+00> : vector<32x32xf32>
      %dot_general3A_111 = tpu.matmul %dot_general3A_106, %dot_general3A_104, %dot_general3A_110 {dimension_numbers = #tpu.dot_dimension_numbers<[1], [0], [0], [1], [0, 0, 1, 1], [], []>, transpose_lhs_hint = false} : vector<32x32xf32>, vector<32x32xf32>, vector<32x32xf32> -> vector<32x32xf32>
      %mul3A_112 = arith.constant 5.000000e-01 : f32
      %mul3A_113 = vector.broadcast %mul3A_112 : f32 to vector<32x32xf32>
      %mul3A_114 = arith.mulf %mul3A_113, %dot_general3A_111 : vector<32x32xf32>
      %sub3A_115 = arith.subf %mul3A_109, %mul3A_114 : vector<32x32xf32>
      %dot_general3A_116 = arith.constant dense<0.000000e+00> : vector<32x32xf32>
      %dot_general3A_117 = tpu.matmul %dot_general3A_104, %sub3A_115, %dot_general3A_116 {dimension_numbers = #tpu.dot_dimension_numbers<[1], [0], [0], [1], [0, 0, 1, 1], [], []>, transpose_lhs_hint = false} : vector<32x32xf32>, vector<32x32xf32>, vector<32x32xf32> -> vector<32x32xf32>
      %dot_general3A_118 = arith.constant dense<0.000000e+00> : vector<32x32xf32>
      %dot_general3A_119 = tpu.matmul %sub3A_115, %dot_general3A_106, %dot_general3A_118 {dimension_numbers = #tpu.dot_dimension_numbers<[1], [0], [0], [1], [0, 0, 1, 1], [], []>, transpose_lhs_hint = false} : vector<32x32xf32>, vector<32x32xf32>, vector<32x32xf32> -> vector<32x32xf32>
      %mul3A_120 = arith.constant 1.500000e+00 : f32
      %mul3A_121 = vector.broadcast %mul3A_120 : f32 to vector<32x32xf32>
      %mul3A_122 = arith.mulf %mul3A_121, %convert_element_type3A_76 : vector<32x32xf32>
      %dot_general3A_123 = arith.constant dense<0.000000e+00> : vector<32x32xf32>
      %dot_general3A_124 = tpu.matmul %dot_general3A_119, %dot_general3A_117, %dot_general3A_123 {dimension_numbers = #tpu.dot_dimension_numbers<[1], [0], [0], [1], [0, 0, 1, 1], [], []>, transpose_lhs_hint = false} : vector<32x32xf32>, vector<32x32xf32>, vector<32x32xf32> -> vector<32x32xf32>
      %mul3A_125 = arith.constant 5.000000e-01 : f32
      %mul3A_126 = vector.broadcast %mul3A_125 : f32 to vector<32x32xf32>
      %mul3A_127 = arith.mulf %mul3A_126, %dot_general3A_124 : vector<32x32xf32>
      %sub3A_128 = arith.subf %mul3A_122, %mul3A_127 : vector<32x32xf32>
      %dot_general3A_129 = arith.constant dense<0.000000e+00> : vector<32x32xf32>
      %dot_general3A_130 = tpu.matmul %dot_general3A_117, %sub3A_128, %dot_general3A_129 {dimension_numbers = #tpu.dot_dimension_numbers<[1], [0], [0], [1], [0, 0, 1, 1], [], []>, transpose_lhs_hint = false} : vector<32x32xf32>, vector<32x32xf32>, vector<32x32xf32> -> vector<32x32xf32>
      %dot_general3A_131 = arith.constant dense<0.000000e+00> : vector<32x32xf32>
      %dot_general3A_132 = tpu.matmul %sub3A_128, %dot_general3A_119, %dot_general3A_131 {dimension_numbers = #tpu.dot_dimension_numbers<[1], [0], [0], [1], [0, 0, 1, 1], [], []>, transpose_lhs_hint = false} : vector<32x32xf32>, vector<32x32xf32>, vector<32x32xf32> -> vector<32x32xf32>
      %mul3A_133 = arith.constant 1.500000e+00 : f32
      %mul3A_134 = vector.broadcast %mul3A_133 : f32 to vector<32x32xf32>
      %mul3A_135 = arith.mulf %mul3A_134, %convert_element_type3A_76 : vector<32x32xf32>
      %dot_general3A_136 = arith.constant dense<0.000000e+00> : vector<32x32xf32>
      %dot_general3A_137 = tpu.matmul %dot_general3A_132, %dot_general3A_130, %dot_general3A_136 {dimension_numbers = #tpu.dot_dimension_numbers<[1], [0], [0], [1], [0, 0, 1, 1], [], []>, transpose_lhs_hint = false} : vector<32x32xf32>, vector<32x32xf32>, vector<32x32xf32> -> vector<32x32xf32>
      %mul3A_138 = arith.constant 5.000000e-01 : f32
      %mul3A_139 = vector.broadcast %mul3A_138 : f32 to vector<32x32xf32>
      %mul3A_140 = arith.mulf %mul3A_139, %dot_general3A_137 : vector<32x32xf32>
      %sub3A_141 = arith.subf %mul3A_135, %mul3A_140 : vector<32x32xf32>
      %dot_general3A_142 = arith.constant dense<0.000000e+00> : vector<32x32xf32>
      %dot_general3A_143 = tpu.matmul %dot_general3A_130, %sub3A_141, %dot_general3A_142 {dimension_numbers = #tpu.dot_dimension_numbers<[1], [0], [0], [1], [0, 0, 1, 1], [], []>, transpose_lhs_hint = false} : vector<32x32xf32>, vector<32x32xf32>, vector<32x32xf32> -> vector<32x32xf32>
      %dot_general3A_144 = arith.constant dense<0.000000e+00> : vector<32x32xf32>
      %dot_general3A_145 = tpu.matmul %sub3A_141, %dot_general3A_132, %dot_general3A_144 {dimension_numbers = #tpu.dot_dimension_numbers<[1], [0], [0], [1], [0, 0, 1, 1], [], []>, transpose_lhs_hint = false} : vector<32x32xf32>, vector<32x32xf32>, vector<32x32xf32> -> vector<32x32xf32>
      %mul3A_146 = arith.constant 1.500000e+00 : f32
      %mul3A_147 = vector.broadcast %mul3A_146 : f32 to vector<32x32xf32>
      %mul3A_148 = arith.mulf %mul3A_147, %convert_element_type3A_76 : vector<32x32xf32>
      %dot_general3A_149 = arith.constant dense<0.000000e+00> : vector<32x32xf32>
      %dot_general3A_150 = tpu.matmul %dot_general3A_145, %dot_general3A_143, %dot_general3A_149 {dimension_numbers = #tpu.dot_dimension_numbers<[1], [0], [0], [1], [0, 0, 1, 1], [], []>, transpose_lhs_hint = false} : vector<32x32xf32>, vector<32x32xf32>, vector<32x32xf32> -> vector<32x32xf32>
      %mul3A_151 = arith.constant 5.000000e-01 : f32
      %mul3A_152 = vector.broadcast %mul3A_151 : f32 to vector<32x32xf32>
      %mul3A_153 = arith.mulf %mul3A_152, %dot_general3A_150 : vector<32x32xf32>
      %sub3A_154 = arith.subf %mul3A_148, %mul3A_153 : vector<32x32xf32>
      %dot_general3A_155 = arith.constant dense<0.000000e+00> : vector<32x32xf32>
      %dot_general3A_156 = tpu.matmul %dot_general3A_143, %sub3A_154, %dot_general3A_155 {dimension_numbers = #tpu.dot_dimension_numbers<[1], [0], [0], [1], [0, 0, 1, 1], [], []>, transpose_lhs_hint = false} : vector<32x32xf32>, vector<32x32xf32>, vector<32x32xf32> -> vector<32x32xf32>
      %dot_general3A_157 = arith.constant dense<0.000000e+00> : vector<32x32xf32>
      %dot_general3A_158 = tpu.matmul %sub3A_154, %dot_general3A_145, %dot_general3A_157 {dimension_numbers = #tpu.dot_dimension_numbers<[1], [0], [0], [1], [0, 0, 1, 1], [], []>, transpose_lhs_hint = false} : vector<32x32xf32>, vector<32x32xf32>, vector<32x32xf32> -> vector<32x32xf32>
      %mul3A_159 = arith.constant 1.500000e+00 : f32
      %mul3A_160 = vector.broadcast %mul3A_159 : f32 to vector<32x32xf32>
      %mul3A_161 = arith.mulf %mul3A_160, %convert_element_type3A_76 : vector<32x32xf32>
      %dot_general3A_162 = arith.constant dense<0.000000e+00> : vector<32x32xf32>
      %dot_general3A_163 = tpu.matmul %dot_general3A_158, %dot_general3A_156, %dot_general3A_162 {dimension_numbers = #tpu.dot_dimension_numbers<[1], [0], [0], [1], [0, 0, 1, 1], [], []>, transpose_lhs_hint = false} : vector<32x32xf32>, vector<32x32xf32>, vector<32x32xf32> -> vector<32x32xf32>
      %mul3A_164 = arith.constant 5.000000e-01 : f32
      %mul3A_165 = vector.broadcast %mul3A_164 : f32 to vector<32x32xf32>
      %mul3A_166 = arith.mulf %mul3A_165, %dot_general3A_163 : vector<32x32xf32>
      %sub3A_167 = arith.subf %mul3A_161, %mul3A_166 : vector<32x32xf32>
      %dot_general3A_168 = arith.constant dense<0.000000e+00> : vector<32x32xf32>
      %dot_general3A_169 = tpu.matmul %dot_general3A_156, %sub3A_167, %dot_general3A_168 {dimension_numbers = #tpu.dot_dimension_numbers<[1], [0], [0], [1], [0, 0, 1, 1], [], []>, transpose_lhs_hint = false} : vector<32x32xf32>, vector<32x32xf32>, vector<32x32xf32> -> vector<32x32xf32>
      %dot_general3A_170 = arith.constant dense<0.000000e+00> : vector<32x32xf32>
      %dot_general3A_171 = tpu.matmul %sub3A_167, %dot_general3A_158, %dot_general3A_170 {dimension_numbers = #tpu.dot_dimension_numbers<[1], [0], [0], [1], [0, 0, 1, 1], [], []>, transpose_lhs_hint = false} : vector<32x32xf32>, vector<32x32xf32>, vector<32x32xf32> -> vector<32x32xf32>
      %mul3A_172 = arith.constant 1.500000e+00 : f32
      %mul3A_173 = vector.broadcast %mul3A_172 : f32 to vector<32x32xf32>
      %mul3A_174 = arith.mulf %mul3A_173, %convert_element_type3A_76 : vector<32x32xf32>
      %dot_general3A_175 = arith.constant dense<0.000000e+00> : vector<32x32xf32>
      %dot_general3A_176 = tpu.matmul %dot_general3A_171, %dot_general3A_169, %dot_general3A_175 {dimension_numbers = #tpu.dot_dimension_numbers<[1], [0], [0], [1], [0, 0, 1, 1], [], []>, transpose_lhs_hint = false} : vector<32x32xf32>, vector<32x32xf32>, vector<32x32xf32> -> vector<32x32xf32>
      %mul3A_177 = arith.constant 5.000000e-01 : f32
      %mul3A_178 = vector.broadcast %mul3A_177 : f32 to vector<32x32xf32>
      %mul3A_179 = arith.mulf %mul3A_178, %dot_general3A_176 : vector<32x32xf32>
      %sub3A_180 = arith.subf %mul3A_174, %mul3A_179 : vector<32x32xf32>
      %dot_general3A_181 = arith.constant dense<0.000000e+00> : vector<32x32xf32>
      %dot_general3A_182 = tpu.matmul %dot_general3A_169, %sub3A_180, %dot_general3A_181 {dimension_numbers = #tpu.dot_dimension_numbers<[1], [0], [0], [1], [0, 0, 1, 1], [], []>, transpose_lhs_hint = false} : vector<32x32xf32>, vector<32x32xf32>, vector<32x32xf32> -> vector<32x32xf32>
      %dot_general3A_183 = arith.constant dense<0.000000e+00> : vector<32x32xf32>
      %dot_general3A_184 = tpu.matmul %sub3A_180, %dot_general3A_171, %dot_general3A_183 {dimension_numbers = #tpu.dot_dimension_numbers<[1], [0], [0], [1], [0, 0, 1, 1], [], []>, transpose_lhs_hint = false} : vector<32x32xf32>, vector<32x32xf32>, vector<32x32xf32> -> vector<32x32xf32>
      %mul3A_185 = arith.constant 1.500000e+00 : f32
      %mul3A_186 = vector.broadcast %mul3A_185 : f32 to vector<32x32xf32>
      %mul3A_187 = arith.mulf %mul3A_186, %convert_element_type3A_76 : vector<32x32xf32>
      %dot_general3A_188 = arith.constant dense<0.000000e+00> : vector<32x32xf32>
      %dot_general3A_189 = tpu.matmul %dot_general3A_184, %dot_general3A_182, %dot_general3A_188 {dimension_numbers = #tpu.dot_dimension_numbers<[1], [0], [0], [1], [0, 0, 1, 1], [], []>, transpose_lhs_hint = false} : vector<32x32xf32>, vector<32x32xf32>, vector<32x32xf32> -> vector<32x32xf32>
      %mul3A_190 = arith.constant 5.000000e-01 : f32
      %mul3A_191 = vector.broadcast %mul3A_190 : f32 to vector<32x32xf32>
      %mul3A_192 = arith.mulf %mul3A_191, %dot_general3A_189 : vector<32x32xf32>
      %sub3A_193 = arith.subf %mul3A_187, %mul3A_192 : vector<32x32xf32>
      %dot_general3A_194 = arith.constant dense<0.000000e+00> : vector<32x32xf32>
      %dot_general3A_195 = tpu.matmul %dot_general3A_182, %sub3A_193, %dot_general3A_194 {dimension_numbers = #tpu.dot_dimension_numbers<[1], [0], [0], [1], [0, 0, 1, 1], [], []>, transpose_lhs_hint = false} : vector<32x32xf32>, vector<32x32xf32>, vector<32x32xf32> -> vector<32x32xf32>
      %dot_general3A_196 = arith.constant dense<0.000000e+00> : vector<32x32xf32>
      %dot_general3A_197 = tpu.matmul %sub3A_193, %dot_general3A_184, %dot_general3A_196 {dimension_numbers = #tpu.dot_dimension_numbers<[1], [0], [0], [1], [0, 0, 1, 1], [], []>, transpose_lhs_hint = false} : vector<32x32xf32>, vector<32x32xf32>, vector<32x32xf32> -> vector<32x32xf32>
      %mul3A_198 = arith.constant 1.500000e+00 : f32
      %mul3A_199 = vector.broadcast %mul3A_198 : f32 to vector<32x32xf32>
      %mul3A_200 = arith.mulf %mul3A_199, %convert_element_type3A_76 : vector<32x32xf32>
      %dot_general3A_201 = arith.constant dense<0.000000e+00> : vector<32x32xf32>
      %dot_general3A_202 = tpu.matmul %dot_general3A_197, %dot_general3A_195, %dot_general3A_201 {dimension_numbers = #tpu.dot_dimension_numbers<[1], [0], [0], [1], [0, 0, 1, 1], [], []>, transpose_lhs_hint = false} : vector<32x32xf32>, vector<32x32xf32>, vector<32x32xf32> -> vector<32x32xf32>
      %mul3A_203 = arith.constant 5.000000e-01 : f32
      %mul3A_204 = vector.broadcast %mul3A_203 : f32 to vector<32x32xf32>
      %mul3A_205 = arith.mulf %mul3A_204, %dot_general3A_202 : vector<32x32xf32>
      %sub3A_206 = arith.subf %mul3A_200, %mul3A_205 : vector<32x32xf32>
      %dot_general3A_207 = arith.constant dense<0.000000e+00> : vector<32x32xf32>
      %dot_general3A_208 = tpu.matmul %dot_general3A_195, %sub3A_206, %dot_general3A_207 {dimension_numbers = #tpu.dot_dimension_numbers<[1], [0], [0], [1], [0, 0, 1, 1], [], []>, transpose_lhs_hint = false} : vector<32x32xf32>, vector<32x32xf32>, vector<32x32xf32> -> vector<32x32xf32>
      %dot_general3A_209 = arith.constant dense<0.000000e+00> : vector<32x32xf32>
      %dot_general3A_210 = tpu.matmul %sub3A_206, %dot_general3A_197, %dot_general3A_209 {dimension_numbers = #tpu.dot_dimension_numbers<[1], [0], [0], [1], [0, 0, 1, 1], [], []>, transpose_lhs_hint = false} : vector<32x32xf32>, vector<32x32xf32>, vector<32x32xf32> -> vector<32x32xf32>
      %mul3A_211 = arith.constant 1.500000e+00 : f32
      %mul3A_212 = vector.broadcast %mul3A_211 : f32 to vector<32x32xf32>
      %mul3A_213 = arith.mulf %mul3A_212, %convert_element_type3A_76 : vector<32x32xf32>
      %dot_general3A_214 = arith.constant dense<0.000000e+00> : vector<32x32xf32>
      %dot_general3A_215 = tpu.matmul %dot_general3A_210, %dot_general3A_208, %dot_general3A_214 {dimension_numbers = #tpu.dot_dimension_numbers<[1], [0], [0], [1], [0, 0, 1, 1], [], []>, transpose_lhs_hint = false} : vector<32x32xf32>, vector<32x32xf32>, vector<32x32xf32> -> vector<32x32xf32>
      %mul3A_216 = arith.constant 5.000000e-01 : f32
      %mul3A_217 = vector.broadcast %mul3A_216 : f32 to vector<32x32xf32>
      %mul3A_218 = arith.mulf %mul3A_217, %dot_general3A_215 : vector<32x32xf32>
      %sub3A_219 = arith.subf %mul3A_213, %mul3A_218 : vector<32x32xf32>
      %dot_general3A_220 = arith.constant dense<0.000000e+00> : vector<32x32xf32>
      %dot_general3A_221 = tpu.matmul %dot_general3A_208, %sub3A_219, %dot_general3A_220 {dimension_numbers = #tpu.dot_dimension_numbers<[1], [0], [0], [1], [0, 0, 1, 1], [], []>, transpose_lhs_hint = false} : vector<32x32xf32>, vector<32x32xf32>, vector<32x32xf32> -> vector<32x32xf32>
      %dot_general3A_222 = arith.constant dense<0.000000e+00> : vector<32x32xf32>
      %dot_general3A_223 = tpu.matmul %sub3A_219, %dot_general3A_210, %dot_general3A_222 {dimension_numbers = #tpu.dot_dimension_numbers<[1], [0], [0], [1], [0, 0, 1, 1], [], []>, transpose_lhs_hint = false} : vector<32x32xf32>, vector<32x32xf32>, vector<32x32xf32> -> vector<32x32xf32>
      %mul3A_224 = arith.constant 1.500000e+00 : f32
      %mul3A_225 = vector.broadcast %mul3A_224 : f32 to vector<32x32xf32>
      %mul3A_226 = arith.mulf %mul3A_225, %convert_element_type3A_76 : vector<32x32xf32>
      %dot_general3A_227 = arith.constant dense<0.000000e+00> : vector<32x32xf32>
      %dot_general3A_228 = tpu.matmul %dot_general3A_223, %dot_general3A_221, %dot_general3A_227 {dimension_numbers = #tpu.dot_dimension_numbers<[1], [0], [0], [1], [0, 0, 1, 1], [], []>, transpose_lhs_hint = false} : vector<32x32xf32>, vector<32x32xf32>, vector<32x32xf32> -> vector<32x32xf32>
      %mul3A_229 = arith.constant 5.000000e-01 : f32
      %mul3A_230 = vector.broadcast %mul3A_229 : f32 to vector<32x32xf32>
      %mul3A_231 = arith.mulf %mul3A_230, %dot_general3A_228 : vector<32x32xf32>
      %sub3A_232 = arith.subf %mul3A_226, %mul3A_231 : vector<32x32xf32>
      %dot_general3A_233 = arith.constant dense<0.000000e+00> : vector<32x32xf32>
      %dot_general3A_234 = tpu.matmul %dot_general3A_221, %sub3A_232, %dot_general3A_233 {dimension_numbers = #tpu.dot_dimension_numbers<[1], [0], [0], [1], [0, 0, 1, 1], [], []>, transpose_lhs_hint = false} : vector<32x32xf32>, vector<32x32xf32>, vector<32x32xf32> -> vector<32x32xf32>
      %dot_general3A_235 = arith.constant dense<0.000000e+00> : vector<32x32xf32>
      %dot_general3A_236 = tpu.matmul %sub3A_232, %dot_general3A_223, %dot_general3A_235 {dimension_numbers = #tpu.dot_dimension_numbers<[1], [0], [0], [1], [0, 0, 1, 1], [], []>, transpose_lhs_hint = false} : vector<32x32xf32>, vector<32x32xf32>, vector<32x32xf32> -> vector<32x32xf32>
      %mul3A_237 = arith.constant 1.500000e+00 : f32
      %mul3A_238 = vector.broadcast %mul3A_237 : f32 to vector<32x32xf32>
      %mul3A_239 = arith.mulf %mul3A_238, %convert_element_type3A_76 : vector<32x32xf32>
      %dot_general3A_240 = arith.constant dense<0.000000e+00> : vector<32x32xf32>
      %dot_general3A_241 = tpu.matmul %dot_general3A_236, %dot_general3A_234, %dot_general3A_240 {dimension_numbers = #tpu.dot_dimension_numbers<[1], [0], [0], [1], [0, 0, 1, 1], [], []>, transpose_lhs_hint = false} : vector<32x32xf32>, vector<32x32xf32>, vector<32x32xf32> -> vector<32x32xf32>
      %mul3A_242 = arith.constant 5.000000e-01 : f32
      %mul3A_243 = vector.broadcast %mul3A_242 : f32 to vector<32x32xf32>
      %mul3A_244 = arith.mulf %mul3A_243, %dot_general3A_241 : vector<32x32xf32>
      %sub3A_245 = arith.subf %mul3A_239, %mul3A_244 : vector<32x32xf32>
      %dot_general3A_246 = arith.constant dense<0.000000e+00> : vector<32x32xf32>
      %dot_general3A_247 = tpu.matmul %dot_general3A_234, %sub3A_245, %dot_general3A_246 {dimension_numbers = #tpu.dot_dimension_numbers<[1], [0], [0], [1], [0, 0, 1, 1], [], []>, transpose_lhs_hint = false} : vector<32x32xf32>, vector<32x32xf32>, vector<32x32xf32> -> vector<32x32xf32>
      %dot_general3A_248 = arith.constant dense<0.000000e+00> : vector<32x32xf32>
      %dot_general3A_249 = tpu.matmul %sub3A_245, %dot_general3A_236, %dot_general3A_248 {dimension_numbers = #tpu.dot_dimension_numbers<[1], [0], [0], [1], [0, 0, 1, 1], [], []>, transpose_lhs_hint = false} : vector<32x32xf32>, vector<32x32xf32>, vector<32x32xf32> -> vector<32x32xf32>
      %mul3A_250 = arith.constant 1.500000e+00 : f32
      %mul3A_251 = vector.broadcast %mul3A_250 : f32 to vector<32x32xf32>
      %mul3A_252 = arith.mulf %mul3A_251, %convert_element_type3A_76 : vector<32x32xf32>
      %dot_general3A_253 = arith.constant dense<0.000000e+00> : vector<32x32xf32>
      %dot_general3A_254 = tpu.matmul %dot_general3A_249, %dot_general3A_247, %dot_general3A_253 {dimension_numbers = #tpu.dot_dimension_numbers<[1], [0], [0], [1], [0, 0, 1, 1], [], []>, transpose_lhs_hint = false} : vector<32x32xf32>, vector<32x32xf32>, vector<32x32xf32> -> vector<32x32xf32>
      %mul3A_255 = arith.constant 5.000000e-01 : f32
      %mul3A_256 = vector.broadcast %mul3A_255 : f32 to vector<32x32xf32>
      %mul3A_257 = arith.mulf %mul3A_256, %dot_general3A_254 : vector<32x32xf32>
      %sub3A_258 = arith.subf %mul3A_252, %mul3A_257 : vector<32x32xf32>
      %dot_general3A_259 = arith.constant dense<0.000000e+00> : vector<32x32xf32>
      %dot_general3A_260 = tpu.matmul %dot_general3A_247, %sub3A_258, %dot_general3A_259 {dimension_numbers = #tpu.dot_dimension_numbers<[1], [0], [0], [1], [0, 0, 1, 1], [], []>, transpose_lhs_hint = false} : vector<32x32xf32>, vector<32x32xf32>, vector<32x32xf32> -> vector<32x32xf32>
      %dot_general3A_261 = arith.constant dense<0.000000e+00> : vector<32x32xf32>
      %dot_general3A_262 = tpu.matmul %sub3A_258, %dot_general3A_249, %dot_general3A_261 {dimension_numbers = #tpu.dot_dimension_numbers<[1], [0], [0], [1], [0, 0, 1, 1], [], []>, transpose_lhs_hint = false} : vector<32x32xf32>, vector<32x32xf32>, vector<32x32xf32> -> vector<32x32xf32>
      %mul3A_263 = arith.constant 1.500000e+00 : f32
      %mul3A_264 = vector.broadcast %mul3A_263 : f32 to vector<32x32xf32>
      %mul3A_265 = arith.mulf %mul3A_264, %convert_element_type3A_76 : vector<32x32xf32>
      %dot_general3A_266 = arith.constant dense<0.000000e+00> : vector<32x32xf32>
      %dot_general3A_267 = tpu.matmul %dot_general3A_262, %dot_general3A_260, %dot_general3A_266 {dimension_numbers = #tpu.dot_dimension_numbers<[1], [0], [0], [1], [0, 0, 1, 1], [], []>, transpose_lhs_hint = false} : vector<32x32xf32>, vector<32x32xf32>, vector<32x32xf32> -> vector<32x32xf32>
      %mul3A_268 = arith.constant 5.000000e-01 : f32
      %mul3A_269 = vector.broadcast %mul3A_268 : f32 to vector<32x32xf32>
      %mul3A_270 = arith.mulf %mul3A_269, %dot_general3A_267 : vector<32x32xf32>
      %sub3A_271 = arith.subf %mul3A_265, %mul3A_270 : vector<32x32xf32>
      %dot_general3A_272 = arith.constant dense<0.000000e+00> : vector<32x32xf32>
      %dot_general3A_273 = tpu.matmul %dot_general3A_260, %sub3A_271, %dot_general3A_272 {dimension_numbers = #tpu.dot_dimension_numbers<[1], [0], [0], [1], [0, 0, 1, 1], [], []>, transpose_lhs_hint = false} : vector<32x32xf32>, vector<32x32xf32>, vector<32x32xf32> -> vector<32x32xf32>
      %dot_general3A_274 = arith.constant dense<0.000000e+00> : vector<32x32xf32>
      %dot_general3A_275 = tpu.matmul %sub3A_271, %dot_general3A_262, %dot_general3A_274 {dimension_numbers = #tpu.dot_dimension_numbers<[1], [0], [0], [1], [0, 0, 1, 1], [], []>, transpose_lhs_hint = false} : vector<32x32xf32>, vector<32x32xf32>, vector<32x32xf32> -> vector<32x32xf32>
      %mul3A_276 = arith.constant 1.500000e+00 : f32
      %mul3A_277 = vector.broadcast %mul3A_276 : f32 to vector<32x32xf32>
      %mul3A_278 = arith.mulf %mul3A_277, %convert_element_type3A_76 : vector<32x32xf32>
      %dot_general3A_279 = arith.constant dense<0.000000e+00> : vector<32x32xf32>
      %dot_general3A_280 = tpu.matmul %dot_general3A_275, %dot_general3A_273, %dot_general3A_279 {dimension_numbers = #tpu.dot_dimension_numbers<[1], [0], [0], [1], [0, 0, 1, 1], [], []>, transpose_lhs_hint = false} : vector<32x32xf32>, vector<32x32xf32>, vector<32x32xf32> -> vector<32x32xf32>
      %mul3A_281 = arith.constant 5.000000e-01 : f32
      %mul3A_282 = vector.broadcast %mul3A_281 : f32 to vector<32x32xf32>
      %mul3A_283 = arith.mulf %mul3A_282, %dot_general3A_280 : vector<32x32xf32>
      %sub3A_284 = arith.subf %mul3A_278, %mul3A_283 : vector<32x32xf32>
      %dot_general3A_285 = arith.constant dense<0.000000e+00> : vector<32x32xf32>
      %dot_general3A_286 = tpu.matmul %dot_general3A_273, %sub3A_284, %dot_general3A_285 {dimension_numbers = #tpu.dot_dimension_numbers<[1], [0], [0], [1], [0, 0, 1, 1], [], []>, transpose_lhs_hint = false} : vector<32x32xf32>, vector<32x32xf32>, vector<32x32xf32> -> vector<32x32xf32>
      %dot_general3A_287 = arith.constant dense<0.000000e+00> : vector<32x32xf32>
      %dot_general3A_288 = tpu.matmul %sub3A_284, %dot_general3A_275, %dot_general3A_287 {dimension_numbers = #tpu.dot_dimension_numbers<[1], [0], [0], [1], [0, 0, 1, 1], [], []>, transpose_lhs_hint = false} : vector<32x32xf32>, vector<32x32xf32>, vector<32x32xf32> -> vector<32x32xf32>
      %mul3A_289 = arith.constant 1.500000e+00 : f32
      %mul3A_290 = vector.broadcast %mul3A_289 : f32 to vector<32x32xf32>
      %mul3A_291 = arith.mulf %mul3A_290, %convert_element_type3A_76 : vector<32x32xf32>
      %dot_general3A_292 = arith.constant dense<0.000000e+00> : vector<32x32xf32>
      %dot_general3A_293 = tpu.matmul %dot_general3A_288, %dot_general3A_286, %dot_general3A_292 {dimension_numbers = #tpu.dot_dimension_numbers<[1], [0], [0], [1], [0, 0, 1, 1], [], []>, transpose_lhs_hint = false} : vector<32x32xf32>, vector<32x32xf32>, vector<32x32xf32> -> vector<32x32xf32>
      %mul3A_294 = arith.constant 5.000000e-01 : f32
      %mul3A_295 = vector.broadcast %mul3A_294 : f32 to vector<32x32xf32>
      %mul3A_296 = arith.mulf %mul3A_295, %dot_general3A_293 : vector<32x32xf32>
      %sub3A_297 = arith.subf %mul3A_291, %mul3A_296 : vector<32x32xf32>
      %dot_general3A_298 = arith.constant dense<0.000000e+00> : vector<32x32xf32>
      %dot_general3A_299 = tpu.matmul %dot_general3A_286, %sub3A_297, %dot_general3A_298 {dimension_numbers = #tpu.dot_dimension_numbers<[1], [0], [0], [1], [0, 0, 1, 1], [], []>, transpose_lhs_hint = false} : vector<32x32xf32>, vector<32x32xf32>, vector<32x32xf32> -> vector<32x32xf32>
      %dot_general3A_300 = arith.constant dense<0.000000e+00> : vector<32x32xf32>
      %dot_general3A_301 = tpu.matmul %sub3A_297, %dot_general3A_288, %dot_general3A_300 {dimension_numbers = #tpu.dot_dimension_numbers<[1], [0], [0], [1], [0, 0, 1, 1], [], []>, transpose_lhs_hint = false} : vector<32x32xf32>, vector<32x32xf32>, vector<32x32xf32> -> vector<32x32xf32>
      %mul3A_302 = arith.constant 1.500000e+00 : f32
      %mul3A_303 = vector.broadcast %mul3A_302 : f32 to vector<32x32xf32>
      %mul3A_304 = arith.mulf %mul3A_303, %convert_element_type3A_76 : vector<32x32xf32>
      %dot_general3A_305 = arith.constant dense<0.000000e+00> : vector<32x32xf32>
      %dot_general3A_306 = tpu.matmul %dot_general3A_301, %dot_general3A_299, %dot_general3A_305 {dimension_numbers = #tpu.dot_dimension_numbers<[1], [0], [0], [1], [0, 0, 1, 1], [], []>, transpose_lhs_hint = false} : vector<32x32xf32>, vector<32x32xf32>, vector<32x32xf32> -> vector<32x32xf32>
      %mul3A_307 = arith.constant 5.000000e-01 : f32
      %mul3A_308 = vector.broadcast %mul3A_307 : f32 to vector<32x32xf32>
      %mul3A_309 = arith.mulf %mul3A_308, %dot_general3A_306 : vector<32x32xf32>
      %sub3A_310 = arith.subf %mul3A_304, %mul3A_309 : vector<32x32xf32>
      %dot_general3A_311 = arith.constant dense<0.000000e+00> : vector<32x32xf32>
      %dot_general3A_312 = tpu.matmul %dot_general3A_299, %sub3A_310, %dot_general3A_311 {dimension_numbers = #tpu.dot_dimension_numbers<[1], [0], [0], [1], [0, 0, 1, 1], [], []>, transpose_lhs_hint = false} : vector<32x32xf32>, vector<32x32xf32>, vector<32x32xf32> -> vector<32x32xf32>
      %dot_general3A_313 = arith.constant dense<0.000000e+00> : vector<32x32xf32>
      %dot_general3A_314 = tpu.matmul %sub3A_310, %dot_general3A_301, %dot_general3A_313 {dimension_numbers = #tpu.dot_dimension_numbers<[1], [0], [0], [1], [0, 0, 1, 1], [], []>, transpose_lhs_hint = false} : vector<32x32xf32>, vector<32x32xf32>, vector<32x32xf32> -> vector<32x32xf32>
      %mul3A_315 = arith.constant 1.500000e+00 : f32
      %mul3A_316 = vector.broadcast %mul3A_315 : f32 to vector<32x32xf32>
      %mul3A_317 = arith.mulf %mul3A_316, %convert_element_type3A_76 : vector<32x32xf32>
      %dot_general3A_318 = arith.constant dense<0.000000e+00> : vector<32x32xf32>
      %dot_general3A_319 = tpu.matmul %dot_general3A_314, %dot_general3A_312, %dot_general3A_318 {dimension_numbers = #tpu.dot_dimension_numbers<[1], [0], [0], [1], [0, 0, 1, 1], [], []>, transpose_lhs_hint = false} : vector<32x32xf32>, vector<32x32xf32>, vector<32x32xf32> -> vector<32x32xf32>
      %mul3A_320 = arith.constant 5.000000e-01 : f32
      %mul3A_321 = vector.broadcast %mul3A_320 : f32 to vector<32x32xf32>
      %mul3A_322 = arith.mulf %mul3A_321, %dot_general3A_319 : vector<32x32xf32>
      %sub3A_323 = arith.subf %mul3A_317, %mul3A_322 : vector<32x32xf32>
      %dot_general3A_324 = arith.constant dense<0.000000e+00> : vector<32x32xf32>
      %dot_general3A_325 = tpu.matmul %dot_general3A_312, %sub3A_323, %dot_general3A_324 {dimension_numbers = #tpu.dot_dimension_numbers<[1], [0], [0], [1], [0, 0, 1, 1], [], []>, transpose_lhs_hint = false} : vector<32x32xf32>, vector<32x32xf32>, vector<32x32xf32> -> vector<32x32xf32>
      %dot_general3A_326 = arith.constant dense<0.000000e+00> : vector<32x32xf32>
      %dot_general3A_327 = tpu.matmul %sub3A_323, %dot_general3A_314, %dot_general3A_326 {dimension_numbers = #tpu.dot_dimension_numbers<[1], [0], [0], [1], [0, 0, 1, 1], [], []>, transpose_lhs_hint = false} : vector<32x32xf32>, vector<32x32xf32>, vector<32x32xf32> -> vector<32x32xf32>
      %mul3A_328 = arith.constant 1.500000e+00 : f32
      %mul3A_329 = vector.broadcast %mul3A_328 : f32 to vector<32x32xf32>
      %mul3A_330 = arith.mulf %mul3A_329, %convert_element_type3A_76 : vector<32x32xf32>
      %dot_general3A_331 = arith.constant dense<0.000000e+00> : vector<32x32xf32>
      %dot_general3A_332 = tpu.matmul %dot_general3A_327, %dot_general3A_325, %dot_general3A_331 {dimension_numbers = #tpu.dot_dimension_numbers<[1], [0], [0], [1], [0, 0, 1, 1], [], []>, transpose_lhs_hint = false} : vector<32x32xf32>, vector<32x32xf32>, vector<32x32xf32> -> vector<32x32xf32>
      %mul3A_333 = arith.constant 5.000000e-01 : f32
      %mul3A_334 = vector.broadcast %mul3A_333 : f32 to vector<32x32xf32>
      %mul3A_335 = arith.mulf %mul3A_334, %dot_general3A_332 : vector<32x32xf32>
      %sub3A_336 = arith.subf %mul3A_330, %mul3A_335 : vector<32x32xf32>
      %dot_general3A_337 = arith.constant dense<0.000000e+00> : vector<32x32xf32>
      %dot_general3A_338 = tpu.matmul %dot_general3A_325, %sub3A_336, %dot_general3A_337 {dimension_numbers = #tpu.dot_dimension_numbers<[1], [0], [0], [1], [0, 0, 1, 1], [], []>, transpose_lhs_hint = false} : vector<32x32xf32>, vector<32x32xf32>, vector<32x32xf32> -> vector<32x32xf32>
      %dot_general3A_339 = arith.constant dense<0.000000e+00> : vector<32x32xf32>
      %dot_general3A_340 = tpu.matmul %sub3A_336, %dot_general3A_327, %dot_general3A_339 {dimension_numbers = #tpu.dot_dimension_numbers<[1], [0], [0], [1], [0, 0, 1, 1], [], []>, transpose_lhs_hint = false} : vector<32x32xf32>, vector<32x32xf32>, vector<32x32xf32> -> vector<32x32xf32>
      %mul3A_341 = arith.constant 1.500000e+00 : f32
      %mul3A_342 = vector.broadcast %mul3A_341 : f32 to vector<32x32xf32>
      %mul3A_343 = arith.mulf %mul3A_342, %convert_element_type3A_76 : vector<32x32xf32>
      %dot_general3A_344 = arith.constant dense<0.000000e+00> : vector<32x32xf32>
      %dot_general3A_345 = tpu.matmul %dot_general3A_340, %dot_general3A_338, %dot_general3A_344 {dimension_numbers = #tpu.dot_dimension_numbers<[1], [0], [0], [1], [0, 0, 1, 1], [], []>, transpose_lhs_hint = false} : vector<32x32xf32>, vector<32x32xf32>, vector<32x32xf32> -> vector<32x32xf32>
      %mul3A_346 = arith.constant 5.000000e-01 : f32
      %mul3A_347 = vector.broadcast %mul3A_346 : f32 to vector<32x32xf32>
      %mul3A_348 = arith.mulf %mul3A_347, %dot_general3A_345 : vector<32x32xf32>
      %sub3A_349 = arith.subf %mul3A_343, %mul3A_348 : vector<32x32xf32>
      %dot_general3A_350 = arith.constant dense<0.000000e+00> : vector<32x32xf32>
      %dot_general3A_351 = tpu.matmul %dot_general3A_338, %sub3A_349, %dot_general3A_350 {dimension_numbers = #tpu.dot_dimension_numbers<[1], [0], [0], [1], [0, 0, 1, 1], [], []>, transpose_lhs_hint = false} : vector<32x32xf32>, vector<32x32xf32>, vector<32x32xf32> -> vector<32x32xf32>
      %dot_general3A_352 = arith.constant dense<0.000000e+00> : vector<32x32xf32>
      %dot_general3A_353 = tpu.matmul %sub3A_349, %dot_general3A_340, %dot_general3A_352 {dimension_numbers = #tpu.dot_dimension_numbers<[1], [0], [0], [1], [0, 0, 1, 1], [], []>, transpose_lhs_hint = false} : vector<32x32xf32>, vector<32x32xf32>, vector<32x32xf32> -> vector<32x32xf32>
      %mul3A_354 = arith.constant 1.500000e+00 : f32
      %mul3A_355 = vector.broadcast %mul3A_354 : f32 to vector<32x32xf32>
      %mul3A_356 = arith.mulf %mul3A_355, %convert_element_type3A_76 : vector<32x32xf32>
      %dot_general3A_357 = arith.constant dense<0.000000e+00> : vector<32x32xf32>
      %dot_general3A_358 = tpu.matmul %dot_general3A_353, %dot_general3A_351, %dot_general3A_357 {dimension_numbers = #tpu.dot_dimension_numbers<[1], [0], [0], [1], [0, 0, 1, 1], [], []>, transpose_lhs_hint = false} : vector<32x32xf32>, vector<32x32xf32>, vector<32x32xf32> -> vector<32x32xf32>
      %mul3A_359 = arith.constant 5.000000e-01 : f32
      %mul3A_360 = vector.broadcast %mul3A_359 : f32 to vector<32x32xf32>
      %mul3A_361 = arith.mulf %mul3A_360, %dot_general3A_358 : vector<32x32xf32>
      %sub3A_362 = arith.subf %mul3A_356, %mul3A_361 : vector<32x32xf32>
      %dot_general3A_363 = arith.constant dense<0.000000e+00> : vector<32x32xf32>
      %dot_general3A_364 = tpu.matmul %dot_general3A_351, %sub3A_362, %dot_general3A_363 {dimension_numbers = #tpu.dot_dimension_numbers<[1], [0], [0], [1], [0, 0, 1, 1], [], []>, transpose_lhs_hint = false} : vector<32x32xf32>, vector<32x32xf32>, vector<32x32xf32> -> vector<32x32xf32>
      %dot_general3A_365 = arith.constant dense<0.000000e+00> : vector<32x32xf32>
      %dot_general3A_366 = tpu.matmul %sub3A_362, %dot_general3A_353, %dot_general3A_365 {dimension_numbers = #tpu.dot_dimension_numbers<[1], [0], [0], [1], [0, 0, 1, 1], [], []>, transpose_lhs_hint = false} : vector<32x32xf32>, vector<32x32xf32>, vector<32x32xf32> -> vector<32x32xf32>
      %mul3A_367 = arith.constant 1.500000e+00 : f32
      %mul3A_368 = vector.broadcast %mul3A_367 : f32 to vector<32x32xf32>
      %mul3A_369 = arith.mulf %mul3A_368, %convert_element_type3A_76 : vector<32x32xf32>
      %dot_general3A_370 = arith.constant dense<0.000000e+00> : vector<32x32xf32>
      %dot_general3A_371 = tpu.matmul %dot_general3A_366, %dot_general3A_364, %dot_general3A_370 {dimension_numbers = #tpu.dot_dimension_numbers<[1], [0], [0], [1], [0, 0, 1, 1], [], []>, transpose_lhs_hint = false} : vector<32x32xf32>, vector<32x32xf32>, vector<32x32xf32> -> vector<32x32xf32>
      %mul3A_372 = arith.constant 5.000000e-01 : f32
      %mul3A_373 = vector.broadcast %mul3A_372 : f32 to vector<32x32xf32>
      %mul3A_374 = arith.mulf %mul3A_373, %dot_general3A_371 : vector<32x32xf32>
      %sub3A_375 = arith.subf %mul3A_369, %mul3A_374 : vector<32x32xf32>
      %dot_general3A_376 = arith.constant dense<0.000000e+00> : vector<32x32xf32>
      %dot_general3A_377 = tpu.matmul %dot_general3A_364, %sub3A_375, %dot_general3A_376 {dimension_numbers = #tpu.dot_dimension_numbers<[1], [0], [0], [1], [0, 0, 1, 1], [], []>, transpose_lhs_hint = false} : vector<32x32xf32>, vector<32x32xf32>, vector<32x32xf32> -> vector<32x32xf32>
      %dot_general3A_378 = arith.constant dense<0.000000e+00> : vector<32x32xf32>
      %dot_general3A_379 = tpu.matmul %sub3A_375, %dot_general3A_366, %dot_general3A_378 {dimension_numbers = #tpu.dot_dimension_numbers<[1], [0], [0], [1], [0, 0, 1, 1], [], []>, transpose_lhs_hint = false} : vector<32x32xf32>, vector<32x32xf32>, vector<32x32xf32> -> vector<32x32xf32>
      %mul3A_380 = arith.constant 1.500000e+00 : f32
      %mul3A_381 = vector.broadcast %mul3A_380 : f32 to vector<32x32xf32>
      %mul3A_382 = arith.mulf %mul3A_381, %convert_element_type3A_76 : vector<32x32xf32>
      %dot_general3A_383 = arith.constant dense<0.000000e+00> : vector<32x32xf32>
      %dot_general3A_384 = tpu.matmul %dot_general3A_379, %dot_general3A_377, %dot_general3A_383 {dimension_numbers = #tpu.dot_dimension_numbers<[1], [0], [0], [1], [0, 0, 1, 1], [], []>, transpose_lhs_hint = false} : vector<32x32xf32>, vector<32x32xf32>, vector<32x32xf32> -> vector<32x32xf32>
      %mul3A_385 = arith.constant 5.000000e-01 : f32
      %mul3A_386 = vector.broadcast %mul3A_385 : f32 to vector<32x32xf32>
      %mul3A_387 = arith.mulf %mul3A_386, %dot_general3A_384 : vector<32x32xf32>
      %sub3A_388 = arith.subf %mul3A_382, %mul3A_387 : vector<32x32xf32>
      %dot_general3A_389 = arith.constant dense<0.000000e+00> : vector<32x32xf32>
      %dot_general3A_390 = tpu.matmul %sub3A_388, %dot_general3A_379, %dot_general3A_389 {dimension_numbers = #tpu.dot_dimension_numbers<[1], [0], [0], [1], [0, 0, 1, 1], [], []>, transpose_lhs_hint = false} : vector<32x32xf32>, vector<32x32xf32>, vector<32x32xf32> -> vector<32x32xf32>
      %rsqrt3A_391 = math.rsqrt %sqrt3A_70 : f32
      %mul3A_392 = vector.broadcast %rsqrt3A_391 : f32 to vector<32x32xf32>
      %mul3A_393 = arith.mulf %dot_general3A_390, %mul3A_392 : vector<32x32xf32>
      %swap3A_394 = arith.constant 0 : index
      %swap3A_395 = arith.constant 0 : index
      %swap3A_396 = vector.load %arg4[%swap3A_394, %swap3A_395] : memref<32x32xf32, #tpu.memory_space<vmem>>, vector<32x32xf32>
      tpu.vector_store %arg4[%swap3A_394, %swap3A_395], %mul3A_393 {strides = array<i32>} : memref<32x32xf32, #tpu.memory_space<vmem>>, vector<32x32xf32>,
    } else {
    }
    return
  }
  func.func @transform_0(%arg0: i32) -> (i32, i32) {
    %c0_i32 = arith.constant 0 : i32
    %c0_i32_0 = arith.constant 0 : i32
    return %arg0, %c0_i32 : i32, i32
  }
  func.func @transform_1(%arg0: i32) -> (i32, i32, i32) {
    %c0_i32 = arith.constant 0 : i32
    %c0_i32_0 = arith.constant 0 : i32
    %c0_i32_1 = arith.constant 0 : i32
    %c0_i32_2 = arith.constant 0 : i32
    return %c0_i32, %c0_i32_0, %c0_i32_1 : i32, i32, i32
  }
  func.func @transform_2(%arg0: i32) -> (i32, i32, i32) {
    %c0_i32 = arith.constant 0 : i32
    %c0_i32_0 = arith.constant 0 : i32
    %c0_i32_1 = arith.constant 0 : i32
    return %c0_i32, %arg0, %c0_i32_0 : i32, i32, i32
  }
  func.func @transform_3(%arg0: i32) -> (i32, i32) {
    %c0_i32 = arith.constant 0 : i32
    %c0_i32_0 = arith.constant 0 : i32
    %c0_i32_1 = arith.constant 0 : i32
    return %c0_i32, %c0_i32_0 : i32, i32
  }
}

module attributes {stable_mosaic.version = 14 : i64} {
  func.func @_tc2_body(%arg0: i32, %arg1: memref<2x5000x32xf32, #tpu.memory_space<vmem>>, %arg2: memref<5000x1xi32, #tpu.memory_space<vmem>>, %arg3: memref<32x32xf32, #tpu.memory_space<vmem>>, %arg4: memref<5000x32xf32, #tpu.memory_space<vmem>>) attributes {dimension_semantics = [#tpu.dimension_semantics<arbitrary>], iteration_bounds = array<i64: 10>, scalar_prefetch = 0 : i64, scratch_operands = 0 : i64, tpu.core_type = #tpu.core_type<tc>, window_params = [{transform_indices = @transform_0, window_bounds = array<i64: 2, 5000, 32>}, {transform_indices = @transform_1, window_bounds = array<i64: 5000, 1>}, {pipeline_mode = #tpu.pipeline_mode<synchronous>, transform_indices = @transform_2, window_bounds = array<i64: 32, 32>}, {transform_indices = @transform_3, window_bounds = array<i64: 5000, 32>}]} {
    %get3A = arith.constant 0 : index
    %get3A_0 = arith.constant 0 : index
    %get3A_1 = arith.constant 0 : index
    %get3A_2 = vector.load %arg1[%get3A, %get3A_0, %get3A_1] : memref<2x5000x32xf32, #tpu.memory_space<vmem>>, vector<1x5000x32xf32>
    %get3A_3 = vector.shape_cast %get3A_2 : vector<1x5000x32xf32> to vector<5000x32xf32>
    %get3A_4 = arith.constant 1 : index
    %get3A_5 = arith.constant 0 : index
    %get3A_6 = arith.constant 0 : index
    %get3A_7 = vector.load %arg1[%get3A_4, %get3A_5, %get3A_6] : memref<2x5000x32xf32, #tpu.memory_space<vmem>>, vector<1x5000x32xf32>
    %get3A_8 = vector.shape_cast %get3A_7 : vector<1x5000x32xf32> to vector<5000x32xf32>
    %add3A = arith.addf %get3A_3, %get3A_8 : vector<5000x32xf32>
    %get3A_9 = arith.constant 0 : index
    %get3A_10 = arith.constant 0 : index
    %get3A_11 = vector.load %arg2[%get3A_9, %get3A_10] : memref<5000x1xi32, #tpu.memory_space<vmem>>, vector<5000x1xi32>
    %max3A = arith.constant 1 : i32
    %max3A_12 = vector.broadcast %max3A : i32 to vector<5000x1xi32>
    %max3A_13 = arith.maxsi %get3A_11, %max3A_12 : vector<5000x1xi32>
    %convert_element_type3A = arith.sitofp %max3A_13 : vector<5000x1xi32> to vector<5000x1xf32>
    %div3A = vector.broadcast %convert_element_type3A : vector<5000x1xf32> to vector<5000x32xf32>
    %div3A_14 = arith.divf %add3A, %div3A : vector<5000x32xf32>
    %get3A_15 = arith.constant 0 : index
    %get3A_16 = arith.constant 0 : index
    %get3A_17 = vector.load %arg3[%get3A_15, %get3A_16] : memref<32x32xf32, #tpu.memory_space<vmem>>, vector<32x32xf32>
    %dot_general3A = arith.constant dense<0.000000e+00> : vector<5000x32xf32>
    %dot_general3A_18 = tpu.matmul %div3A_14, %get3A_17, %dot_general3A {dimension_numbers = #tpu.dot_dimension_numbers<[1], [0], [0], [1], [0, 0, 1, 1], [], []>, transpose_lhs_hint = false} : vector<5000x32xf32>, vector<32x32xf32>, vector<5000x32xf32> -> vector<5000x32xf32>
    %swap3A = arith.constant 0 : index
    %swap3A_19 = arith.constant 0 : index
    %swap3A_20 = vector.load %arg4[%swap3A, %swap3A_19] : memref<5000x32xf32, #tpu.memory_space<vmem>>, vector<5000x32xf32>
    tpu.vector_store %arg4[%swap3A, %swap3A_19], %dot_general3A_18 {strides = array<i32>} : memref<5000x32xf32, #tpu.memory_space<vmem>>, vector<5000x32xf32>,
    return
  }
  func.func @transform_0(%arg0: i32) -> (i32, i32, i32) {
    %c0_i32 = arith.constant 0 : i32
    %c0_i32_0 = arith.constant 0 : i32
    %c0_i32_1 = arith.constant 0 : i32
    return %c0_i32, %arg0, %c0_i32_0 : i32, i32, i32
  }
  func.func @transform_1(%arg0: i32) -> (i32, i32) {
    %c0_i32 = arith.constant 0 : i32
    %c0_i32_0 = arith.constant 0 : i32
    return %arg0, %c0_i32 : i32, i32
  }
  func.func @transform_2(%arg0: i32) -> (i32, i32) {
    %c0_i32 = arith.constant 0 : i32
    %c0_i32_0 = arith.constant 0 : i32
    %c0_i32_1 = arith.constant 0 : i32
    return %c0_i32, %c0_i32_0 : i32, i32
  }
  func.func @transform_3(%arg0: i32) -> (i32, i32) {
    %c0_i32 = arith.constant 0 : i32
    %c0_i32_0 = arith.constant 0 : i32
    return %arg0, %c0_i32 : i32, i32
  }
}

</mosaic_0001>

<sc_bundles>
// kernel: kernel.5.cloned.1.call-start
scs
__scs_entry_jumppad:
0x0: {  	(pc) =	sbr.rel $0x88, $3  }
0x1: {  	(tag) =	ssettag $0x0;
	lr =	simm.s32 $0x1  }
0x2: {  	[smem:$0x3F9D] =	sst lr;
	_ =	strace $0xD0000000  }
0x3: {  	_ = 	snop  }
0x4: {  	_ = 	snop  }
0x5: {  	_ = 	snop  }
0x6: {  	_ = 	snop  }
0x7: {  	_ = 	snop  }
__scs_overlays_trampoline_lowered:
0x8: {  	[smem:$0x3FAC] =	sst s0  }
0x9: {  	[smem:$0x3FAD] =	sst s1  }
0xa: {  	[smem:$0x3FAE] =	sst s2  }
0xb: {  	[smem:$0x3FAF] =	sst s3  }
0xc: {  	[smem:$0x3FB0] =	sst s4  }
0xd: {  	[smem:$0x3FB1] =	sst s5  }
0xe: {  	[smem:$0x3FB2] =	sst s6  }
0xf: {  	[smem:$0x3FB3] =	sst s7  }
0x10: {  	[smem:$0x3FB4] =	sst s8  }
0x11: {  	[smem:$0x3FB5] =	sst s9;
	s0 =	simm.s32 @!p0 $0x0  }
0x12: {  	s1 =	sld [smem:$0x3F9B];
	s0 =	simm.s32 @p0 $0x1  }
0x13: {  	[smem:$0x3FB6] =	sst s0;
	s0 =	simm.s32 @!p1 $0x0  }
0x14: {  	s2 =	sld [smem:$0x3F9A];
	s0 =	simm.s32 @p1 $0x1  }
0x15: {  	[smem:$0x3FB7] =	sst s0;
	s0 =	simm.s32 @!p2 $0x0  }
0x16: {  	s3 =	sld [smem:$0x3FDB];
	s0 =	simm.s32 @p2 $0x1  }
0x17: {  	s4 =	simm.s32 $0x1BF5;
	[smem:$0x3FB9] =	sst s0  }
0x18: {  	s0 =	sld [smem:$0x3F9C];
	_ =	swait.ge [sflag:s4], $0x0  }
0x19: {  	s7 =	sld [smem:$0x3F9D]  }
0x1a: {  	s8 =	sadd.s32 $0xFFFFE003, lr  }
0x1b: {  	s9 =	sadd.s32 $0xFFFFFEF7, lr;
	s5 =	simm.s32 $0xFFFFFFFF;
	p2 =	slt.u32 s8, $0xFFFFF086  }
0x1c: {  	p1 =	slt.u32 s9, $0xF7A;
	s5 =	simm.s32 @!p2 $0x0  }
0x1d: {  	s5 =	simm.s32 @p1 $0x1;
	p0 =	seq.s32 s7, s2  }
0x1e: {  	s7 =	smul.u32 @!p0 $0xF7A, s2;
	p2 =	seq.s32 @!p0 s5, $0x0  }
0x1f: {  	s9 =	smul.u32 $0xF7A, s1;
	s8 =	simm.s32 @!p0 $0x1BF5;
	p2 =	por !p2, p0  }
0x20: {  	[sflag:s8] =	ssyncset.s32 @!p0 $0xFFFFF086;
	s6 =	sadd.s32 @!p0 s3, s7;
	s7 =	simm.s32 @!p0 $0x108  }
0x21: {  	s3 =	sadd.s32 s3, s9;
	s6 =	sadd.s32 @!p0 $0x88, s6;
	s7 =	simm.s32 @p2 $0x1082  }
0x22: {  	[simem:s7], [sflag:s8] =	dma.local @!p0 [hbm:s6], $0xF7A  }
0x23: {  	s9 =	sor.u32 $0xD0000000, s2;
	s6 =	simm.s32 $0x108;
	_ =	swait.ge @!p0 [sflag:s8], $0x0  }
0x24: {  	s3 =	sadd.s32 $0x88, s3;
	s6 =	simm.s32 @!p1 $0x1082;
	[sflag:s4] =	ssyncset.s32 $0xFFFFF086  }
0x25: {  	[simem:s6], [sflag:s4] =	dma.local [hbm:s3], $0xF7A  }
0x26: {  	[smem:$0x3F9D] =	sst s1;
	(tag) =	ssettag s2;
	_ =	strace s9  }
0x27: {  	s1 =	sld [smem:$0x3FAD]  }
0x28: {  	s2 =	sld [smem:$0x3FAE]  }
0x29: {  	s4 =	sld [smem:$0x3FB0]  }
0x2a: {  	p0 =	seq.s32 s5, $0x0;
	s5 =	sld [smem:$0x3FB1]  }
0x2b: {  	s6 =	sld [smem:$0x3FB2]  }
0x2c: {  	s7 =	sld [smem:$0x3FB3]  }
0x2d: {  	s3 =	simm.s32 $0x108;
	s8 =	sld [smem:$0x3FB4]  }
0x2e: {  	s3 =	simm.s32 @!p0 $0x1082;
	s9 =	sld [smem:$0x3FB5]  }
0x2f: {  	lr =	sadd.s32 s0, s3;
	s0 =	sld [smem:$0x3FAC]  }
0x30: {  	s3 =	sld [smem:$0x3FAF]  }
0x31: {  	[smem:$0x3FB8] =	sst s10  }
0x32: {  	s10 =	sld [smem:$0x3FB6];
	_ =	sdelay $0x3  }
0x33: {  	p0 =	seq.s32 s10, $0x1;
	s10 =	sld [smem:$0x3FB8];
	_ =	sdelay $0x3  }
0x34: {  	[smem:$0x3FB8] =	sst s10  }
0x35: {  	s10 =	sld [smem:$0x3FB7];
	_ =	sdelay $0x3  }
0x36: {  	p1 =	seq.s32 s10, $0x1;
	s10 =	sld [smem:$0x3FB8];
	_ =	sdelay $0x3  }
0x37: {  	[smem:$0x3FB8] =	sst s10  }
0x38: {  	s10 =	sld [smem:$0x3FB9]  }
0x39: {  	_ = 	snop;
	(pc) =	sbr.ind lr, $3  }
0x3a: {  	_ = 	snop  }
0x3b: {  	_ = 	snop  }
0x3c: {  	p2 =	seq.s32 s10, $0x1;
	s10 =	sld [smem:$0x3FB8]  }
0x3d: {  	_ =	shalt  }
0x3e: {  	_ =	shalt  }
0x3f: {  	_ =	shalt  }
0x40: {  	_ =	shalt  }
0x41: {  	_ =	shalt  }
0x42: {  	_ =	shalt  }
0x43: {  	_ =	shalt  }
0x44: {  	_ =	shalt  }
0x45: {  	_ =	shalt  }
0x46: {  	_ =	shalt  }
0x47: {  	_ =	shalt  }
0x48: {  	_ =	shalt  }
0x49: {  	_ =	shalt  }
0x4a: {  	_ =	shalt  }
0x4b: {  	_ =	shalt  }
0x4c: {  	_ =	shalt  }
0x4d: {  	_ =	shalt  }
0x4e: {  	_ =	shalt  }
0x4f: {  	_ =	shalt  }
0x50: {  	_ =	shalt  }
0x51: {  	_ =	shalt  }
0x52: {  	_ =	shalt  }
0x53: {  	_ =	shalt  }
0x54: {  	_ =	shalt  }
0x55: {  	_ =	shalt  }
0x56: {  	_ =	shalt  }
0x57: {  	_ =	shalt  }
0x58: {  	_ =	shalt  }
0x59: {  	_ =	shalt  }
0x5a: {  	_ =	shalt  }
0x5b: {  	_ =	shalt  }
0x5c: {  	_ =	shalt  }
0x5d: {  	_ =	shalt  }
0x5e: {  	_ =	shalt  }
0x5f: {  	_ =	shalt  }
0x60: {  	_ =	shalt  }
0x61: {  	_ =	shalt  }
0x62: {  	_ =	shalt  }
0x63: {  	_ =	shalt  }
0x64: {  	_ =	shalt  }
0x65: {  	_ =	shalt  }
0x66: {  	_ =	shalt  }
0x67: {  	_ =	shalt  }
0x68: {  	_ =	shalt  }
0x69: {  	_ =	shalt  }
0x6a: {  	_ =	shalt  }
0x6b: {  	_ =	shalt  }
0x6c: {  	_ =	shalt  }
0x6d: {  	_ =	shalt  }
0x6e: {  	_ =	shalt  }
0x6f: {  	_ =	shalt  }
0x70: {  	_ =	shalt  }
0x71: {  	_ =	shalt  }
0x72: {  	_ =	shalt  }
0x73: {  	_ =	shalt  }
0x74: {  	_ =	shalt  }
0x75: {  	_ =	shalt  }
0x76: {  	_ =	shalt  }
0x77: {  	_ =	shalt  }
0x78: {  	_ =	shalt  }
0x79: {  	_ =	shalt  }
0x7a: {  	_ =	shalt  }
0x7b: {  	_ =	shalt  }
0x7c: {  	_ =	shalt  }
0x7d: {  	_ =	shalt  }
0x7e: {  	_ =	shalt  }
0x7f: {  	_ =	shalt  }
0x80: {  	_ =	shalt  }
0x81: {  	_ =	shalt  }
0x82: {  	_ =	shalt  }
0x83: {  	_ =	shalt  }
0x84: {  	_ =	shalt  }
0x85: {  	_ =	shalt  }
0x86: {  	_ =	shalt  }
0x87: {  	_ =	shalt  }
.Lfunc_end0:
.L_simem_size_0:
called_computation.1_lowered:
.L_overlay_start_0:
0x88: {  	s2 =	sld [smem:$0x3FD9]  }
0x89: {  	s3 =	sld [smem:$0x3FFE];
	_ =	sdelay $0x1  }
0x8a: {  	s1 =	srdreg.scid  }
0x8b: {  	s0 =	sand.u32 $0x1, s1  }
0x8c: {  	s16 =	sshll.u32 s0, $0xA;
	s2 =	sadd.s32 s3, s2  }
0x8d: {  	s2 =	sadd.s32 s2, s16  }
0x8e: {  	[smem:$0x3FC4] =	sst s2  }
0x8f: {  	_ = 	snop  }
0x90: {  	(tm) =	ssettm $0x1  }
0x91: {  	s17 =	sld [smem:$0x3FFB];
	_ =	sdelay $0x3  }
0x92: {  	_ =	strace s17  }
0x93: {  	s2 =	sld [smem:$0x3FFC];
	_ =	sdelay $0x3  }
0x94: {  	_ =	strace s2  }
0x95: {  	s2 =	sld [smem:$0x3FFD];
	_ =	sdelay $0x3  }
0x96: {  	_ =	strace s2  }
0x97: {  	_ =	strace $0x8FFFFFFF  }
0x98: {  	s18 =	sld [smem:$0x3FDB];
	_ =	sdelay $0x1  }
0x99: {  	s19 =	simm.s32 $_scs_section_size  }
0x9a: {  	s4 =	simm.s32 $_size__tile_overlayer_lowered;
	s5 =	simm.s32 $_tile_overlayer_lowered  }
0x9b: {  	s22 =	simm.s32 $0x1BFF;
	s21 =	sshll.u32 s5, $0x1;
	s2 =	sadd.s32 s19, s18  }
0x9c: {  	s6 =	simm.s32 $0x0;
	s20 =	sshll.u32 s4, $0x1;
	s4 =	sadd.s32 s21, s2  }
0x9d: {  	[timem:s6], [sflag:s22] =	dma.local [hbm:s4], s20  }
0x9e: {  	_ =	swait.ge [sflag:s22], s20  }
0x9f: {  	s3 =	ssub.s32 $0x0, s20;
	[sflag:s22] =	ssyncset.done $0x0  }
0xa0: {  	[sflag:s22] =	ssyncadd.s32 s3;
	_ =	sdelay $0x1  }
0xa1: {  	s23 =	simm.s32 $0x1B8B  }
0xa2: {  	_ =	swait.ge [sflag:s23], $0x1  }
0xa3: {  	[sflag:s23] =	ssyncset.done $0x0  }
0xa4: {  	s25 =	simm.s32 $0x1B8E;
	s24 =	sld [smem:$0x3FFE];
	[sflag:s23] =	ssyncadd.s32 $0xFFFFFFFF  }
0xa5: {  	s26 =	simm.s32 $execute0_lowered;
	[smem:$0x3FD2] =	sst s25  }
0xa6: {  	s4 =	sshll.u32 s26, $0x1;
	_ =	strace $0x80000049;
	[dreg:$0x1] =	wrdreg $0xFFFFFFFF  }
0xa7: {  	s28 =	simm.s32 $_size_execute0_lowered;
	s2 =	sadd.s32 s2, s4;
	[dreg:$0x0] =	wrdreg $0x0  }
0xa8: {  	s4 =	sshll.u32 s28, $0x1;
	[dreg:$0x2] =	wrdreg s2  }
0xa9: {  	[dreg:$0x3] =	wrdreg s4  }
0xaa: {  	[dreg:$0x4] =	wrdreg $0xC0  }
0xab: {  	_ =	task [dreg:s6], $0x5FFFF  }
0xac: {  	[dreg:$0x1] =	wrdreg $0xFFFFFFFF  }
0xad: {  	[dreg:$0x0] =	wrdreg $0x60  }
0xae: {  	[dreg:$0x2] =	wrdreg s24  }
0xaf: {  	[dreg:$0x3] =	wrdreg $0x64000  }
0xb0: {  	[dreg:$0x4] =	wrdreg $0x9  }
0xb1: {  	_ =	task.clear_ibuf [dreg:s6], $0x5FFFF;
	_ =	strace $0x90000049  }
0xb2: {  	s29 =	simm.s32 $0x9;
	_ =	strace $0x8000004B  }
0xb3: {  	_ =	swait.ge [sflag:s29], $0x1  }
0xb4: {  	[sflag:s29] =	ssyncadd.s32 $0xFFFFFFFF  }
0xb5: {  	_ =	strace $0x9000004B  }
0xb6: {  	_ =	sfence  }
0xb7: {  	s30 =	sld [smem:$0x0];
	_ =	sdelay $0x2  }
0xb8: {  	s31 =	sshll.u32 s1, $0xD;
	s1 =	sshrl.u32 s1, $0x2  }
0xb9: {  	s3 =	sand.u32 $0x4000, s31;
	s1 =	sadd.s32 s1, s30  }
0xba: {  	s0 =	sor.u32 s3, s0;
	s1 =	sshll.u32 s1, $0x11  }
0xbb: {  	s0 =	sor.u32 s1, s0  }
0xbc: {  	s0 =	sadd.s32 $0x8F2B, s0  }
0xbd: {  	[sflag:s0] =	ssyncadd.remote.s32 $0x1  }
0xbe: {  	_ =	sfence.sel $0xFFFF  }
0xbf: {  	[dreg:$0x0] =	wrdreg $0xFFFFFFFF;
	(pc) =	sbr.abs _section_cstart, $3  }
0xc0: {  	[dreg:$0x1] =	wrdreg $0xFFFFFFFF  }
0xc1: {  	_ =	task.clear_ibuf [dreg:s6], $0x2FFFF;
	_ =	strace $0x9FFFFFFF  }
0xc2: {  	(tm) =	ssettm $0x7FFFFFFF  }
0xc3: {  	_ =	shalt  }
tec
execute0_lowered:
.L_overlay_start_1:
0x0: {  	(tag) =	ssettag $0x1  }
0x1: {  	s0 =	rddreg [dreg:$0x0]  }
0x2: {  	s1 =	srdreg.scid;
	s8 =	stileid.u32  }
0x3: {  	s2 =	rddreg [dreg:$0x1];
	s7 =	smul.u32 $0x18700, s8  }
0x4: {  	s3 =	simm.s32 $0x0;
	s6 =	sshll.u32 s8, $0x1;
	s8 =	smul.u32 $0x61C00, s8  }
0x5: {  	s1 =	sand.u32 $0x1, s1;
	[smem:$0x7FF] =	sst s3  }
0x6: {  	s4 =	smul.u32 $0x187000, s1;
	s24 =	sor.u32 s1, s6;
	s25 =	sshrl.u32 s8, $0x2  }
0x7: {  	s1 =	ssub.s32 $0x2, s1;
	s26 =	smul.u32 $0x3100, s24;
	s6 =	sadd.s32 s25, s2  }
0x8: {  	_ =	strace $0x8000004A;
	s10 =	sshrl.u32 s1, $0x1;
	s30 =	sadd.s32 $0x18000, s6  }
0x9: {  	s1 =	ssub.s32 s1, s10;
	s8 =	sadd.s32 s0, s26;
	[dreg:$0x3] =	wrdreg s30  }
0xa: {  	s1 =	smax.u32 s1, $0x1;
	[dreg:$0x4] =	wrdreg s8  }
0xb: {  	s12 =	sadd.s32 $0x3000, s6;
	[dreg:$0x7] =	wrdreg s1  }
0xc: {  	s13 =	sadd.s32 $0x4000, s6;
	[dreg:$0xa] =	wrdreg s12  }
0xd: {  	s28 =	simm.s32 $0x180;
	s14 =	sadd.s32 $0x5000, s6;
	[dreg:$0xb] =	wrdreg s13  }
0xe: {  	s29 =	simm.s32 $0x0;
	s15 =	sadd.s32 $0x6000, s6;
	[dreg:$0xc] =	wrdreg s14  }
0xf: {  	s4 =	sadd.s32 s7, s4;
	s16 =	sadd.s32 $0x7000, s6;
	[dreg:$0xd] =	wrdreg s15  }
0x10: {  	s10 =	sadd.s32 $0x80, s0;
	s17 =	sadd.s32 $0x8000, s6;
	[dreg:$0xe] =	wrdreg s16  }
0x11: {  	s7 =	sadd.s32 s7, s2;
	s18 =	sadd.s32 $0x9000, s6;
	[dreg:$0xf] =	wrdreg s17  }
0x12: {  	s5 =	sshrl.u32 s4, $0x3;
	s19 =	sadd.s32 $0xA000, s6;
	[dreg:$0x10] =	wrdreg s18  }
0x13: {  	s4 =	sadd.s32 $0x24A200, s0;
	s20 =	sadd.s32 $0xB000, s6;
	[dreg:$0x11] =	wrdreg s19  }
0x14: {  	s21 =	sadd.s32 $0xC000, s6;
	s22 =	sadd.s32 $0xD000, s6;
	[dreg:$0x12] =	wrdreg s20  }
0x15: {  	s23 =	sadd.s32 $0xE000, s6;
	s25 =	sadd.s32 $0x10000, s6;
	[dreg:$0x14] =	wrdreg s21  }
0x16: {  	s26 =	sadd.s32 $0x11000, s6;
	s9 =	sadd.s32 s5, s0;
	[dreg:$0x15] =	wrdreg s22  }
0x17: {  	s5 =	smul.u32 $0xC4, s24;
	s8 =	sadd.s32 $0x40, s8;
	[dreg:$0x16] =	wrdreg s23  }
0x18: {  	s0 =	sshrl.u32 s7, $0x3;
	s24 =	sadd.s32 $0xF000, s6;
	[dreg:$0x18] =	wrdreg s25  }
0x19: {  	[dreg:$0x19] =	wrdreg s26;
	s30 =	sadd.s32 $0x12000, s6;
	s12 =	sadd.s32 $0x15000, s6  }
0x1a: {  	s13 =	sadd.s32 $0x16000, s6;
	s14 =	sadd.s32 $0x17000, s6;
	s15 =	simm.s32 $0x400  }
0x1b: {  	s16 =	simm.s32 $0x3;
	s17 =	simm.s32 $0x2;
	s18 =	simm.s32 $0x4  }
0x1c: {  	s19 =	simm.s32 $0x80;
	s20 =	simm.s32 $0x200;
	[dreg:$0x5] =	wrdreg s8  }
0x1d: {  	s21 =	simm.s32 $0x1;
	s22 =	simm.s32 $0x3400;
	[dreg:$0x13] =	wrdreg s0  }
0x1e: {  	s23 =	simm.s32 $0x280;
	s25 =	simm.s32 $0x300;
	[dreg:$0x17] =	wrdreg s24  }
.Ltmp0:
0x1f: {  	s31 =	sadd.s32 $0x62000, s9;
	[dreg:$0x1a] =	wrdreg s30;
	(pc) =	sbr.rel .LBB2_1-.Ltmp0, $4  }
0x20: {  	s26 =	simm.s32 $0x5400;
	s8 =	sadd.s32 $0x1000, s6;
	[dreg:$0x6] =	wrdreg s31  }
0x21: {  	s9 =	sadd.s32 $0x2000, s6;
	s24 =	simm.s32 $0x4400;
	[dreg:$0x8] =	wrdreg s8  }
0x22: {  	s11 =	sor.u32 $0x1, s5;
	[dreg:$0x9] =	wrdreg s9;
	s31 =	sadd.s32 $0x13000, s6  }
0x23: {  	v0 =	vimm.f32 $0.0e+00;
	s9 =	sadd.s32 $0x14000, s6;
	s8 =	simm.s32 $0x380;
	[dreg:$0x1b] =	wrdreg s31  }
.LBB2_10:
0x24: {  	s0 =	stileid.u32;
	[bflag:$0x0] =	sbarrier.arrive $0xFFFF  }
0x25: {  	s0 =	sshll.u32 s0, $0x6;
	s1 =	rddreg [dreg:$0x6]  }
0x26: {  	s7 =	rddreg [dreg:$0x13];
	s0 =	sor.u32 $0x1C04, s0  }
0x27: {  	[hbm:s1], [sflag:s0] =	dma.local [spmem:s7], $0x30E0  }
0x28: {  	_ =	swait.ge [sflag:s18], $0x30E0  }
0x29: {  	s29 =	sadd.s32 $0x1, s29;
	s31 =	rddreg [dreg:$0x7]  }
0x2a: {  	p0 =	sne.s32 s29, s31  }
.Ltmp1:
0x2b: {  	_ = 	snop;
	(pc) =	sbr.rel @!p0 .LBB2_11-.Ltmp1, $3  }
0x2c: {  	_ =	sdelay $0x1  }
0x2d: {  	[sflag:s18] =	ssyncset.done $0x0  }
0x2e: {  	[sflag:s18] =	ssyncadd.s32 $0xFFFFCF20  }
.LBB2_1:
0x2f: {  	s0 =	simm.s32 $0x80;
	s1 =	simm.s32 $0x0  }
.LBB2_2:
0x30: {  	p0 =	sne.s32 s0, $0x3F80;
	[tilespmem:s1+$0x400] =	vst v0;
	s7 =	smov.u32 s0;
	s0 =	sadd.s32 $0x80, s0  }
.Ltmp2:
0x31: {  	[tilespmem:s1+$0x410] =	vst v0;
	(pc) =	sbr.rel @p0 .LBB2_2-.Ltmp2, $2  }
0x32: {  	_ =	sdelay $0x2  }
0x33: {  	s1 =	sshra.s32 s7, $0x2  }
0x34: {  	[tilespmem:s1+$0x400] =	vst v0  }
0x35: {  	[tilespmem:s1+$0x410] =	vst v0  }
0x36: {  	[spmem:s6] =	stream.linear.scatter [tilespmem:s15], [sflag:$0x3], $0x1000, $0x38;
	[tilespmem:$0x1EB00] =	vst v63  }
0x37: {  	s0 =	rddreg [dreg:$0x8]  }
0x38: {  	[spmem:s0] =	stream.linear.scatter [tilespmem:s15], [sflag:$0x3], $0x1000, $0x38;
	[tilespmem:$0x1EB00] =	vst v63  }
0x39: {  	s1 =	rddreg [dreg:$0x9]  }
0x3a: {  	[spmem:s1] =	stream.linear.scatter [tilespmem:s15], [sflag:$0x3], $0x1000, $0x38;
	[tilespmem:$0x1EB00] =	vst v63  }
0x3b: {  	s7 =	rddreg [dreg:$0xa]  }
0x3c: {  	[spmem:s7] =	stream.linear.scatter [tilespmem:s15], [sflag:$0x3], $0x1000, $0x38;
	[tilespmem:$0x1EB00] =	vst v63  }
0x3d: {  	s31 =	rddreg [dreg:$0xb]  }
0x3e: {  	[spmem:s31] =	stream.linear.scatter [tilespmem:s15], [sflag:$0x3], $0x1000, $0x38;
	[tilespmem:$0x1EB00] =	vst v63  }
0x3f: {  	s1 =	rddreg [dreg:$0xc]  }
0x40: {  	[spmem:s1] =	stream.linear.scatter [tilespmem:s15], [sflag:$0x3], $0x1000, $0x38;
	[tilespmem:$0x1EB00] =	vst v63  }
0x41: {  	s7 =	rddreg [dreg:$0xd]  }
0x42: {  	[spmem:s7] =	stream.linear.scatter [tilespmem:s15], [sflag:$0x3], $0x1000, $0x38;
	[tilespmem:$0x1EB00] =	vst v63  }
0x43: {  	s31 =	rddreg [dreg:$0xe]  }
0x44: {  	[spmem:s31] =	stream.linear.scatter [tilespmem:s15], [sflag:$0x3], $0x1000, $0x38;
	[tilespmem:$0x1EB00] =	vst v63  }
0x45: {  	s1 =	rddreg [dreg:$0xf]  }
0x46: {  	[spmem:s1] =	stream.linear.scatter [tilespmem:s15], [sflag:$0x3], $0x1000, $0x38;
	[tilespmem:$0x1EB00] =	vst v63  }
0x47: {  	s7 =	rddreg [dreg:$0x10]  }
0x48: {  	[spmem:s7] =	stream.linear.scatter [tilespmem:s15], [sflag:$0x3], $0x1000, $0x38;
	[tilespmem:$0x1EB00] =	vst v63  }
0x49: {  	s31 =	rddreg [dreg:$0x11]  }
0x4a: {  	[spmem:s31] =	stream.linear.scatter [tilespmem:s15], [sflag:$0x3], $0x1000, $0x38;
	[tilespmem:$0x1EB00] =	vst v63  }
0x4b: {  	s1 =	rddreg [dreg:$0x12]  }
0x4c: {  	[spmem:s1] =	stream.linear.scatter [tilespmem:s15], [sflag:$0x3], $0x1000, $0x38;
	[tilespmem:$0x1EB00] =	vst v63  }
0x4d: {  	s7 =	rddreg [dreg:$0x14]  }
0x4e: {  	[spmem:s7] =	stream.linear.scatter [tilespmem:s15], [sflag:$0x3], $0x1000, $0x38;
	[tilespmem:$0x1EB00] =	vst v63  }
0x4f: {  	s31 =	rddreg [dreg:$0x15]  }
0x50: {  	[spmem:s31] =	stream.linear.scatter [tilespmem:s15], [sflag:$0x3], $0x1000, $0x38;
	[tilespmem:$0x1EB00] =	vst v63  }
0x51: {  	s1 =	rddreg [dreg:$0x16]  }
0x52: {  	[spmem:s1] =	stream.linear.scatter [tilespmem:s15], [sflag:$0x3], $0x1000, $0x38;
	[tilespmem:$0x1EB00] =	vst v63  }
0x53: {  	s7 =	rddreg [dreg:$0x17]  }
0x54: {  	[spmem:s7] =	stream.linear.scatter [tilespmem:s15], [sflag:$0x3], $0x1000, $0x38;
	[tilespmem:$0x1EB00] =	vst v63  }
0x55: {  	s31 =	rddreg [dreg:$0x18]  }
0x56: {  	[spmem:s31] =	stream.linear.scatter [tilespmem:s15], [sflag:$0x3], $0x1000, $0x38;
	[tilespmem:$0x1EB00] =	vst v63  }
0x57: {  	s1 =	rddreg [dreg:$0x19]  }
0x58: {  	[spmem:s1] =	stream.linear.scatter [tilespmem:s15], [sflag:$0x3], $0x1000, $0x38;
	[tilespmem:$0x1EB00] =	vst v63  }
0x59: {  	s7 =	rddreg [dreg:$0x1a]  }
0x5a: {  	[spmem:s7] =	stream.linear.scatter [tilespmem:s15], [sflag:$0x3], $0x1000, $0x38;
	[tilespmem:$0x1EB00] =	vst v63  }
0x5b: {  	s31 =	rddreg [dreg:$0x1b]  }
0x5c: {  	[spmem:s31] =	stream.linear.scatter [tilespmem:s15], [sflag:$0x3], $0x1000, $0x38;
	[tilespmem:$0x1EB00] =	vst v63  }
0x5d: {  	_ = 	snop  }
0x5e: {  	[spmem:s9] =	stream.linear.scatter [tilespmem:s15], [sflag:$0x3], $0x1000, $0x38;
	[tilespmem:$0x1EB00] =	vst v63  }
0x5f: {  	_ = 	snop  }
0x60: {  	[spmem:s12] =	stream.linear.scatter [tilespmem:s15], [sflag:$0x3], $0x1000, $0x38;
	[tilespmem:$0x1EB00] =	vst v63  }
0x61: {  	_ = 	snop  }
0x62: {  	[spmem:s13] =	stream.linear.scatter [tilespmem:s15], [sflag:$0x3], $0x1000, $0x38;
	[tilespmem:$0x1EB00] =	vst v63  }
0x63: {  	_ = 	snop  }
0x64: {  	[spmem:s14] =	stream.linear.scatter [tilespmem:s15], [sflag:$0x3], $0x1000, $0x38;
	[tilespmem:$0x1EB00] =	vst v63  }
0x65: {  	s1 =	rddreg [dreg:$0x3]  }
0x66: {  	[spmem:s1] =	stream.linear.scatter [tilespmem:s15], [sflag:$0x2], $0x700, $0x38;
	[tilespmem:$0x1EB00] =	vst v63  }
0x67: {  	_ =	swait.ge [sflag:s16], $0x1000  }
0x68: {  	[sflag:s16] =	ssyncset.done $0x0  }
0x69: {  	[sflag:s16] =	ssyncadd.s32 $0xFFFFF000  }
0x6a: {  	_ =	swait.ge [sflag:s16], $0x1000  }
0x6b: {  	[sflag:s16] =	ssyncset.done $0x0  }
0x6c: {  	[sflag:s16] =	ssyncadd.s32 $0xFFFFF000  }
0x6d: {  	_ =	swait.ge [sflag:s16], $0x1000  }
0x6e: {  	[sflag:s16] =	ssyncset.done $0x0  }
0x6f: {  	[sflag:s16] =	ssyncadd.s32 $0xFFFFF000  }
0x70: {  	_ =	swait.ge [sflag:s16], $0x1000  }
0x71: {  	[sflag:s16] =	ssyncset.done $0x0  }
0x72: {  	[sflag:s16] =	ssyncadd.s32 $0xFFFFF000  }
0x73: {  	_ =	swait.ge [sflag:s16], $0x1000  }
0x74: {  	[sflag:s16] =	ssyncset.done $0x0  }
0x75: {  	[sflag:s16] =	ssyncadd.s32 $0xFFFFF000  }
0x76: {  	_ =	swait.ge [sflag:s16], $0x1000  }
0x77: {  	[sflag:s16] =	ssyncset.done $0x0  }
0x78: {  	[sflag:s16] =	ssyncadd.s32 $0xFFFFF000  }
0x79: {  	_ =	swait.ge [sflag:s16], $0x1000  }
0x7a: {  	[sflag:s16] =	ssyncset.done $0x0  }
0x7b: {  	[sflag:s16] =	ssyncadd.s32 $0xFFFFF000  }
0x7c: {  	_ =	swait.ge [sflag:s16], $0x1000  }
0x7d: {  	[sflag:s16] =	ssyncset.done $0x0  }
0x7e: {  	[sflag:s16] =	ssyncadd.s32 $0xFFFFF000  }
0x7f: {  	_ =	swait.ge [sflag:s16], $0x1000  }
0x80: {  	[sflag:s16] =	ssyncset.done $0x0  }
0x81: {  	[sflag:s16] =	ssyncadd.s32 $0xFFFFF000  }
0x82: {  	_ =	swait.ge [sflag:s16], $0x1000  }
0x83: {  	[sflag:s16] =	ssyncset.done $0x0  }
0x84: {  	[sflag:s16] =	ssyncadd.s32 $0xFFFFF000  }
0x85: {  	_ =	swait.ge [sflag:s16], $0x1000  }
0x86: {  	[sflag:s16] =	ssyncset.done $0x0  }
0x87: {  	[sflag:s16] =	ssyncadd.s32 $0xFFFFF000  }
0x88: {  	_ =	swait.ge [sflag:s16], $0x1000  }
0x89: {  	[sflag:s16] =	ssyncset.done $0x0  }
0x8a: {  	[sflag:s16] =	ssyncadd.s32 $0xFFFFF000  }
0x8b: {  	_ =	swait.ge [sflag:s16], $0x1000  }
0x8c: {  	[sflag:s16] =	ssyncset.done $0x0  }
0x8d: {  	[sflag:s16] =	ssyncadd.s32 $0xFFFFF000  }
0x8e: {  	_ =	swait.ge [sflag:s16], $0x1000  }
0x8f: {  	[sflag:s16] =	ssyncset.done $0x0  }
0x90: {  	[sflag:s16] =	ssyncadd.s32 $0xFFFFF000  }
0x91: {  	_ =	swait.ge [sflag:s16], $0x1000  }
0x92: {  	[sflag:s16] =	ssyncset.done $0x0  }
0x93: {  	[sflag:s16] =	ssyncadd.s32 $0xFFFFF000  }
0x94: {  	_ =	swait.ge [sflag:s16], $0x1000  }
0x95: {  	[sflag:s16] =	ssyncset.done $0x0  }
0x96: {  	[sflag:s16] =	ssyncadd.s32 $0xFFFFF000  }
0x97: {  	_ =	swait.ge [sflag:s16], $0x1000  }
0x98: {  	[sflag:s16] =	ssyncset.done $0x0  }
0x99: {  	[sflag:s16] =	ssyncadd.s32 $0xFFFFF000  }
0x9a: {  	_ =	swait.ge [sflag:s16], $0x1000  }
0x9b: {  	[sflag:s16] =	ssyncset.done $0x0  }
0x9c: {  	[sflag:s16] =	ssyncadd.s32 $0xFFFFF000  }
0x9d: {  	_ =	swait.ge [sflag:s16], $0x1000  }
0x9e: {  	[sflag:s16] =	ssyncset.done $0x0  }
0x9f: {  	[sflag:s16] =	ssyncadd.s32 $0xFFFFF000  }
0xa0: {  	_ =	swait.ge [sflag:s16], $0x1000  }
0xa1: {  	[sflag:s16] =	ssyncset.done $0x0  }
0xa2: {  	[sflag:s16] =	ssyncadd.s32 $0xFFFFF000  }
0xa3: {  	_ =	swait.ge [sflag:s16], $0x1000  }
0xa4: {  	[sflag:s16] =	ssyncset.done $0x0  }
0xa5: {  	[sflag:s16] =	ssyncadd.s32 $0xFFFFF000  }
0xa6: {  	_ =	swait.ge [sflag:s16], $0x1000  }
0xa7: {  	[sflag:s16] =	ssyncset.done $0x0  }
0xa8: {  	[sflag:s16] =	ssyncadd.s32 $0xFFFFF000  }
0xa9: {  	_ =	swait.ge [sflag:s16], $0x1000  }
0xaa: {  	[sflag:s16] =	ssyncset.done $0x0  }
0xab: {  	[sflag:s16] =	ssyncadd.s32 $0xFFFFF000  }
0xac: {  	_ =	swait.ge [sflag:s16], $0x1000  }
0xad: {  	[sflag:s16] =	ssyncset.done $0x0  }
0xae: {  	[sflag:s16] =	ssyncadd.s32 $0xFFFFF000  }
0xaf: {  	_ =	swait.ge [sflag:s17], $0x700  }
0xb0: {  	[sflag:s17] =	ssyncset.done $0x0  }
0xb1: {  	[sflag:s17] =	ssyncadd.s32 $0xFFFFF900  }
0xb2: {  	[bflag:$0x0] =	sbarrier.arrive $0xFFFF  }
0xb3: {  	s30 =	simm.s32 $0x0;
	s7 =	rddreg [dreg:$0x4]  }
0xb4: {  	[tilespmem:s30], [sflag:$0x4] =	stream.linear.gather [hbm4b:s7+s30], $0x200, $0x38;
	[tilespmem:$0x1EB00] =	vst v63  }
0xb5: {  	_ =	swait.ge [sflag:s18], $0x200  }
0xb6: {  	[sflag:s18] =	ssyncset.done $0x0  }
0xb7: {  	[sflag:s18] =	ssyncadd.s32 $0xFFFFFE00  }
0xb8: {  	[tilespmem:s15], [sflag:$0x2] =	stream.indirect.gather [hbm4b:s4+s19], $0x20, s30, s19, $0xb8;
	[tilespmem:$0x1EB00] =	vst v63  }
0xb9: {  	s31 =	simm.s32 $0x1400  }
0xba: {  	[tilespmem:s31], [sflag:$0x2] =	stream.indirect.gather [hbm4b:s4+s19], $0x20, s19, s19, $0xb8;
	[tilespmem:$0x1EB00] =	vst v63  }
0xbb: {  	s1 =	simm.s32 $0x100;
	s7 =	simm.s32 $0x2400  }
0xbc: {  	[tilespmem:s7], [sflag:$0x2] =	stream.indirect.gather [hbm4b:s4+s19], $0x20, s1, s19, $0xb8;
	[tilespmem:$0x1EB00] =	vst v63  }
0xbd: {  	s31 =	rddreg [dreg:$0x5]  }
0xbe: {  	[tilespmem:s20], [sflag:$0x1] =	stream.linear.gather [hbm4b:s31+s30], $0x200, $0x38;
	[tilespmem:$0x1EB00] =	vst v63  }
.LBB2_4:
0xbf: {  	_ =	swait.ge [sflag:s17], $0x1000  }
0xc0: {  	[sflag:s17] =	ssyncset.done $0x0  }
0xc1: {  	[sflag:s17] =	ssyncadd.s32 $0xFFFFF000  }
0xc2: {  	_ =	swait.ge [sflag:s17], $0x1000  }
0xc3: {  	[sflag:s17] =	ssyncset.done $0x0  }
0xc4: {  	[sflag:s17] =	ssyncadd.s32 $0xFFFFF000  }
0xc5: {  	_ =	swait.ge [sflag:s17], $0x1000  }
0xc6: {  	[sflag:s17] =	ssyncset.done $0x0  }
0xc7: {  	[sflag:s17] =	ssyncadd.s32 $0xFFFFF000  }
0xc8: {  	_ =	swait.ge [sflag:s21], $0x200  }
0xc9: {  	[sflag:s21] =	ssyncset.done $0x0  }
0xca: {  	[sflag:s21] =	ssyncadd.s32 $0xFFFFFE00  }
0xcb: {  	[tilespmem:s22], [sflag:$0x3] =	stream.indirect.gather [hbm4b:s4+s19], $0x20, s20, s19, $0xb8;
	[tilespmem:$0x1EB00] =	vst v63  }
0xcc: {  	_ = 	snop  }
0xcd: {  	[tilespmem:s24], [sflag:$0x3] =	stream.indirect.gather [hbm4b:s4+s19], $0x20, s23, s19, $0xb8;
	[tilespmem:$0x1EB00] =	vst v63  }
0xce: {  	s31 =	simm.s32 $0xFFFFF000  }
0xcf: {  	[tilespmem:s26], [sflag:$0x3] =	stream.indirect.gather [hbm4b:s4+s19], $0x20, s25, s19, $0xb8;
	[tilespmem:$0x1EB00] =	vst v63  }
0xd0: {  	v1 =	vld [tilespmem:s31+$0x2470]  }
0xd1: {  	v4 =	vld [tilespmem:s31+$0x3410]  }
0xd2: {  	v6 =	vld [tilespmem:s31+$0x2460]  }
0xd3: {  	v8 =	vld [tilespmem:s31+$0x3420]  }
0xd4: {  	v9 =	vld [tilespmem:s31+$0x2430]  }
0xd5: {  	v5 =	vld [tilespmem:s31+$0x2410]  }
0xd6: {  	v7 =	vld [tilespmem:s31+$0x2400]  }
0xd7: {  	v10 =	vld [tilespmem:s31+$0x1400]  }
0xd8: {  	v11 =	vld [tilespmem:s31+$0x1410]  }
0xd9: {  	v12 =	vld [tilespmem:s31+$0x3400]  }
0xda: {  	v3 =	vld [tilespmem:s31+$0x2440]  }
0xdb: {  	v13 =	vld [tilespmem:s31+$0x2450]  }
0xdc: {  	v14 =	vld [tilespmem:s31+$0x1430];
	v7 =	vadd.f32 v7, v10  }
0xdd: {  	v15 =	vld [tilespmem:s31+$0x1460];
	v5 =	vadd.f32 v5, v11  }
0xde: {  	v10 =	vld [tilespmem:s31+$0x2420];
	v7 =	vadd.f32 v12, v7  }
0xdf: {  	v4 =	vadd.f32 v4, v5;
	v12 =	vld [tilespmem:s31+$0x1420]  }
0xe0: {  	v17 =	vld [tilespmem:s31+$0x1450];
	v5 =	vmul.f32 $4.000000000e+00, v7  }
0xe1: {  	v11 =	vld [tilespmem:s31+$0x3430];
	v7 =	vmul.f32 $4.000000000e+00, v4  }
0xe2: {  	v4 =	vld [tilespmem:s31+$0x3460];
	v16 =	vadd.f32 $-4.000000000e+00, v5  }
0xe3: {  	v18 =	vadd.f32 $-4.000000000e+00, v7;
	v5 =	vld [tilespmem:s31+$0x3450]  }
0xe4: {  	v7 =	vld [tilespmem:s31+$0x1470];
	v10 =	vadd.f32 v10, v12;
	v16 =	vmul.f32 $1.442695020e+00, v16  }
0xe5: {  	v2 =	vld [tilespmem:s31+$0x3440];
	v12 =	vadd.f32 v9, v14;
	v18 =	vmul.f32 $1.442695020e+00, v18  }
0xe6: {  	v9 =	vadd.f32 v8, v10;
	v10 =	vadd.f32 v6, v15;
	v6 =	vld [tilespmem:s31+$0x3470];
	(erf) = vpow2.f32 v16  }
0xe7: {  	s0 =	simm.s32 $0xFFFFC200;
	v11 =	vadd.f32 v11, v12;
	v8 =	vld [tilespmem:s31+$0x1440];
	v12 =	vadd.f32 v13, v17;
	(erf) = vpow2.f32 v18  }
.LBB2_5:
0xe8: {  	s1 =	sshra.s32 s0, $0x2;
	p0 =	sne.s32 s0, $0xFFFFFE00;
	s0 =	sadd.s32 $0x200, s0;
	v9 =	vmul.f32 $4.000000000e+00, v9;
	v4 =	vadd.f32 v4, v10  }
0xe9: {  	v10 =	vmul.f32 $4.000000000e+00, v11;
	v5 =	vadd.f32 v5, v12;
	v7 =	vadd.f32 v1, v7;
	v1 =	vld [tilespmem:s1+$0x2470]  }
0xea: {  	v11 =	vld [tilespmem:s1+$0x3410];
	v9 =	vadd.f32 $-4.000000000e+00, v9;
	v4 =	vmul.f32 $4.000000000e+00, v4  }
0xeb: {  	v12 =	vld [tilespmem:s1+$0x2460];
	v10 =	vadd.f32 $-4.000000000e+00, v10;
	v5 =	vmul.f32 $4.000000000e+00, v5;
	v6 =	vadd.f32 v6, v7  }
0xec: {  	v13 =	vld [tilespmem:s1+$0x3420];
	v7 =	vmul.f32 $1.442695020e+00, v9;
	v3 =	vadd.f32 v3, v8;
	v4 =	vadd.f32 $-4.000000000e+00, v4  }
0xed: {  	v8 =	vld [tilespmem:s1+$0x2430];
	v9 =	vmul.f32 $1.442695020e+00, v10;
	v5 =	vadd.f32 $-4.000000000e+00, v5;
	v14 =	vmul.f32 $4.000000000e+00, v6  }
0xee: {  	v10 =	vld [tilespmem:s1+$0x3400];
	v2 =	vadd.f32 v2, v3;
	v3 =	vmul.f32 $1.442695020e+00, v4;
	(erf) = vpow2.f32 v7  }
0xef: {  	v7 =	vld [tilespmem:s1+$0x2410];
	v4 =	vmul.f32 $1.442695020e+00, v5;
	v5 =	vadd.f32 $-4.000000000e+00, v14;
	v6 =	vpop (erf);
	(erf) = vpow2.f32 v9  }
0xf0: {  	v9 =	vld [tilespmem:s1+$0x2400];
	[tilespmem:s31+$0x1400] =	vst v6;
	v2 =	vmul.f32 $4.000000000e+00, v2;
	v6 =	vpop (erf);
	(erf) = vpow2.f32 v3  }
0xf1: {  	v14 =	vld [tilespmem:s1+$0x1400];
	[tilespmem:s31+$0x1410] =	vst v6;
	v5 =	vmul.f32 $1.442695020e+00, v5;
	(erf) = vpow2.f32 v4  }
0xf2: {  	v6 =	vld [tilespmem:s1+$0x1410];
	v4 =	vadd.f32 $-4.000000000e+00, v2  }
0xf3: {  	v3 =	vld [tilespmem:s1+$0x2440];
	(erf) = vpow2.f32 v5  }
0xf4: {  	v2 =	vld [tilespmem:s1+$0x3440];
	v5 =	vmul.f32 $1.442695020e+00, v4  }
0xf5: {  	v4 =	vld [tilespmem:s1+$0x3460]  }
0xf6: {  	v9 =	vadd.f32 v9, v14;
	v14 =	vld [tilespmem:s1+$0x2450];
	(erf) = vpow2.f32 v5  }
0xf7: {  	v5 =	vadd.f32 v7, v6;
	v15 =	vld [tilespmem:s1+$0x3430];
	v6 =	vpop (erf)  }
0xf8: {  	v7 =	vadd.f32 v10, v9;
	v9 =	vld [tilespmem:s1+$0x2420];
	[tilespmem:s31+$0x1420] =	vst v6;
	v6 =	vpop (erf)  }
0xf9: {  	v5 =	vadd.f32 v11, v5;
	v10 =	vld [tilespmem:s1+$0x1420];
	[tilespmem:s31+$0x1430] =	vst v6;
	v6 =	vpop (erf)  }
0xfa: {  	v18 =	vmul.f32 $4.000000000e+00, v7;
	v11 =	vld [tilespmem:s1+$0x1430];
	[tilespmem:s31+$0x1460] =	vst v6;
	v6 =	vpop (erf)  }
0xfb: {  	v5 =	vmul.f32 $4.000000000e+00, v5;
	v16 =	vld [tilespmem:s1+$0x1460];
	[tilespmem:s31+$0x1450] =	vst v6  }
0xfc: {  	v6 =	vadd.f32 $-4.000000000e+00, v18;
	v17 =	vld [tilespmem:s1+$0x1450];
	v7 =	vpop (erf)  }
.Ltmp3:
0xfd: {  	v18 =	vadd.f32 $-4.000000000e+00, v5;
	v5 =	vld [tilespmem:s1+$0x3450];
	[tilespmem:s31+$0x1470] =	vst v7;
	(pc) =	sbr.rel @p0 .LBB2_5-.Ltmp3, $4  }
0xfe: {  	v19 =	vmul.f32 $1.442695020e+00, v6;
	v6 =	vadd.f32 v9, v10;
	v7 =	vld [tilespmem:s1+$0x1470]  }
0xff: {  	v18 =	vmul.f32 $1.442695020e+00, v18;
	v8 =	vadd.f32 v8, v11;
	v11 =	vpop (erf)  }
0x100: {  	v9 =	vadd.f32 v13, v6;
	v10 =	vadd.f32 v12, v16;
	v6 =	vld [tilespmem:s1+$0x3470];
	(erf) = vpow2.f32 v19;
	[tilespmem:s31+$0x1440] =	vst v11;
	s31 =	smov.u32 s1  }
0x101: {  	v11 =	vadd.f32 v15, v8;
	v8 =	vld [tilespmem:s31+$0x1440];
	v12 =	vadd.f32 v14, v17;
	(erf) = vpow2.f32 v18  }
0x102: {  	_ =	sdelay $0x2  }
0x103: {  	v9 =	vmul.f32 $4.000000000e+00, v9;
	v4 =	vadd.f32 v4, v10;
	v1 =	vadd.f32 v1, v7  }
0x104: {  	v7 =	vmul.f32 $4.000000000e+00, v11;
	v5 =	vadd.f32 v5, v12;
	v3 =	vadd.f32 v3, v8  }
0x105: {  	v4 =	vmul.f32 $4.000000000e+00, v4;
	v1 =	vadd.f32 v6, v1;
	v8 =	vadd.f32 $-4.000000000e+00, v9  }
0x106: {  	v6 =	vadd.f32 $-4.000000000e+00, v7;
	v5 =	vmul.f32 $4.000000000e+00, v5;
	v2 =	vadd.f32 v2, v3  }
0x107: {  	v4 =	vadd.f32 $-4.000000000e+00, v4;
	v1 =	vmul.f32 $4.000000000e+00, v1;
	v3 =	vmul.f32 $1.442695020e+00, v8  }
0x108: {  	v6 =	vmul.f32 $1.442695020e+00, v6;
	v5 =	vadd.f32 $-4.000000000e+00, v5;
	v2 =	vmul.f32 $4.000000000e+00, v2  }
0x109: {  	v4 =	vmul.f32 $1.442695020e+00, v4;
	v1 =	vadd.f32 $-4.000000000e+00, v1;
	(erf) = vpow2.f32 v3  }
0x10a: {  	v3 =	vmul.f32 $1.442695020e+00, v5;
	(erf) = vpow2.f32 v6;
	v2 =	vadd.f32 $-4.000000000e+00, v2  }
0x10b: {  	v1 =	vmul.f32 $1.442695020e+00, v1;
	(erf) = vpow2.f32 v4  }
0x10c: {  	(erf) = vpow2.f32 v3;
	v2 =	vmul.f32 $1.442695020e+00, v2  }
0x10d: {  	(erf) = vpow2.f32 v1  }
0x10e: {  	(erf) = vpow2.f32 v2;
	_ =	sdelay $0x1  }
0x10f: {  	v1 =	vpop (erf)  }
0x110: {  	[tilespmem:s31+$0x1400] =	vst v1;
	v2 =	vpop (erf)  }
0x111: {  	[tilespmem:s31+$0x1410] =	vst v2;
	v1 =	vpop (erf)  }
0x112: {  	[tilespmem:s31+$0x1420] =	vst v1;
	v1 =	vpop (erf)  }
0x113: {  	[tilespmem:s31+$0x1430] =	vst v1;
	v1 =	vpop (erf)  }
0x114: {  	[tilespmem:s31+$0x1460] =	vst v1;
	v1 =	vpop (erf)  }
0x115: {  	[tilespmem:s31+$0x1450] =	vst v1;
	v1 =	vpop (erf)  }
0x116: {  	[tilespmem:s31+$0x1470] =	vst v1;
	v1 =	vpop (erf)  }
0x117: {  	[tilespmem:s31+$0x1440] =	vst v1  }
0x118: {  	[spmem:s2] =	stream.indirect.scatter.add.f32 [tilespmem:s15], [sflag:$0x4], $0x20, s28, s19, $0xb8;
	[tilespmem:$0x1EB00] =	vst v63  }
0x119: {  	_ =	swait.ge [sflag:s18], $0x1000  }
0x11a: {  	p0 =	seq.s32 s30, $0x61;
	[sflag:s18] =	ssyncset.done $0x0  }
0x11b: {  	s0 =	simm.s32 @p0 $0x3;
	[sflag:s18] =	ssyncadd.s32 $0xFFFFF000  }
0x11c: {  	_ =	swait.ge @p0 [sflag:s0], $0x1000  }
0x11d: {  	[sflag:s0] =	ssyncset.done @p0 $0x0  }
0x11e: {  	[sflag:s0] =	ssyncadd.s32 @p0 $0xFFFFF000  }
0x11f: {  	_ =	swait.ge @p0 [sflag:s0], $0x1000  }
0x120: {  	[sflag:s0] =	ssyncset.done @p0 $0x0  }
0x121: {  	s31 =	sshll.u32 s30, $0x1;
	[sflag:s0] =	ssyncadd.s32 @p0 $0xFFFFF000  }
0x122: {  	s1 =	sadd.s32 @!p0 s5, s31;
	_ =	swait.ge @p0 [sflag:s0], $0x1000  }
0x123: {  	s1 =	sshll.u32 @!p0 s1, $0x6;
	[sflag:s0] =	ssyncset.done @p0 $0x0  }
0x124: {  	[sflag:s0] =	ssyncadd.s32 @p0 $0xFFFFF000;
	s0 =	sadd.s32 @!p0 s1, s10;
	s1 =	simm.s32 @!p0 $0x0  }
0x125: {  	[tilespmem:s1], [sflag:$0x1] =	stream.linear.gather @!p0 [hbm4b:s0+s1], $0x200, $0x38;
	[tilespmem:$0x1EB00] =	vst v63  }
0x126: {  	s0 =	simm.s32 @!p0 $0x3  }
0x127: {  	_ =	swait.ge @!p0 [sflag:s0], $0x1000  }
0x128: {  	[sflag:s0] =	ssyncset.done @!p0 $0x0  }
0x129: {  	[sflag:s0] =	ssyncadd.s32 @!p0 $0xFFFFF000  }
0x12a: {  	_ =	swait.ge @!p0 [sflag:s0], $0x1000  }
0x12b: {  	[sflag:s0] =	ssyncset.done @!p0 $0x0  }
0x12c: {  	[sflag:s0] =	ssyncadd.s32 @!p0 $0xFFFFF000  }
0x12d: {  	_ =	swait.ge @!p0 [sflag:s0], $0x1000  }
0x12e: {  	[sflag:s0] =	ssyncset.done @!p0 $0x0  }
0x12f: {  	[sflag:s0] =	ssyncadd.s32 @!p0 $0xFFFFF000;
	s0 =	simm.s32 @!p0 $0x1  }
0x130: {  	_ =	swait.ge @!p0 [sflag:s0], $0x200  }
0x131: {  	[sflag:s0] =	ssyncset.done @!p0 $0x0  }
0x132: {  	s7 =	simm.s32 @!p0 $0x400;
	[sflag:s0] =	ssyncadd.s32 @!p0 $0xFFFFFE00;
	s0 =	simm.s32 @!p0 $0x80  }
0x133: {  	[tilespmem:s7], [sflag:$0x2] =	stream.indirect.gather @!p0 [hbm4b:s4+s0], $0x20, s1, s0, $0xb8;
	[tilespmem:$0x1EB00] =	vst v63  }
0x134: {  	s1 =	simm.s32 @!p0 $0x1400  }
0x135: {  	[tilespmem:s1], [sflag:$0x2] =	stream.indirect.gather @!p0 [hbm4b:s4+s0], $0x20, s0, s0, $0xb8;
	[tilespmem:$0x1EB00] =	vst v63  }
0x136: {  	s7 =	simm.s32 @!p0 $0x2400;
	s1 =	simm.s32 @!p0 $0x100  }
0x137: {  	[tilespmem:s7], [sflag:$0x2] =	stream.indirect.gather @!p0 [hbm4b:s4+s0], $0x20, s1, s0, $0xb8;
	[tilespmem:$0x1EB00] =	vst v63  }
0x138: {  	s0 =	simm.s32 $0xFFFFF000  }
0x139: {  	v1 =	vld [tilespmem:s0+$0x5470]  }
0x13a: {  	v4 =	vld [tilespmem:s0+$0x6410]  }
0x13b: {  	v6 =	vld [tilespmem:s0+$0x5460]  }
0x13c: {  	v8 =	vld [tilespmem:s0+$0x6420]  }
0x13d: {  	v9 =	vld [tilespmem:s0+$0x5430]  }
0x13e: {  	v5 =	vld [tilespmem:s0+$0x5410]  }
0x13f: {  	v7 =	vld [tilespmem:s0+$0x5400]  }
0x140: {  	v10 =	vld [tilespmem:s0+$0x4400]  }
0x141: {  	v11 =	vld [tilespmem:s0+$0x4410]  }
0x142: {  	v12 =	vld [tilespmem:s0+$0x6400]  }
0x143: {  	v3 =	vld [tilespmem:s0+$0x5440]  }
0x144: {  	v13 =	vld [tilespmem:s0+$0x5450]  }
0x145: {  	v14 =	vld [tilespmem:s0+$0x4430];
	v7 =	vadd.f32 v7, v10  }
0x146: {  	v15 =	vld [tilespmem:s0+$0x4460];
	v5 =	vadd.f32 v5, v11  }
0x147: {  	v10 =	vld [tilespmem:s0+$0x5420];
	v7 =	vadd.f32 v12, v7  }
0x148: {  	v4 =	vadd.f32 v4, v5;
	v12 =	vld [tilespmem:s0+$0x4420]  }
0x149: {  	v17 =	vld [tilespmem:s0+$0x4450];
	v5 =	vmul.f32 $4.000000000e+00, v7  }
0x14a: {  	v11 =	vld [tilespmem:s0+$0x6430];
	v7 =	vmul.f32 $4.000000000e+00, v4  }
0x14b: {  	v4 =	vld [tilespmem:s0+$0x6460];
	v16 =	vadd.f32 $-4.000000000e+00, v5  }
0x14c: {  	v18 =	vadd.f32 $-4.000000000e+00, v7;
	v5 =	vld [tilespmem:s0+$0x6450]  }
0x14d: {  	v7 =	vld [tilespmem:s0+$0x4470];
	v10 =	vadd.f32 v10, v12;
	v16 =	vmul.f32 $1.442695020e+00, v16  }
0x14e: {  	v2 =	vld [tilespmem:s0+$0x6440];
	v12 =	vadd.f32 v9, v14;
	v18 =	vmul.f32 $1.442695020e+00, v18  }
0x14f: {  	v9 =	vadd.f32 v8, v10;
	v10 =	vadd.f32 v6, v15;
	v6 =	vld [tilespmem:s0+$0x6470];
	(erf) = vpow2.f32 v16  }
0x150: {  	s1 =	simm.s32 $0xFFFFC200;
	v11 =	vadd.f32 v11, v12;
	v8 =	vld [tilespmem:s0+$0x4440];
	v12 =	vadd.f32 v13, v17;
	(erf) = vpow2.f32 v18  }
.LBB2_7:
0x151: {  	s7 =	sshra.s32 s1, $0x2;
	p1 =	sne.s32 s1, $0xFFFFFE00;
	s1 =	sadd.s32 $0x200, s1;
	v9 =	vmul.f32 $4.000000000e+00, v9;
	v4 =	vadd.f32 v4, v10  }
0x152: {  	v10 =	vmul.f32 $4.000000000e+00, v11;
	v5 =	vadd.f32 v5, v12;
	v7 =	vadd.f32 v1, v7;
	v1 =	vld [tilespmem:s7+$0x5470]  }
0x153: {  	v11 =	vld [tilespmem:s7+$0x6410];
	v9 =	vadd.f32 $-4.000000000e+00, v9;
	v4 =	vmul.f32 $4.000000000e+00, v4  }
0x154: {  	v12 =	vld [tilespmem:s7+$0x5460];
	v10 =	vadd.f32 $-4.000000000e+00, v10;
	v5 =	vmul.f32 $4.000000000e+00, v5;
	v6 =	vadd.f32 v6, v7  }
0x155: {  	v13 =	vld [tilespmem:s7+$0x6420];
	v7 =	vmul.f32 $1.442695020e+00, v9;
	v3 =	vadd.f32 v3, v8;
	v4 =	vadd.f32 $-4.000000000e+00, v4  }
0x156: {  	v8 =	vld [tilespmem:s7+$0x5430];
	v9 =	vmul.f32 $1.442695020e+00, v10;
	v5 =	vadd.f32 $-4.000000000e+00, v5;
	v14 =	vmul.f32 $4.000000000e+00, v6  }
0x157: {  	v10 =	vld [tilespmem:s7+$0x6400];
	v2 =	vadd.f32 v2, v3;
	v3 =	vmul.f32 $1.442695020e+00, v4;
	(erf) = vpow2.f32 v7  }
0x158: {  	v7 =	vld [tilespmem:s7+$0x5410];
	v4 =	vmul.f32 $1.442695020e+00, v5;
	v5 =	vadd.f32 $-4.000000000e+00, v14;
	v6 =	vpop (erf);
	(erf) = vpow2.f32 v9  }
0x159: {  	v9 =	vld [tilespmem:s7+$0x5400];
	[tilespmem:s0+$0x4400] =	vst v6;
	v2 =	vmul.f32 $4.000000000e+00, v2;
	v6 =	vpop (erf);
	(erf) = vpow2.f32 v3  }
0x15a: {  	v14 =	vld [tilespmem:s7+$0x4400];
	[tilespmem:s0+$0x4410] =	vst v6;
	v5 =	vmul.f32 $1.442695020e+00, v5;
	(erf) = vpow2.f32 v4  }
0x15b: {  	v6 =	vld [tilespmem:s7+$0x4410];
	v4 =	vadd.f32 $-4.000000000e+00, v2  }
0x15c: {  	v3 =	vld [tilespmem:s7+$0x5440];
	(erf) = vpow2.f32 v5  }
0x15d: {  	v2 =	vld [tilespmem:s7+$0x6440];
	v5 =	vmul.f32 $1.442695020e+00, v4  }
0x15e: {  	v4 =	vld [tilespmem:s7+$0x6460]  }
0x15f: {  	v9 =	vadd.f32 v9, v14;
	v14 =	vld [tilespmem:s7+$0x5450];
	(erf) = vpow2.f32 v5  }
0x160: {  	v5 =	vadd.f32 v7, v6;
	v15 =	vld [tilespmem:s7+$0x6430];
	v6 =	vpop (erf)  }
0x161: {  	v7 =	vadd.f32 v10, v9;
	v9 =	vld [tilespmem:s7+$0x5420];
	[tilespmem:s0+$0x4420] =	vst v6;
	v6 =	vpop (erf)  }
0x162: {  	v5 =	vadd.f32 v11, v5;
	v10 =	vld [tilespmem:s7+$0x4420];
	[tilespmem:s0+$0x4430] =	vst v6;
	v6 =	vpop (erf)  }
0x163: {  	v18 =	vmul.f32 $4.000000000e+00, v7;
	v11 =	vld [tilespmem:s7+$0x4430];
	[tilespmem:s0+$0x4460] =	vst v6;
	v6 =	vpop (erf)  }
0x164: {  	v5 =	vmul.f32 $4.000000000e+00, v5;
	v16 =	vld [tilespmem:s7+$0x4460];
	[tilespmem:s0+$0x4450] =	vst v6  }
0x165: {  	v6 =	vadd.f32 $-4.000000000e+00, v18;
	v17 =	vld [tilespmem:s7+$0x4450];
	v7 =	vpop (erf)  }
.Ltmp4:
0x166: {  	v18 =	vadd.f32 $-4.000000000e+00, v5;
	v5 =	vld [tilespmem:s7+$0x6450];
	[tilespmem:s0+$0x4470] =	vst v7;
	(pc) =	sbr.rel @p1 .LBB2_7-.Ltmp4, $4  }
0x167: {  	v19 =	vmul.f32 $1.442695020e+00, v6;
	v6 =	vadd.f32 v9, v10;
	v7 =	vld [tilespmem:s7+$0x4470]  }
0x168: {  	v18 =	vmul.f32 $1.442695020e+00, v18;
	v8 =	vadd.f32 v8, v11;
	v11 =	vpop (erf)  }
0x169: {  	v9 =	vadd.f32 v13, v6;
	v10 =	vadd.f32 v12, v16;
	v6 =	vld [tilespmem:s7+$0x6470];
	(erf) = vpow2.f32 v19;
	[tilespmem:s0+$0x4440] =	vst v11;
	s0 =	smov.u32 s7  }
0x16a: {  	v11 =	vadd.f32 v15, v8;
	v8 =	vld [tilespmem:s0+$0x4440];
	v12 =	vadd.f32 v14, v17;
	(erf) = vpow2.f32 v18  }
0x16b: {  	_ =	sdelay $0x2  }
0x16c: {  	v9 =	vmul.f32 $4.000000000e+00, v9;
	v4 =	vadd.f32 v4, v10;
	v1 =	vadd.f32 v1, v7  }
0x16d: {  	v61 =	vmul.f32 $4.000000000e+00, v11;
	v5 =	vadd.f32 v5, v12;
	v3 =	vadd.f32 v3, v8  }
0x16e: {  	v62 =	vadd.f32 $-4.000000000e+00, v9;
	v4 =	vmul.f32 $4.000000000e+00, v4;
	v1 =	vadd.f32 v6, v1  }
0x16f: {  	v63 =	vadd.f32 $-4.000000000e+00, v61;
	v5 =	vmul.f32 $4.000000000e+00, v5;
	v2 =	vadd.f32 v2, v3  }
0x170: {  	v4 =	vadd.f32 $-4.000000000e+00, v4;
	v1 =	vmul.f32 $4.000000000e+00, v1;
	v3 =	vmul.f32 $1.442695020e+00, v62  }
0x171: {  	v6 =	vmul.f32 $1.442695020e+00, v63;
	v5 =	vadd.f32 $-4.000000000e+00, v5;
	v2 =	vmul.f32 $4.000000000e+00, v2  }
0x172: {  	v4 =	vmul.f32 $1.442695020e+00, v4;
	v1 =	vadd.f32 $-4.000000000e+00, v1;
	(erf) = vpow2.f32 v3  }
0x173: {  	v3 =	vmul.f32 $1.442695020e+00, v5;
	(erf) = vpow2.f32 v6;
	v2 =	vadd.f32 $-4.000000000e+00, v2  }
0x174: {  	v1 =	vmul.f32 $1.442695020e+00, v1;
	(erf) = vpow2.f32 v4  }
0x175: {  	(erf) = vpow2.f32 v3;
	v2 =	vmul.f32 $1.442695020e+00, v2  }
0x176: {  	(erf) = vpow2.f32 v1  }
0x177: {  	(erf) = vpow2.f32 v2;
	_ =	sdelay $0x1  }
0x178: {  	v1 =	vpop (erf)  }
0x179: {  	[tilespmem:s0+$0x4400] =	vst v1;
	v2 =	vpop (erf)  }
0x17a: {  	[tilespmem:s0+$0x4410] =	vst v2;
	v1 =	vpop (erf)  }
0x17b: {  	[tilespmem:s0+$0x4420] =	vst v1;
	v1 =	vpop (erf)  }
0x17c: {  	[tilespmem:s0+$0x4430] =	vst v1;
	v1 =	vpop (erf)  }
0x17d: {  	[tilespmem:s0+$0x4460] =	vst v1;
	v1 =	vpop (erf)  }
0x17e: {  	[tilespmem:s0+$0x4450] =	vst v1;
	v1 =	vpop (erf)  }
0x17f: {  	[tilespmem:s0+$0x4470] =	vst v1;
	v1 =	vpop (erf)  }
.Ltmp5:
0x180: {  	[tilespmem:s0+$0x4440] =	vst v1;
	(pc) =	sbr.rel @p0 .LBB2_10-.Ltmp5, $4  }
0x181: {  	[spmem:s2] =	stream.indirect.scatter.add.f32 [tilespmem:s22], [sflag:$0x4], $0x20, s8, s19, $0xb8;
	[tilespmem:$0x1EB00] =	vst v63  }
0x182: {  	_ =	swait.ge [sflag:s18], $0x1000  }
0x183: {  	[sflag:s18] =	ssyncset.done $0x0  }
0x184: {  	[sflag:s18] =	ssyncadd.s32 $0xFFFFF000  }
.Ltmp6:
0x185: {  	(pc) =	sbr.rel .LBB2_4-.Ltmp6, $4  }
0x186: {  	s0 =	sadd.s32 s31, s11  }
0x187: {  	s0 =	sshll.u32 s0, $0x6  }
0x188: {  	s30 =	sadd.s32 $0x1, s30;
	s0 =	sadd.s32 s0, s10  }
0x189: {  	[tilespmem:s20], [sflag:$0x1] =	stream.linear.gather [hbm4b:s0+s3], $0x200, $0x38;
	[tilespmem:$0x1EB00] =	vst v63  }
.LBB2_11:
0x18a: {  	_ =	sfence.sel $0x180000  }
0x18b: {  	[bflag:$0x0] =	sbarrier.arrive $0xFFFF  }
0x18c: {  	_ =	strace $0x9000004A  }
0x18d: {  	s0 =	stileid.u32;
	[bflag:$0x2] =	sbarrier.arrive $0xFFFF  }
0x18e: {  	p0 =	sne.s32 s0, $0x0;
	s0 =	rddreg [dreg:$0x2]  }
0x18f: {  	s0 =	sadd.s32 @!p0 $0x100000, s0  }
0x190: {  	[sflag:s0] =	ssyncadd.tile.s32 @!p0 $0x1;
	_ =	shalt  }
.Lfunc_end2:
_tile_overlayer_lowered:
.L_overlay_start_2:
0x191: {  	(tag) =	ssettag $0x2  }
0x192: {  	s0 =	rddreg [dreg:$0x0];
	s2 =	stileid.u32  }
0x193: {  	s1 =	rddreg [dreg:$0x1];
	p0 =	sne.s32 s2, $0x0  }
0x194: {  	s3 =	rddreg [dreg:$0x2];
	[bflag:$0x3] =	sbarrier.arrive $0xFFFF;
	s2 =	simm.s32 @!p0 $0x1C04  }
0x195: {  	[timem:s3], [sflag:s2] =	dma.local @!p0 [hbm:s0], s1  }
0x196: {  	s0 =	simm.s32 @!p0 $0x4  }
0x197: {  	_ =	swait.ge @!p0 [sflag:s0], s1  }
0x198: {  	s1 =	ssub.s32 @!p0 $0x0, s1;
	[sflag:s0] =	ssyncset.done @!p0 $0x0  }
0x199: {  	[sflag:s0] =	ssyncadd.s32 @!p0 s1  }
0x19a: {  	[bflag:$0x3] =	sbarrier.arrive $0xFFFF  }
0x19b: {  	_ =	shalt  }

// kernel: scatter_offload_async_start
scs
__scs_entry_jumppad:
0x0: {  	(pc) =	sbr.rel $0x88, $3  }
0x1: {  	(tag) =	ssettag $0x0;
	lr =	simm.s32 $0x1  }
0x2: {  	[smem:$0x3F9D] =	sst lr;
	_ =	strace $0xD0000000  }
0x3: {  	_ = 	snop  }
0x4: {  	_ = 	snop  }
0x5: {  	_ = 	snop  }
0x6: {  	_ = 	snop  }
0x7: {  	_ = 	snop  }
__scs_overlays_trampoline_lowered:
0x8: {  	[smem:$0x3FAC] =	sst s0  }
0x9: {  	[smem:$0x3FAD] =	sst s1  }
0xa: {  	[smem:$0x3FAE] =	sst s2  }
0xb: {  	[smem:$0x3FAF] =	sst s3  }
0xc: {  	[smem:$0x3FB0] =	sst s4  }
0xd: {  	[smem:$0x3FB1] =	sst s5  }
0xe: {  	[smem:$0x3FB2] =	sst s6  }
0xf: {  	[smem:$0x3FB3] =	sst s7  }
0x10: {  	[smem:$0x3FB4] =	sst s8  }
0x11: {  	[smem:$0x3FB5] =	sst s9;
	s0 =	simm.s32 @!p0 $0x0  }
0x12: {  	s1 =	sld [smem:$0x3F9B];
	s0 =	simm.s32 @p0 $0x1  }
0x13: {  	[smem:$0x3FB6] =	sst s0;
	s0 =	simm.s32 @!p1 $0x0  }
0x14: {  	s2 =	sld [smem:$0x3F9A];
	s0 =	simm.s32 @p1 $0x1  }
0x15: {  	[smem:$0x3FB7] =	sst s0;
	s0 =	simm.s32 @!p2 $0x0  }
0x16: {  	s3 =	sld [smem:$0x3FDB];
	s0 =	simm.s32 @p2 $0x1  }
0x17: {  	s4 =	simm.s32 $0x1BF5;
	[smem:$0x3FB9] =	sst s0  }
0x18: {  	s0 =	sld [smem:$0x3F9C];
	_ =	swait.ge [sflag:s4], $0x0  }
0x19: {  	s7 =	sld [smem:$0x3F9D]  }
0x1a: {  	s8 =	sadd.s32 $0xFFFFE003, lr  }
0x1b: {  	s9 =	sadd.s32 $0xFFFFFEF7, lr;
	s5 =	simm.s32 $0xFFFFFFFF;
	p2 =	slt.u32 s8, $0xFFFFF086  }
0x1c: {  	p1 =	slt.u32 s9, $0xF7A;
	s5 =	simm.s32 @!p2 $0x0  }
0x1d: {  	s5 =	simm.s32 @p1 $0x1;
	p0 =	seq.s32 s7, s2  }
0x1e: {  	s7 =	smul.u32 @!p0 $0xF7A, s2;
	p2 =	seq.s32 @!p0 s5, $0x0  }
0x1f: {  	s9 =	smul.u32 $0xF7A, s1;
	s8 =	simm.s32 @!p0 $0x1BF5;
	p2 =	por !p2, p0  }
0x20: {  	[sflag:s8] =	ssyncset.s32 @!p0 $0xFFFFF086;
	s6 =	sadd.s32 @!p0 s3, s7;
	s7 =	simm.s32 @!p0 $0x108  }
0x21: {  	s3 =	sadd.s32 s3, s9;
	s6 =	sadd.s32 @!p0 $0x88, s6;
	s7 =	simm.s32 @p2 $0x1082  }
0x22: {  	[simem:s7], [sflag:s8] =	dma.local @!p0 [hbm:s6], $0xF7A  }
0x23: {  	s9 =	sor.u32 $0xD0000000, s2;
	s6 =	simm.s32 $0x108;
	_ =	swait.ge @!p0 [sflag:s8], $0x0  }
0x24: {  	s3 =	sadd.s32 $0x88, s3;
	s6 =	simm.s32 @!p1 $0x1082;
	[sflag:s4] =	ssyncset.s32 $0xFFFFF086  }
0x25: {  	[simem:s6], [sflag:s4] =	dma.local [hbm:s3], $0xF7A  }
0x26: {  	[smem:$0x3F9D] =	sst s1;
	(tag) =	ssettag s2;
	_ =	strace s9  }
0x27: {  	s1 =	sld [smem:$0x3FAD]  }
0x28: {  	s2 =	sld [smem:$0x3FAE]  }
0x29: {  	s4 =	sld [smem:$0x3FB0]  }
0x2a: {  	p0 =	seq.s32 s5, $0x0;
	s5 =	sld [smem:$0x3FB1]  }
0x2b: {  	s6 =	sld [smem:$0x3FB2]  }
0x2c: {  	s7 =	sld [smem:$0x3FB3]  }
0x2d: {  	s3 =	simm.s32 $0x108;
	s8 =	sld [smem:$0x3FB4]  }
0x2e: {  	s3 =	simm.s32 @!p0 $0x1082;
	s9 =	sld [smem:$0x3FB5]  }
0x2f: {  	lr =	sadd.s32 s0, s3;
	s0 =	sld [smem:$0x3FAC]  }
0x30: {  	s3 =	sld [smem:$0x3FAF]  }
0x31: {  	[smem:$0x3FB8] =	sst s10  }
0x32: {  	s10 =	sld [smem:$0x3FB6];
	_ =	sdelay $0x3  }
0x33: {  	p0 =	seq.s32 s10, $0x1;
	s10 =	sld [smem:$0x3FB8];
	_ =	sdelay $0x3  }
0x34: {  	[smem:$0x3FB8] =	sst s10  }
0x35: {  	s10 =	sld [smem:$0x3FB7];
	_ =	sdelay $0x3  }
0x36: {  	p1 =	seq.s32 s10, $0x1;
	s10 =	sld [smem:$0x3FB8];
	_ =	sdelay $0x3  }
0x37: {  	[smem:$0x3FB8] =	sst s10  }
0x38: {  	s10 =	sld [smem:$0x3FB9]  }
0x39: {  	_ = 	snop;
	(pc) =	sbr.ind lr, $3  }
0x3a: {  	_ = 	snop  }
0x3b: {  	_ = 	snop  }
0x3c: {  	p2 =	seq.s32 s10, $0x1;
	s10 =	sld [smem:$0x3FB8]  }
0x3d: {  	_ =	shalt  }
0x3e: {  	_ =	shalt  }
0x3f: {  	_ =	shalt  }
0x40: {  	_ =	shalt  }
0x41: {  	_ =	shalt  }
0x42: {  	_ =	shalt  }
0x43: {  	_ =	shalt  }
0x44: {  	_ =	shalt  }
0x45: {  	_ =	shalt  }
0x46: {  	_ =	shalt  }
0x47: {  	_ =	shalt  }
0x48: {  	_ =	shalt  }
0x49: {  	_ =	shalt  }
0x4a: {  	_ =	shalt  }
0x4b: {  	_ =	shalt  }
0x4c: {  	_ =	shalt  }
0x4d: {  	_ =	shalt  }
0x4e: {  	_ =	shalt  }
0x4f: {  	_ =	shalt  }
0x50: {  	_ =	shalt  }
0x51: {  	_ =	shalt  }
0x52: {  	_ =	shalt  }
0x53: {  	_ =	shalt  }
0x54: {  	_ =	shalt  }
0x55: {  	_ =	shalt  }
0x56: {  	_ =	shalt  }
0x57: {  	_ =	shalt  }
0x58: {  	_ =	shalt  }
0x59: {  	_ =	shalt  }
0x5a: {  	_ =	shalt  }
0x5b: {  	_ =	shalt  }
0x5c: {  	_ =	shalt  }
0x5d: {  	_ =	shalt  }
0x5e: {  	_ =	shalt  }
0x5f: {  	_ =	shalt  }
0x60: {  	_ =	shalt  }
0x61: {  	_ =	shalt  }
0x62: {  	_ =	shalt  }
0x63: {  	_ =	shalt  }
0x64: {  	_ =	shalt  }
0x65: {  	_ =	shalt  }
0x66: {  	_ =	shalt  }
0x67: {  	_ =	shalt  }
0x68: {  	_ =	shalt  }
0x69: {  	_ =	shalt  }
0x6a: {  	_ =	shalt  }
0x6b: {  	_ =	shalt  }
0x6c: {  	_ =	shalt  }
0x6d: {  	_ =	shalt  }
0x6e: {  	_ =	shalt  }
0x6f: {  	_ =	shalt  }
0x70: {  	_ =	shalt  }
0x71: {  	_ =	shalt  }
0x72: {  	_ =	shalt  }
0x73: {  	_ =	shalt  }
0x74: {  	_ =	shalt  }
0x75: {  	_ =	shalt  }
0x76: {  	_ =	shalt  }
0x77: {  	_ =	shalt  }
0x78: {  	_ =	shalt  }
0x79: {  	_ =	shalt  }
0x7a: {  	_ =	shalt  }
0x7b: {  	_ =	shalt  }
0x7c: {  	_ =	shalt  }
0x7d: {  	_ =	shalt  }
0x7e: {  	_ =	shalt  }
0x7f: {  	_ =	shalt  }
0x80: {  	_ =	shalt  }
0x81: {  	_ =	shalt  }
0x82: {  	_ =	shalt  }
0x83: {  	_ =	shalt  }
0x84: {  	_ =	shalt  }
0x85: {  	_ =	shalt  }
0x86: {  	_ =	shalt  }
0x87: {  	_ =	shalt  }
.Lfunc_end0:
.L_simem_size_0:
called_computation_lowered:
.L_overlay_start_0:
0x88: {  	s0 =	sld [smem:$0x3FD9]  }
0x89: {  	s1 =	sld [smem:$0x3FFE];
	_ =	sdelay $0x3  }
0x8a: {  	s0 =	sadd.s32 s1, s0  }
0x8b: {  	[smem:$0x3FC4] =	sst s0  }
0x8c: {  	_ = 	snop  }
0x8d: {  	(tm) =	ssettm $0x1  }
0x8e: {  	s15 =	sld [smem:$0x3FFB];
	_ =	sdelay $0x3  }
0x8f: {  	_ =	strace s15  }
0x90: {  	s0 =	sld [smem:$0x3FFC];
	_ =	sdelay $0x3  }
0x91: {  	_ =	strace s0  }
0x92: {  	s0 =	sld [smem:$0x3FFD];
	_ =	sdelay $0x3  }
0x93: {  	_ =	strace s0  }
0x94: {  	_ =	strace $0x8FFFFFFF  }
0x95: {  	s16 =	sld [smem:$0x3FDB];
	_ =	sdelay $0x1  }
0x96: {  	s17 =	simm.s32 $_scs_section_size  }
0x97: {  	s2 =	simm.s32 $_size__tile_overlayer_lowered;
	s3 =	simm.s32 $_tile_overlayer_lowered  }
0x98: {  	s20 =	simm.s32 $0x1BFF;
	s19 =	sshll.u32 s3, $0x1;
	s0 =	sadd.s32 s17, s16  }
0x99: {  	s4 =	simm.s32 $0x0;
	s18 =	sshll.u32 s2, $0x1;
	s2 =	sadd.s32 s19, s0  }
0x9a: {  	[timem:s4], [sflag:s20] =	dma.local [hbm:s2], s18  }
0x9b: {  	_ =	swait.ge [sflag:s20], s18  }
0x9c: {  	s1 =	ssub.s32 $0x0, s18;
	[sflag:s20] =	ssyncset.done $0x0  }
0x9d: {  	[sflag:s20] =	ssyncadd.s32 s1;
	_ =	sdelay $0x1  }
0x9e: {  	s21 =	simm.s32 $0x1B8B  }
0x9f: {  	_ =	swait.ge [sflag:s21], $0x1  }
0xa0: {  	[sflag:s21] =	ssyncset.done $0x0  }
0xa1: {  	s23 =	simm.s32 $0x1B8E;
	s22 =	sld [smem:$0x3FFE];
	[sflag:s21] =	ssyncadd.s32 $0xFFFFFFFF  }
0xa2: {  	s24 =	simm.s32 $execute0_lowered;
	[smem:$0x3FD2] =	sst s23  }
0xa3: {  	s2 =	sshll.u32 s24, $0x1;
	_ =	strace $0x80000046;
	[dreg:$0x1] =	wrdreg $0xFFFFFFFF  }
0xa4: {  	s25 =	simm.s32 $_size_execute0_lowered;
	s0 =	sadd.s32 s0, s2;
	[dreg:$0x0] =	wrdreg $0x0  }
0xa5: {  	s2 =	sshll.u32 s25, $0x1;
	[dreg:$0x2] =	wrdreg s0  }
0xa6: {  	[dreg:$0x3] =	wrdreg s2  }
0xa7: {  	[dreg:$0x4] =	wrdreg $0xC0  }
0xa8: {  	_ =	task [dreg:s4], $0x5FFFF  }
0xa9: {  	[dreg:$0x1] =	wrdreg $0xFFFFFFFF  }
0xaa: {  	[dreg:$0x0] =	wrdreg $0x60  }
0xab: {  	[dreg:$0x2] =	wrdreg s22  }
0xac: {  	[dreg:$0x3] =	wrdreg $0x9  }
0xad: {  	_ =	task.clear_ibuf [dreg:s4], $0x4FFFF;
	_ =	strace $0x90000046  }
0xae: {  	s26 =	simm.s32 $0x9;
	_ =	strace $0x80000048  }
0xaf: {  	_ =	swait.ge [sflag:s26], $0x1  }
0xb0: {  	[sflag:s26] =	ssyncadd.s32 $0xFFFFFFFF  }
0xb1: {  	_ =	strace $0x90000048  }
0xb2: {  	_ =	sfence  }
0xb3: {  	s28 =	sld [smem:$0x0];
	_ =	sdelay $0x1  }
0xb4: {  	s29 =	srdreg.scid  }
0xb5: {  	s30 =	sshll.u32 s29, $0xD;
	s31 =	sshrl.u32 s29, $0x2  }
0xb6: {  	s1 =	sand.u32 $0x1, s29;
	s2 =	sand.u32 $0x4000, s30;
	s0 =	sadd.s32 s31, s28  }
0xb7: {  	s1 =	sor.u32 s2, s1;
	s0 =	sshll.u32 s0, $0x11  }
0xb8: {  	s0 =	sor.u32 s0, s1  }
0xb9: {  	s0 =	sadd.s32 $0x8F2B, s0  }
0xba: {  	[sflag:s0] =	ssyncadd.remote.s32 $0x1  }
0xbb: {  	_ =	sfence.sel $0xFFFF  }
0xbc: {  	[dreg:$0x0] =	wrdreg $0xFFFFFFFF;
	(pc) =	sbr.abs _section_cstart, $3  }
0xbd: {  	[dreg:$0x1] =	wrdreg $0xFFFFFFFF  }
0xbe: {  	_ =	task.clear_ibuf [dreg:s4], $0x2FFFF;
	_ =	strace $0x9FFFFFFF  }
0xbf: {  	(tm) =	ssettm $0x7FFFFFFF  }
tec
execute0_lowered:
.L_overlay_start_1:
0x0: {  	(tag) =	ssettag $0x1  }
0x1: {  	s2 =	rddreg [dreg:$0x0]  }
0x2: {  	s0 =	rddreg [dreg:$0x1]  }
0x3: {  	_ =	strace $0x80000047;
	s4 =	stileid.u32;
	s5 =	simm.s32 $0x3E  }
0x4: {  	s1 =	sadd.s32 $0x32A00, s2;
	p0 =	sne.s32 s4, $0x0;
	[sflag:s5] =	ssyncpa.u1 $0x0  }
0x5: {  	s30 =	smin.u32 s4, $0x9;
	s3 =	simm.s32 @!p0 $0x1C3E;
	s6 =	simm.s32 @!p0 $0x0  }
0x6: {  	[spmem:s6], [sflag:s3] =	dma.local @!p0 [hbm:s1], $0x18700  }
0x7: {  	s3 =	sadd.s32 s4, s30  }
0x8: {  	p1 =	slt.u32 s4, $0x9;
	s4 =	simm.s32 $0xFA0;
	s3 =	smul.u32 $0x7D0, s3  }
0x9: {  	s4 =	simm.s32 @!p1 $0x7D0  }
0xa: {  	s4 =	sadd.s32 s4, s3  }
0xb: {  	s4 =	smin.u32 s4, $0xC350  }
0xc: {  	s7 =	ssub.s32 s4, s3  }
0xd: {  	p1 =	sgt.s32 s7, $0x0  }
0xe: {  	s7 =	simm.s32 @!p1 $0x0  }
0xf: {  	s8 =	sand.u32 $0xFFF0, s7  }
0x10: {  	s8 =	sshrl.u32 s8, $0x4  }
0x11: {  	s6 =	simm.s32 @!p0 $0x3E;
	s31 =	smul.u32 $0x1063, s8  }
0x12: {  	_ =	swait.ge @!p0 [sflag:s6], $0x18700  }
0x13: {  	[sflag:s6] =	ssyncset.done @!p0 $0x0;
	s8 =	sshrl.u32 s31, $0x13  }
0x14: {  	s11 =	simm.s32 $0x0;
	[sflag:s6] =	ssyncadd.s32 @!p0 $0xFFFE7900;
	s9 =	smul.u32 $0x7D0, s8  }
.Ltmp0:
0x15: {  	s6 =	simm.s32 $0x2;
	[bflag:$0x0] =	sbarrier.arrive $0xFFFF;
	(pc) =	sbr.rel .LBB2_1-.Ltmp0, $4  }
0x16: {  	s10 =	smov.u32 s3;
	[sflag:s5] =	ssyncpa.u1 $0x1;
	s5 =	simm.s32 $0x1  }
0x17: {  	[sflag:s5] =	ssyncpa.u1 $0x0;
	p1 =	sne.s32 s7, s9;
	s9 =	simm.s32 $0x1  }
0x18: {  	(ifvalue) =	ssetifvalue $0xC3800;
	[sflag:s6] =	ssyncpa.u1 $0x0;
	s9 =	simm.s32 @!p1 $0x0  }
0x19: {  	vm0 =	vmmov $0xffff;
	s7 =	sadd.s32 $0x4B200, s2;
	s8 =	sadd.s32 s8, s9;
	s9 =	simm.s32 $0x0  }
.LBB2_5:
0x1a: {  	p2 =	sne.s32 s11, s8  }
.Ltmp1:
0x1b: {  	_ = 	snop;
	(pc) =	sbr.rel @!p2 .LBB2_6-.Ltmp1, $4  }
0x1c: {  	_ = 	snop  }
0x1d: {  	s12 =	sadd.s32 $0x7D0, s10  }
0x1e: {  	s10 =	smov.u32 s3;
	s13 =	sadd.s32 $0x1, s11;
	p1 =	slt.s32 s12, s4  }
0x1f: {  	s11 =	smov.u32 s13;
	s10 =	smov.u32 @p1 s12  }
.LBB2_1:
0x20: {  	p1 =	sge.u32 s11, s8  }
0x21: {  	s12 =	sxor.u32 @!p1 $0xFFFFFFFF, s11  }
0x22: {  	s12 =	sand.u32 @!p1 $0x1, s12  }
0x23: {  	s12 =	smul.u32 @!p1 $0x7D0, s12  }
0x24: {  	s13 =	sshrl.u32 @!p1 s10, $0x3  }
0x25: {  	s16 =	sand.u32 @!p1 $0x7, s10;
	s14 =	sadd.s32 @!p1 s2, s13;
	s15 =	sadd.s32 @!p1 $0xC380, s12  }
0x26: {  	[tilespmem:s15], [sflag:$0x2] =	stream.linear.gather @!p1 [hbm4b:s14+s16], $0x7D0, $0x38;
	[tilespmem:$0xE2C0] =	vst v63  }
0x27: {  	s13 =	sadd.s32 @!p1 s7, s13;
	s12 =	sadd.s32 @!p1 $0xD320, s12  }
0x28: {  	[tilespmem:s12], [sflag:$0x2] =	stream.linear.gather @!p1 [hbm4b:s13+s16], $0x7D0, $0x38;
	[tilespmem:$0xE2C0] =	vst v63  }
0x29: {  	p1 =	seq.s32 s11, $0x0  }
.Ltmp2:
0x2a: {  	_ = 	snop;
	(pc) =	sbr.rel @p1 .LBB2_5-.Ltmp2, $1  }
0x2b: {  	_ =	sdelay $0x3  }
0x2c: {  	s12 =	sand.u32 $0x1, s11  }
0x2d: {  	_ =	swait.ge [sflag:s6], $0xFA0;
	p1 =	seq.s32 s12, $0x1;
	s12 =	simm.s32 $0x7D0  }
0x2e: {  	[sflag:s6] =	ssyncset.done $0x0;
	s12 =	simm.s32 @!p1 $0x0  }
0x2f: {  	[sflag:s6] =	ssyncadd.s32 $0xFFFFF060;
	s14 =	sadd.s32 $0xC380, s12  }
0x30: {  	v0 =	vld.msk [tilespmem:s14+$0x0 ss:$0x1], $0xffff;
	_ =	sdelay $0x4  }
0x31: {  	v0 =	vmin.u32 v0, $0xC3800;
	_ =	sdelay $0x3  }
0x32: {  	s13 =	simm.s32 $0x0;
	s12 =	sadd.s32 $0xD320, s12;
	s14 =	sadd.s32 $0x10, s14  }
0x33: {  	[spmem:s9] =	stream.indirect_vreg.scatter.add.s32 [tilespmem:s12], [sflag:$0x1], $0x1, v0, vm0, $0x4038;
	[tilespmem:$0xE2C0] =	vst v63  }
.LBB2_3:
0x34: {  	v0 =	vld.msk [tilespmem:s14+$0x0 ss:$0x1], $0xffff;
	s13 =	sadd.s32 $0x10, s13  }
0x35: {  	p1 =	slt.u32 s13, $0x7C0;
	_ =	sdelay $0x4  }
0x36: {  	v0 =	vmin.u32 v0, $0xC3800  }
.Ltmp3:
0x37: {  	(pc) =	sbr.rel @p1 .LBB2_3-.Ltmp3, $3  }
0x38: {  	_ =	sdelay $0x1  }
0x39: {  	s14 =	sadd.s32 $0x10, s14;
	s12 =	sadd.s32 $0x10, s12  }
0x3a: {  	[spmem:s9] =	stream.indirect_vreg.scatter.add.s32 [tilespmem:s12], [sflag:$0x1], $0x1, v0, vm0, $0x4038;
	[tilespmem:$0xE2C0] =	vst v63  }
.Ltmp4:
0x3b: {  	(pc) =	sbr.rel .LBB2_5-.Ltmp4, $4  }
0x3c: {  	_ = 	snop  }
0x3d: {  	_ =	swait.ge [sflag:s5], $0x7D0  }
0x3e: {  	[sflag:s5] =	ssyncset.done $0x0  }
0x3f: {  	[sflag:s5] =	ssyncadd.s32 $0xFFFFF830  }
.LBB2_6:
0x40: {  	_ =	sfence.sel $0x180000  }
0x41: {  	s2 =	simm.s32 $0x2;
	[bflag:$0x0] =	sbarrier.arrive $0xFFFF  }
0x42: {  	s30 =	simm.s32 $0x1;
	[sflag:s2] =	ssyncpa.u1 $0x1  }
0x43: {  	[sflag:s30] =	ssyncpa.u1 $0x1  }
0x44: {  	_ =	sfence.stream.spmem  }
0x45: {  	s31 =	simm.s32 $0x3D;
	[bflag:$0x0] =	sbarrier.arrive $0xFFFF  }
0x46: {  	s2 =	simm.s32 @p0 $0x3D;
	[sflag:s31] =	ssyncpa.u1 $0x0  }
0x47: {  	[sflag:s2] =	ssyncpa.u1 @p0 $0x1  }
0x48: {  	[bflag:$0x0] =	sbarrier.arrive @p0 $0xFFFF  }
0x49: {  	_ =	strace @p0 $0x90000047  }
0x4a: {  	s3 =	simm.s32 @!p0 $0x1C3D;
	s2 =	simm.s32 @!p0 $0x0;
	[bflag:$0x2] =	sbarrier.arrive @p0 $0xFFFF  }
0x4b: {  	[hbm:s1], [sflag:s3] =	dma.local @!p0 [spmem:s2], $0x18700  }
0x4c: {  	s1 =	simm.s32 @!p0 $0x3D  }
0x4d: {  	_ =	swait.ge @!p0 [sflag:s1], $0x18700  }
0x4e: {  	[sflag:s1] =	ssyncset.done @!p0 $0x0  }
0x4f: {  	[sflag:s1] =	ssyncadd.s32 @!p0 $0xFFFE7900  }
0x50: {  	[sflag:s1] =	ssyncpa.u1 @!p0 $0x1  }
0x51: {  	[bflag:$0x0] =	sbarrier.arrive @!p0 $0xFFFF  }
0x52: {  	_ =	strace @!p0 $0x90000047  }
0x53: {  	s0 =	sadd.s32 @!p0 $0x100000, s0;
	[bflag:$0x2] =	sbarrier.arrive @!p0 $0xFFFF  }
0x54: {  	[sflag:s0] =	ssyncadd.tile.s32 @!p0 $0x1;
	_ =	shalt  }
.Lfunc_end2:
_tile_overlayer_lowered:
.L_overlay_start_2:
0x55: {  	(tag) =	ssettag $0x2  }
0x56: {  	s0 =	rddreg [dreg:$0x0];
	s2 =	stileid.u32  }
0x57: {  	s1 =	rddreg [dreg:$0x1];
	p0 =	sne.s32 s2, $0x0  }
0x58: {  	s3 =	rddreg [dreg:$0x2];
	[bflag:$0x3] =	sbarrier.arrive $0xFFFF;
	s2 =	simm.s32 @!p0 $0x1C01  }
0x59: {  	[timem:s3], [sflag:s2] =	dma.local @!p0 [hbm:s0], s1  }
0x5a: {  	s0 =	simm.s32 @!p0 $0x1  }
0x5b: {  	_ =	swait.ge @!p0 [sflag:s0], s1  }
0x5c: {  	s1 =	ssub.s32 @!p0 $0x0, s1;
	[sflag:s0] =	ssyncset.done @!p0 $0x0  }
0x5d: {  	[sflag:s0] =	ssyncadd.s32 @!p0 s1  }
0x5e: {  	[bflag:$0x3] =	sbarrier.arrive $0xFFFF  }
0x5f: {  	_ =	shalt  }

</sc_bundles>
